<compile_context>
chip_gen: v7x
topology: tpu7x:2x2x1
jax: 0.10.2.dev20260603
libtpu: 0.0.44.dev20260713+nightly
codegen_flags: <defaults>
</compile_context>

<pallas_src>
import functools

import jax
import jax.numpy as jnp
from jax import lax
from jax.experimental import pallas as pl
from jax.experimental.pallas import tpu as pltpu
from jax.experimental.pallas import tpu_sc as plsc

BATCH = 16384
EMBED_DIM = 64
NUM_ENT = 1000000
MAIN_ENT = 999424
SLICE = 249856
TAIL_PAD = 640
REL_PAD = 1024
REL_OFF = MAIN_ENT + TAIL_PAD
SPCOL_SIZE = REL_OFF + REL_PAD
NUM_REL = 1000
NUM_CORES = 2
NUM_SUBCORES = 16
ROWS_PER_TILE = BATCH // NUM_SUBCORES
DIMS_PER_CORE = EMBED_DIM // NUM_CORES
LANES = 16
IDX_CHUNK = 128
NUM_IDX_CHUNKS = ROWS_PER_TILE // IDX_CHUNK
GROUPS_PER_CHUNK = IDX_CHUNK // LANES


def _sc_partials_body(hid_hbm, tid_hbm, rx_hbm, entT_hbm, tailT_hbm,
                      relT_hbm, out_hbm, hid_v, tid_v, rx_v,
                      hbuf, tbuf, rbuf, scores_v, spcol, sem_s, sem_g):
    cid = lax.axis_index("c")
    sid = lax.axis_index("s")

    def stage_refs(j, t):
        if t < 4:
            sl = pl.ds(t * SLICE, SLICE)
            return entT_hbm.at[j, sl], spcol.at[sl]
        if t == 4:
            return tailT_hbm.at[j], spcol.at[pl.ds(MAIN_ENT, TAIL_PAD)]
        return relT_hbm.at[j], spcol.at[pl.ds(REL_OFF, REL_PAD)]

    def issue(j):
        for t in range(6):
            @pl.when(sid == t)
            def _(t=t):
                src, dst = stage_refs(j, t)
                pltpu.async_copy(src, dst, sem_s)

    def drain(j):
        for t in range(6):
            @pl.when(sid == t)
            def _(t=t):
                src, dst = stage_refs(j, t)
                pltpu.make_async_copy(src, dst, sem_s).wait()

    pltpu.sync_copy(hid_hbm.at[sid], hid_v)
    pltpu.sync_copy(tid_hbm.at[sid], tid_v)
    pltpu.sync_copy(rx_hbm.at[sid], rx_v)

    def zinit(g, carry):
        scores_v[pl.ds(g * LANES, LANES)] = jnp.zeros((LANES,), jnp.float32)
        return carry
    lax.fori_loop(0, ROWS_PER_TILE // LANES, zinit, 0)

    j0 = cid * DIMS_PER_CORE
    issue(j0)

    def dim(d, carry):
        j = j0 + d

        drain(j)
        plsc.subcore_barrier()

        copies = []
        for k in range(NUM_IDX_CHUNKS):
            copies.append(pltpu.async_copy(spcol.at[hid_v.at[k]],
                                           hbuf.at[k], sem_g))
            copies.append(pltpu.async_copy(spcol.at[tid_v.at[k]],
                                           tbuf.at[k], sem_g))
            copies.append(pltpu.async_copy(spcol.at[rx_v.at[k]],
                                           rbuf.at[k], sem_g))
        for c in copies:
            c.wait()

        plsc.subcore_barrier()

        @pl.when(d < DIMS_PER_CORE - 1)
        def _prefetch():
            issue(j + 1)

        for k in range(NUM_IDX_CHUNKS):
            for g in range(GROUPS_PER_CHUNK):
                sl = pl.ds(g * LANES, LANES)
                row0 = k * IDX_CHUNK + g * LANES
                scores_v[pl.ds(row0, LANES)] = (
                    scores_v[pl.ds(row0, LANES)]
                    + hbuf[k, sl] * rbuf[k, sl] * tbuf[k, sl])
        return carry

    lax.fori_loop(0, DIMS_PER_CORE, dim, 0)

    pltpu.sync_copy(scores_v, out_hbm.at[cid, sid])


_sc_partials = functools.partial(
    pl.kernel,
    mesh=plsc.VectorSubcoreMesh(core_axis_name="c", subcore_axis_name="s"),
    out_type=jax.ShapeDtypeStruct((NUM_CORES, NUM_SUBCORES, ROWS_PER_TILE),
                                  jnp.float32),
    scratch_types=[
        pltpu.VMEM((NUM_IDX_CHUNKS, IDX_CHUNK), jnp.int32),
        pltpu.VMEM((NUM_IDX_CHUNKS, IDX_CHUNK), jnp.int32),
        pltpu.VMEM((NUM_IDX_CHUNKS, IDX_CHUNK), jnp.int32),
        pltpu.VMEM((NUM_IDX_CHUNKS, IDX_CHUNK), jnp.float32),
        pltpu.VMEM((NUM_IDX_CHUNKS, IDX_CHUNK), jnp.float32),
        pltpu.VMEM((NUM_IDX_CHUNKS, IDX_CHUNK), jnp.float32),
        pltpu.VMEM((ROWS_PER_TILE,), jnp.float32),
        pltpu.VMEM_SHARED((SPCOL_SIZE,), jnp.float32),
        pltpu.SemaphoreType.DMA,
        pltpu.SemaphoreType.DMA,
    ],
    compiler_params=pltpu.CompilerParams(needs_layout_passes=False),
)(_sc_partials_body)


def _softmax_body(x_ref, o_ref):
    scores = x_ref[0] + x_ref[1]
    m = jnp.max(scores)
    e = jnp.exp(scores - m)
    o_ref[...] = e * (1.0 / jnp.sum(e))


_softmax = pl.pallas_call(
    _softmax_body,
    out_shape=jax.ShapeDtypeStruct((128, 128), jnp.float32),
)


def _tiles(x):
    return x.reshape(NUM_SUBCORES, NUM_IDX_CHUNKS, IDX_CHUNK)


def kernel(head_ids, rel_ids, tail_ids, entity_embeddings, relation_embeddings):
    hid = head_ids.astype(jnp.int32)
    rid = rel_ids.astype(jnp.int32)
    tid = tail_ids.astype(jnp.int32)
    entT = entity_embeddings.T
    tailT = jnp.pad(entT[:, MAIN_ENT:],
                    ((0, 0), (0, TAIL_PAD - (NUM_ENT - MAIN_ENT))))
    relT = jnp.pad(relation_embeddings.T, ((0, 0), (0, REL_PAD - NUM_REL)))
    partials = _sc_partials(_tiles(hid), _tiles(tid), _tiles(rid + REL_OFF),
                            entT, tailT, relT)
    return _softmax(partials.reshape(2, 128, 128)).reshape(BATCH)

# --- scband reference (transcript-rebuilt; emitter-appended) ---
"""Pipeline reference for scband-dist-mult-7937099563083 (READ-ONLY COPY).

The authoritative reference and input builder live on the scoring server;
editing this copy changes nothing except your own understanding.
"""

import jax, jax.numpy as jnp
import numpy as np

NUM_ENTITIES = 1000000
NUM_RELATIONS = 1000
EMBED_DIM = 64
BATCH = 16384

def setup_inputs(seed: int = 0) -> dict:
    key = jax.random.key(seed)
    k1, k2, k3, k4, k5 = jax.random.split(key, 5)
    head_ids = jax.random.randint(k1, (BATCH,), 0, NUM_ENTITIES, dtype=jnp.int64) if jax.config.jax_enable_x64 else jax.random.randint(k1, (BATCH,), 0, NUM_ENTITIES).astype(jnp.int32)
    rel_ids = jax.random.randint(k2, (BATCH,), 0, NUM_RELATIONS).astype(jnp.int32)
    tail_ids = jax.random.randint(k3, (BATCH,), 0, NUM_ENTITIES).astype(jnp.int32)
    entity_embeddings = jax.random.normal(k4, (NUM_ENTITIES, EMBED_DIM), dtype=jnp.float32)
    relation_embeddings = jax.random.normal(k5, (NUM_RELATIONS, EMBED_DIM), dtype=jnp.float32)
    return {
        "head_ids": head_ids,
        "rel_ids": rel_ids,
        "tail_ids": tail_ids,
        "entity_embeddings": entity_embeddings,
        "relation_embeddings": relation_embeddings,
    }

def reference(head_ids, rel_ids, tail_ids, entity_embeddings, relation_embeddings):
    # triplets_to_tensors: embedding lookups (gathers)
    h = jnp.take(entity_embeddings, head_ids, axis=0)
    r = jnp.take(relation_embeddings, rel_ids, axis=0)
    t = jnp.take(entity_embeddings, tail_ids, axis=0)
    # DistMult score: sum over embedding dim of elementwise triple product
    scores = jnp.sum(h * r * t, axis=1)
    # F.softmax with no dim on a 1-D tensor -> softmax over dim 0
    return jax.nn.softmax(scores, axis=0)

if __name__ == "__main__":
    import jax
    _d = setup_inputs()
    print(jax.jit(kernel)(*tuple(_d.values())))

</pallas_src>

<mosaic_0001>
#map = affine_map<(d0, d1) -> (0, 0, 0)>
#map1 = affine_map<(d0, d1) -> (0, 0)>
module attributes {stable_mosaic.version = 14 : i64} {
  func.func @_sc_partials_body(%arg0: i32, %arg1: i32, %arg2: memref<16x8x128xi32, #tpu.memory_space<hbm>>, %arg3: memref<16x8x128xi32, #tpu.memory_space<hbm>>, %arg4: memref<16x8x128xi32, #tpu.memory_space<hbm>>, %arg5: memref<64x1000000xf32, #tpu.memory_space<hbm>>, %arg6: memref<64x640xf32, #tpu.memory_space<hbm>>, %arg7: memref<64x1024xf32, #tpu.memory_space<hbm>>, %arg8: memref<2x16x1024xf32, #tpu.memory_space<hbm>>, %arg9: memref<8x128xi32, #tpu.memory_space<vmem>>, %arg10: memref<8x128xi32, #tpu.memory_space<vmem>>, %arg11: memref<8x128xi32, #tpu.memory_space<vmem>>, %arg12: memref<8x128xf32, #tpu.memory_space<vmem>>, %arg13: memref<8x128xf32, #tpu.memory_space<vmem>>, %arg14: memref<8x128xf32, #tpu.memory_space<vmem>>, %arg15: memref<1024xf32, #tpu.memory_space<vmem>>, %arg16: memref<1001088xf32, #tpu.memory_space<vmem_shared>>, %arg17: memref<!tpu.dma_semaphore, #tpu.memory_space<semaphore_mem>>, %arg18: memref<!tpu.dma_semaphore, #tpu.memory_space<semaphore_mem>>) attributes {dimension_semantics = [#tpu.dimension_semantics<core_parallel>, #tpu.dimension_semantics<subcore_parallel>], iteration_bounds = array<i64: 2, 16>, scalar_prefetch = 0 : i64, scratch_operands = 10 : i64, tpu.core_type = #tpu.core_type<sc_vector_subcore>, window_params = [{transform_indices = #map}, {transform_indices = #map}, {transform_indices = #map}, {transform_indices = #map1}, {transform_indices = #map1}, {transform_indices = #map1}, {transform_indices = #map}]} {
    "tpu.region"() ({
      %run_scoped3A = tpu.sem_alloc : memref<!tpu.dma_semaphore, #tpu.memory_space<semaphore_mem>>
      %dma_start3A = arith.constant 0 : i32
      %dma_start3A_39 = arith.constant 0 : i32
      %dma_start3A_40 = tpu.memref_slice %arg2[%arg1, %dma_start3A, %dma_start3A_39] : memref<16x8x128xi32, #tpu.memory_space<hbm>> -> memref<1x8x128xi32, #tpu.memory_space<hbm>>
      %dma_start3A_41 = tpu.memref_squeeze %dma_start3A_40 : memref<1x8x128xi32, #tpu.memory_space<hbm>> -> memref<8x128xi32, #tpu.memory_space<hbm>>
      %dma_start3A_42 = arith.constant 0 : i32
      %dma_start3A_43 = arith.constant 0 : i32
      %dma_start3A_44 = tpu.memref_slice %arg2[%arg1, %dma_start3A_42, %dma_start3A_43] : memref<16x8x128xi32, #tpu.memory_space<hbm>> -> memref<1x8x128xi32, #tpu.memory_space<hbm>>
      %dma_start3A_45 = tpu.memref_squeeze %dma_start3A_44 : memref<1x8x128xi32, #tpu.memory_space<hbm>> -> memref<8x128xi32, #tpu.memory_space<hbm>>
      tpu.enqueue_dma source(%dma_start3A_45 : memref<8x128xi32, #tpu.memory_space<hbm>>) target(%arg9 : memref<8x128xi32, #tpu.memory_space<vmem>>) target_semaphore(%run_scoped3A : memref<!tpu.dma_semaphore, #tpu.memory_space<semaphore_mem>>)
      %dma_wait3A = arith.constant 0 : i32
      %dma_wait3A_46 = arith.constant 0 : i32
      %dma_wait3A_47 = tpu.memref_slice %arg2[%arg1, %dma_wait3A, %dma_wait3A_46] : memref<16x8x128xi32, #tpu.memory_space<hbm>> -> memref<1x8x128xi32, #tpu.memory_space<hbm>>
      %dma_wait3A_48 = tpu.memref_squeeze %dma_wait3A_47 : memref<1x8x128xi32, #tpu.memory_space<hbm>> -> memref<8x128xi32, #tpu.memory_space<hbm>>
      %dma_wait3A_49 = arith.constant 0 : i32
      %dma_wait3A_50 = arith.constant 0 : i32
      %dma_wait3A_51 = tpu.memref_slice %arg2[%arg1, %dma_wait3A_49, %dma_wait3A_50] : memref<16x8x128xi32, #tpu.memory_space<hbm>> -> memref<1x8x128xi32, #tpu.memory_space<hbm>>
      %dma_wait3A_52 = tpu.memref_squeeze %dma_wait3A_51 : memref<1x8x128xi32, #tpu.memory_space<hbm>> -> memref<8x128xi32, #tpu.memory_space<hbm>>
      tpu.wait_dma2 semaphore(%run_scoped3A : memref<!tpu.dma_semaphore, #tpu.memory_space<semaphore_mem>>) src(%dma_wait3A_52 : memref<8x128xi32, #tpu.memory_space<hbm>>) dst(%arg9 : memref<8x128xi32, #tpu.memory_space<vmem>>)
      tpu.yield
    }) : () -> ()
    "tpu.region"() ({
      %run_scoped3A = tpu.sem_alloc : memref<!tpu.dma_semaphore, #tpu.memory_space<semaphore_mem>>
      %dma_start3A = arith.constant 0 : i32
      %dma_start3A_39 = arith.constant 0 : i32
      %dma_start3A_40 = tpu.memref_slice %arg3[%arg1, %dma_start3A, %dma_start3A_39] : memref<16x8x128xi32, #tpu.memory_space<hbm>> -> memref<1x8x128xi32, #tpu.memory_space<hbm>>
      %dma_start3A_41 = tpu.memref_squeeze %dma_start3A_40 : memref<1x8x128xi32, #tpu.memory_space<hbm>> -> memref<8x128xi32, #tpu.memory_space<hbm>>
      %dma_start3A_42 = arith.constant 0 : i32
      %dma_start3A_43 = arith.constant 0 : i32
      %dma_start3A_44 = tpu.memref_slice %arg3[%arg1, %dma_start3A_42, %dma_start3A_43] : memref<16x8x128xi32, #tpu.memory_space<hbm>> -> memref<1x8x128xi32, #tpu.memory_space<hbm>>
      %dma_start3A_45 = tpu.memref_squeeze %dma_start3A_44 : memref<1x8x128xi32, #tpu.memory_space<hbm>> -> memref<8x128xi32, #tpu.memory_space<hbm>>
      tpu.enqueue_dma source(%dma_start3A_45 : memref<8x128xi32, #tpu.memory_space<hbm>>) target(%arg10 : memref<8x128xi32, #tpu.memory_space<vmem>>) target_semaphore(%run_scoped3A : memref<!tpu.dma_semaphore, #tpu.memory_space<semaphore_mem>>)
      %dma_wait3A = arith.constant 0 : i32
      %dma_wait3A_46 = arith.constant 0 : i32
      %dma_wait3A_47 = tpu.memref_slice %arg3[%arg1, %dma_wait3A, %dma_wait3A_46] : memref<16x8x128xi32, #tpu.memory_space<hbm>> -> memref<1x8x128xi32, #tpu.memory_space<hbm>>
      %dma_wait3A_48 = tpu.memref_squeeze %dma_wait3A_47 : memref<1x8x128xi32, #tpu.memory_space<hbm>> -> memref<8x128xi32, #tpu.memory_space<hbm>>
      %dma_wait3A_49 = arith.constant 0 : i32
      %dma_wait3A_50 = arith.constant 0 : i32
      %dma_wait3A_51 = tpu.memref_slice %arg3[%arg1, %dma_wait3A_49, %dma_wait3A_50] : memref<16x8x128xi32, #tpu.memory_space<hbm>> -> memref<1x8x128xi32, #tpu.memory_space<hbm>>
      %dma_wait3A_52 = tpu.memref_squeeze %dma_wait3A_51 : memref<1x8x128xi32, #tpu.memory_space<hbm>> -> memref<8x128xi32, #tpu.memory_space<hbm>>
      tpu.wait_dma2 semaphore(%run_scoped3A : memref<!tpu.dma_semaphore, #tpu.memory_space<semaphore_mem>>) src(%dma_wait3A_52 : memref<8x128xi32, #tpu.memory_space<hbm>>) dst(%arg10 : memref<8x128xi32, #tpu.memory_space<vmem>>)
      tpu.yield
    }) : () -> ()
    "tpu.region"() ({
      %run_scoped3A = tpu.sem_alloc : memref<!tpu.dma_semaphore, #tpu.memory_space<semaphore_mem>>
      %dma_start3A = arith.constant 0 : i32
      %dma_start3A_39 = arith.constant 0 : i32
      %dma_start3A_40 = tpu.memref_slice %arg4[%arg1, %dma_start3A, %dma_start3A_39] : memref<16x8x128xi32, #tpu.memory_space<hbm>> -> memref<1x8x128xi32, #tpu.memory_space<hbm>>
      %dma_start3A_41 = tpu.memref_squeeze %dma_start3A_40 : memref<1x8x128xi32, #tpu.memory_space<hbm>> -> memref<8x128xi32, #tpu.memory_space<hbm>>
      %dma_start3A_42 = arith.constant 0 : i32
      %dma_start3A_43 = arith.constant 0 : i32
      %dma_start3A_44 = tpu.memref_slice %arg4[%arg1, %dma_start3A_42, %dma_start3A_43] : memref<16x8x128xi32, #tpu.memory_space<hbm>> -> memref<1x8x128xi32, #tpu.memory_space<hbm>>
      %dma_start3A_45 = tpu.memref_squeeze %dma_start3A_44 : memref<1x8x128xi32, #tpu.memory_space<hbm>> -> memref<8x128xi32, #tpu.memory_space<hbm>>
      tpu.enqueue_dma source(%dma_start3A_45 : memref<8x128xi32, #tpu.memory_space<hbm>>) target(%arg11 : memref<8x128xi32, #tpu.memory_space<vmem>>) target_semaphore(%run_scoped3A : memref<!tpu.dma_semaphore, #tpu.memory_space<semaphore_mem>>)
      %dma_wait3A = arith.constant 0 : i32
      %dma_wait3A_46 = arith.constant 0 : i32
      %dma_wait3A_47 = tpu.memref_slice %arg4[%arg1, %dma_wait3A, %dma_wait3A_46] : memref<16x8x128xi32, #tpu.memory_space<hbm>> -> memref<1x8x128xi32, #tpu.memory_space<hbm>>
      %dma_wait3A_48 = tpu.memref_squeeze %dma_wait3A_47 : memref<1x8x128xi32, #tpu.memory_space<hbm>> -> memref<8x128xi32, #tpu.memory_space<hbm>>
      %dma_wait3A_49 = arith.constant 0 : i32
      %dma_wait3A_50 = arith.constant 0 : i32
      %dma_wait3A_51 = tpu.memref_slice %arg4[%arg1, %dma_wait3A_49, %dma_wait3A_50] : memref<16x8x128xi32, #tpu.memory_space<hbm>> -> memref<1x8x128xi32, #tpu.memory_space<hbm>>
      %dma_wait3A_52 = tpu.memref_squeeze %dma_wait3A_51 : memref<1x8x128xi32, #tpu.memory_space<hbm>> -> memref<8x128xi32, #tpu.memory_space<hbm>>
      tpu.wait_dma2 semaphore(%run_scoped3A : memref<!tpu.dma_semaphore, #tpu.memory_space<semaphore_mem>>) src(%dma_wait3A_52 : memref<8x128xi32, #tpu.memory_space<hbm>>) dst(%arg11 : memref<8x128xi32, #tpu.memory_space<vmem>>)
      tpu.yield
    }) : () -> ()
    %scan3A = arith.constant 0 : i32
    %scan3A_0 = arith.constant 0 : i32
    %scan3A_1 = arith.constant 64 : i32
    %scan3A_2 = arith.addi %scan3A_0, %scan3A_1 : i32
    %scan3A_3 = arith.constant 1 : i32
    scf.for %scan3A_39 = %scan3A_0 to %scan3A_2 step %scan3A_3  : i32 {
      %broadcast_in_dim3A = arith.constant 0.000000e+00 : f32
      %broadcast_in_dim3A_40 = vector.broadcast %broadcast_in_dim3A : f32 to vector<16xf32>
      %mul3A_41 = arith.constant 16 : i32
      %mul3A_42 = arith.muli %scan3A_39, %mul3A_41 : i32
      %swap3A = arith.index_cast %mul3A_42 : i32 to index
      %swap3A_43 = tpu.vector_load %arg15[%swap3A] {strides = array<i32>} : memref<1024xf32, #tpu.memory_space<vmem>>, vector<16xf32>,
      tpu.vector_store %arg15[%swap3A], %broadcast_in_dim3A_40 {strides = array<i32>} : memref<1024xf32, #tpu.memory_space<vmem>>, vector<16xf32>,
    }
    %scan3A_4 = arith.constant 64 : i32
    %mul3A = arith.constant 32 : i32
    %mul3A_5 = arith.muli %arg0, %mul3A : i32
    %eq3A = arith.constant 0 : i32
    %eq3A_6 = arith.cmpi eq, %arg1, %eq3A : i32
    %convert_element_type3A = arith.extui %eq3A_6 : i1 to i32
    %cond3A = arith.constant 0 : i32
    %cond3A_7 = arith.cmpi ne, %convert_element_type3A, %cond3A : i32
    scf.if %cond3A_7 {
      %dma_start3A = arith.constant 0 : i32
      %dma_start3A_39 = tpu.memref_slice %arg16[%dma_start3A] : memref<1001088xf32, #tpu.memory_space<vmem_shared>> -> memref<249856xf32, #tpu.memory_space<vmem_shared>>
      %dma_start3A_40 = arith.constant 0 : i32
      %dma_start3A_41 = tpu.memref_slice %arg5[%mul3A_5, %dma_start3A_40] : memref<64x1000000xf32, #tpu.memory_space<hbm>> -> memref<1x249856xf32, #tpu.memory_space<hbm>>
      %dma_start3A_42 = tpu.memref_squeeze %dma_start3A_41 : memref<1x249856xf32, #tpu.memory_space<hbm>> -> memref<249856xf32, #tpu.memory_space<hbm>>
      tpu.enqueue_dma source(%dma_start3A_42 : memref<249856xf32, #tpu.memory_space<hbm>>) target(%dma_start3A_39 : memref<249856xf32, #tpu.memory_space<vmem_shared>>) target_semaphore(%arg17 : memref<!tpu.dma_semaphore, #tpu.memory_space<semaphore_mem>>)
    } else {
    }
    %eq3A_8 = arith.constant 1 : i32
    %eq3A_9 = arith.cmpi eq, %arg1, %eq3A_8 : i32
    %convert_element_type3A_10 = arith.extui %eq3A_9 : i1 to i32
    %cond3A_11 = arith.constant 0 : i32
    %cond3A_12 = arith.cmpi ne, %convert_element_type3A_10, %cond3A_11 : i32
    scf.if %cond3A_12 {
      %dma_start3A = arith.constant 249856 : i32
      %dma_start3A_39 = tpu.memref_slice %arg16[%dma_start3A] : memref<1001088xf32, #tpu.memory_space<vmem_shared>> -> memref<249856xf32, #tpu.memory_space<vmem_shared>>
      %dma_start3A_40 = arith.constant 249856 : i32
      %dma_start3A_41 = tpu.memref_slice %arg5[%mul3A_5, %dma_start3A_40] : memref<64x1000000xf32, #tpu.memory_space<hbm>> -> memref<1x249856xf32, #tpu.memory_space<hbm>>
      %dma_start3A_42 = tpu.memref_squeeze %dma_start3A_41 : memref<1x249856xf32, #tpu.memory_space<hbm>> -> memref<249856xf32, #tpu.memory_space<hbm>>
      tpu.enqueue_dma source(%dma_start3A_42 : memref<249856xf32, #tpu.memory_space<hbm>>) target(%dma_start3A_39 : memref<249856xf32, #tpu.memory_space<vmem_shared>>) target_semaphore(%arg17 : memref<!tpu.dma_semaphore, #tpu.memory_space<semaphore_mem>>)
    } else {
    }
    %eq3A_13 = arith.constant 2 : i32
    %eq3A_14 = arith.cmpi eq, %arg1, %eq3A_13 : i32
    %convert_element_type3A_15 = arith.extui %eq3A_14 : i1 to i32
    %cond3A_16 = arith.constant 0 : i32
    %cond3A_17 = arith.cmpi ne, %convert_element_type3A_15, %cond3A_16 : i32
    scf.if %cond3A_17 {
      %dma_start3A = arith.constant 499712 : i32
      %dma_start3A_39 = tpu.memref_slice %arg16[%dma_start3A] : memref<1001088xf32, #tpu.memory_space<vmem_shared>> -> memref<249856xf32, #tpu.memory_space<vmem_shared>>
      %dma_start3A_40 = arith.constant 499712 : i32
      %dma_start3A_41 = tpu.memref_slice %arg5[%mul3A_5, %dma_start3A_40] : memref<64x1000000xf32, #tpu.memory_space<hbm>> -> memref<1x249856xf32, #tpu.memory_space<hbm>>
      %dma_start3A_42 = tpu.memref_squeeze %dma_start3A_41 : memref<1x249856xf32, #tpu.memory_space<hbm>> -> memref<249856xf32, #tpu.memory_space<hbm>>
      tpu.enqueue_dma source(%dma_start3A_42 : memref<249856xf32, #tpu.memory_space<hbm>>) target(%dma_start3A_39 : memref<249856xf32, #tpu.memory_space<vmem_shared>>) target_semaphore(%arg17 : memref<!tpu.dma_semaphore, #tpu.memory_space<semaphore_mem>>)
    } else {
    }
    %eq3A_18 = arith.constant 3 : i32
    %eq3A_19 = arith.cmpi eq, %arg1, %eq3A_18 : i32
    %convert_element_type3A_20 = arith.extui %eq3A_19 : i1 to i32
    %cond3A_21 = arith.constant 0 : i32
    %cond3A_22 = arith.cmpi ne, %convert_element_type3A_20, %cond3A_21 : i32
    scf.if %cond3A_22 {
      %dma_start3A = arith.constant 749568 : i32
      %dma_start3A_39 = tpu.memref_slice %arg16[%dma_start3A] : memref<1001088xf32, #tpu.memory_space<vmem_shared>> -> memref<249856xf32, #tpu.memory_space<vmem_shared>>
      %dma_start3A_40 = arith.constant 749568 : i32
      %dma_start3A_41 = tpu.memref_slice %arg5[%mul3A_5, %dma_start3A_40] : memref<64x1000000xf32, #tpu.memory_space<hbm>> -> memref<1x249856xf32, #tpu.memory_space<hbm>>
      %dma_start3A_42 = tpu.memref_squeeze %dma_start3A_41 : memref<1x249856xf32, #tpu.memory_space<hbm>> -> memref<249856xf32, #tpu.memory_space<hbm>>
      tpu.enqueue_dma source(%dma_start3A_42 : memref<249856xf32, #tpu.memory_space<hbm>>) target(%dma_start3A_39 : memref<249856xf32, #tpu.memory_space<vmem_shared>>) target_semaphore(%arg17 : memref<!tpu.dma_semaphore, #tpu.memory_space<semaphore_mem>>)
    } else {
    }
    %eq3A_23 = arith.constant 4 : i32
    %eq3A_24 = arith.cmpi eq, %arg1, %eq3A_23 : i32
    %convert_element_type3A_25 = arith.extui %eq3A_24 : i1 to i32
    %cond3A_26 = arith.constant 0 : i32
    %cond3A_27 = arith.cmpi ne, %convert_element_type3A_25, %cond3A_26 : i32
    scf.if %cond3A_27 {
      %dma_start3A = arith.constant 999424 : i32
      %dma_start3A_39 = tpu.memref_slice %arg16[%dma_start3A] : memref<1001088xf32, #tpu.memory_space<vmem_shared>> -> memref<640xf32, #tpu.memory_space<vmem_shared>>
      %dma_start3A_40 = arith.constant 0 : i32
      %dma_start3A_41 = tpu.memref_slice %arg6[%mul3A_5, %dma_start3A_40] : memref<64x640xf32, #tpu.memory_space<hbm>> -> memref<1x640xf32, #tpu.memory_space<hbm>>
      %dma_start3A_42 = tpu.memref_squeeze %dma_start3A_41 : memref<1x640xf32, #tpu.memory_space<hbm>> -> memref<640xf32, #tpu.memory_space<hbm>>
      tpu.enqueue_dma source(%dma_start3A_42 : memref<640xf32, #tpu.memory_space<hbm>>) target(%dma_start3A_39 : memref<640xf32, #tpu.memory_space<vmem_shared>>) target_semaphore(%arg17 : memref<!tpu.dma_semaphore, #tpu.memory_space<semaphore_mem>>)
    } else {
    }
    %eq3A_28 = arith.constant 5 : i32
    %eq3A_29 = arith.cmpi eq, %arg1, %eq3A_28 : i32
    %convert_element_type3A_30 = arith.extui %eq3A_29 : i1 to i32
    %cond3A_31 = arith.constant 0 : i32
    %cond3A_32 = arith.cmpi ne, %convert_element_type3A_30, %cond3A_31 : i32
    scf.if %cond3A_32 {
      %dma_start3A = arith.constant 1000064 : i32
      %dma_start3A_39 = tpu.memref_slice %arg16[%dma_start3A] : memref<1001088xf32, #tpu.memory_space<vmem_shared>> -> memref<1024xf32, #tpu.memory_space<vmem_shared>>
      %dma_start3A_40 = arith.constant 0 : i32
      %dma_start3A_41 = tpu.memref_slice %arg7[%mul3A_5, %dma_start3A_40] : memref<64x1024xf32, #tpu.memory_space<hbm>> -> memref<1x1024xf32, #tpu.memory_space<hbm>>
      %dma_start3A_42 = tpu.memref_squeeze %dma_start3A_41 : memref<1x1024xf32, #tpu.memory_space<hbm>> -> memref<1024xf32, #tpu.memory_space<hbm>>
      tpu.enqueue_dma source(%dma_start3A_42 : memref<1024xf32, #tpu.memory_space<hbm>>) target(%dma_start3A_39 : memref<1024xf32, #tpu.memory_space<vmem_shared>>) target_semaphore(%arg17 : memref<!tpu.dma_semaphore, #tpu.memory_space<semaphore_mem>>)
    } else {
    }
    %scan3A_33 = arith.constant 0 : i32
    %scan3A_34 = arith.constant 0 : i32
    %scan3A_35 = arith.constant 32 : i32
    %scan3A_36 = arith.addi %scan3A_34, %scan3A_35 : i32
    %scan3A_37 = arith.constant 1 : i32
    scf.for %scan3A_39 = %scan3A_34 to %scan3A_36 step %scan3A_37  : i32 {
      %add3A = arith.addi %mul3A_5, %scan3A_39 : i32
      %eq3A_40 = arith.constant 0 : i32
      %eq3A_41 = arith.cmpi eq, %arg1, %eq3A_40 : i32
      %convert_element_type3A_42 = arith.extui %eq3A_41 : i1 to i32
      %cond3A_43 = arith.constant 0 : i32
      %cond3A_44 = arith.cmpi ne, %convert_element_type3A_42, %cond3A_43 : i32
      scf.if %cond3A_44 {
        %dma_wait3A_1767 = arith.constant 0 : i32
        %dma_wait3A_1768 = tpu.memref_slice %arg16[%dma_wait3A_1767] : memref<1001088xf32, #tpu.memory_space<vmem_shared>> -> memref<249856xf32, #tpu.memory_space<vmem_shared>>
        %dma_wait3A_1769 = arith.constant 0 : i32
        %dma_wait3A_1770 = tpu.memref_slice %arg5[%add3A, %dma_wait3A_1769] : memref<64x1000000xf32, #tpu.memory_space<hbm>> -> memref<1x249856xf32, #tpu.memory_space<hbm>>
        %dma_wait3A_1771 = tpu.memref_squeeze %dma_wait3A_1770 : memref<1x249856xf32, #tpu.memory_space<hbm>> -> memref<249856xf32, #tpu.memory_space<hbm>>
        tpu.wait_dma2 semaphore(%arg17 : memref<!tpu.dma_semaphore, #tpu.memory_space<semaphore_mem>>) src(%dma_wait3A_1771 : memref<249856xf32, #tpu.memory_space<hbm>>) dst(%dma_wait3A_1768 : memref<249856xf32, #tpu.memory_space<vmem_shared>>)
      } else {
      }
      %eq3A_45 = arith.constant 1 : i32
      %eq3A_46 = arith.cmpi eq, %arg1, %eq3A_45 : i32
      %convert_element_type3A_47 = arith.extui %eq3A_46 : i1 to i32
      %cond3A_48 = arith.constant 0 : i32
      %cond3A_49 = arith.cmpi ne, %convert_element_type3A_47, %cond3A_48 : i32
      scf.if %cond3A_49 {
        %dma_wait3A_1767 = arith.constant 249856 : i32
        %dma_wait3A_1768 = tpu.memref_slice %arg16[%dma_wait3A_1767] : memref<1001088xf32, #tpu.memory_space<vmem_shared>> -> memref<249856xf32, #tpu.memory_space<vmem_shared>>
        %dma_wait3A_1769 = arith.constant 249856 : i32
        %dma_wait3A_1770 = tpu.memref_slice %arg5[%add3A, %dma_wait3A_1769] : memref<64x1000000xf32, #tpu.memory_space<hbm>> -> memref<1x249856xf32, #tpu.memory_space<hbm>>
        %dma_wait3A_1771 = tpu.memref_squeeze %dma_wait3A_1770 : memref<1x249856xf32, #tpu.memory_space<hbm>> -> memref<249856xf32, #tpu.memory_space<hbm>>
        tpu.wait_dma2 semaphore(%arg17 : memref<!tpu.dma_semaphore, #tpu.memory_space<semaphore_mem>>) src(%dma_wait3A_1771 : memref<249856xf32, #tpu.memory_space<hbm>>) dst(%dma_wait3A_1768 : memref<249856xf32, #tpu.memory_space<vmem_shared>>)
      } else {
      }
      %eq3A_50 = arith.constant 2 : i32
      %eq3A_51 = arith.cmpi eq, %arg1, %eq3A_50 : i32
      %convert_element_type3A_52 = arith.extui %eq3A_51 : i1 to i32
      %cond3A_53 = arith.constant 0 : i32
      %cond3A_54 = arith.cmpi ne, %convert_element_type3A_52, %cond3A_53 : i32
      scf.if %cond3A_54 {
        %dma_wait3A_1767 = arith.constant 499712 : i32
        %dma_wait3A_1768 = tpu.memref_slice %arg16[%dma_wait3A_1767] : memref<1001088xf32, #tpu.memory_space<vmem_shared>> -> memref<249856xf32, #tpu.memory_space<vmem_shared>>
        %dma_wait3A_1769 = arith.constant 499712 : i32
        %dma_wait3A_1770 = tpu.memref_slice %arg5[%add3A, %dma_wait3A_1769] : memref<64x1000000xf32, #tpu.memory_space<hbm>> -> memref<1x249856xf32, #tpu.memory_space<hbm>>
        %dma_wait3A_1771 = tpu.memref_squeeze %dma_wait3A_1770 : memref<1x249856xf32, #tpu.memory_space<hbm>> -> memref<249856xf32, #tpu.memory_space<hbm>>
        tpu.wait_dma2 semaphore(%arg17 : memref<!tpu.dma_semaphore, #tpu.memory_space<semaphore_mem>>) src(%dma_wait3A_1771 : memref<249856xf32, #tpu.memory_space<hbm>>) dst(%dma_wait3A_1768 : memref<249856xf32, #tpu.memory_space<vmem_shared>>)
      } else {
      }
      %eq3A_55 = arith.constant 3 : i32
      %eq3A_56 = arith.cmpi eq, %arg1, %eq3A_55 : i32
      %convert_element_type3A_57 = arith.extui %eq3A_56 : i1 to i32
      %cond3A_58 = arith.constant 0 : i32
      %cond3A_59 = arith.cmpi ne, %convert_element_type3A_57, %cond3A_58 : i32
      scf.if %cond3A_59 {
        %dma_wait3A_1767 = arith.constant 749568 : i32
        %dma_wait3A_1768 = tpu.memref_slice %arg16[%dma_wait3A_1767] : memref<1001088xf32, #tpu.memory_space<vmem_shared>> -> memref<249856xf32, #tpu.memory_space<vmem_shared>>
        %dma_wait3A_1769 = arith.constant 749568 : i32
        %dma_wait3A_1770 = tpu.memref_slice %arg5[%add3A, %dma_wait3A_1769] : memref<64x1000000xf32, #tpu.memory_space<hbm>> -> memref<1x249856xf32, #tpu.memory_space<hbm>>
        %dma_wait3A_1771 = tpu.memref_squeeze %dma_wait3A_1770 : memref<1x249856xf32, #tpu.memory_space<hbm>> -> memref<249856xf32, #tpu.memory_space<hbm>>
        tpu.wait_dma2 semaphore(%arg17 : memref<!tpu.dma_semaphore, #tpu.memory_space<semaphore_mem>>) src(%dma_wait3A_1771 : memref<249856xf32, #tpu.memory_space<hbm>>) dst(%dma_wait3A_1768 : memref<249856xf32, #tpu.memory_space<vmem_shared>>)
      } else {
      }
      %eq3A_60 = arith.constant 4 : i32
      %eq3A_61 = arith.cmpi eq, %arg1, %eq3A_60 : i32
      %convert_element_type3A_62 = arith.extui %eq3A_61 : i1 to i32
      %cond3A_63 = arith.constant 0 : i32
      %cond3A_64 = arith.cmpi ne, %convert_element_type3A_62, %cond3A_63 : i32
      scf.if %cond3A_64 {
        %dma_wait3A_1767 = arith.constant 999424 : i32
        %dma_wait3A_1768 = tpu.memref_slice %arg16[%dma_wait3A_1767] : memref<1001088xf32, #tpu.memory_space<vmem_shared>> -> memref<640xf32, #tpu.memory_space<vmem_shared>>
        %dma_wait3A_1769 = arith.constant 0 : i32
        %dma_wait3A_1770 = tpu.memref_slice %arg6[%add3A, %dma_wait3A_1769] : memref<64x640xf32, #tpu.memory_space<hbm>> -> memref<1x640xf32, #tpu.memory_space<hbm>>
        %dma_wait3A_1771 = tpu.memref_squeeze %dma_wait3A_1770 : memref<1x640xf32, #tpu.memory_space<hbm>> -> memref<640xf32, #tpu.memory_space<hbm>>
        tpu.wait_dma2 semaphore(%arg17 : memref<!tpu.dma_semaphore, #tpu.memory_space<semaphore_mem>>) src(%dma_wait3A_1771 : memref<640xf32, #tpu.memory_space<hbm>>) dst(%dma_wait3A_1768 : memref<640xf32, #tpu.memory_space<vmem_shared>>)
      } else {
      }
      %eq3A_65 = arith.constant 5 : i32
      %eq3A_66 = arith.cmpi eq, %arg1, %eq3A_65 : i32
      %convert_element_type3A_67 = arith.extui %eq3A_66 : i1 to i32
      %cond3A_68 = arith.constant 0 : i32
      %cond3A_69 = arith.cmpi ne, %convert_element_type3A_67, %cond3A_68 : i32
      scf.if %cond3A_69 {
        %dma_wait3A_1767 = arith.constant 1000064 : i32
        %dma_wait3A_1768 = tpu.memref_slice %arg16[%dma_wait3A_1767] : memref<1001088xf32, #tpu.memory_space<vmem_shared>> -> memref<1024xf32, #tpu.memory_space<vmem_shared>>
        %dma_wait3A_1769 = arith.constant 0 : i32
        %dma_wait3A_1770 = tpu.memref_slice %arg7[%add3A, %dma_wait3A_1769] : memref<64x1024xf32, #tpu.memory_space<hbm>> -> memref<1x1024xf32, #tpu.memory_space<hbm>>
        %dma_wait3A_1771 = tpu.memref_squeeze %dma_wait3A_1770 : memref<1x1024xf32, #tpu.memory_space<hbm>> -> memref<1024xf32, #tpu.memory_space<hbm>>
        tpu.wait_dma2 semaphore(%arg17 : memref<!tpu.dma_semaphore, #tpu.memory_space<semaphore_mem>>) src(%dma_wait3A_1771 : memref<1024xf32, #tpu.memory_space<hbm>>) dst(%dma_wait3A_1768 : memref<1024xf32, #tpu.memory_space<vmem_shared>>)
      } else {
      }
      %barrier3A = arith.constant 0 : index
      tpu.barrier barrier_id(%barrier3A)
      %dma_start3A = arith.constant 0 : i32
      %dma_start3A_70 = arith.constant 0 : i32
      %dma_start3A_71 = arith.constant 0 : i32
      %dma_start3A_72 = tpu.memref_slice %arg12[%dma_start3A_70, %dma_start3A_71] : memref<8x128xf32, #tpu.memory_space<vmem>> -> memref<1x128xf32, #tpu.memory_space<vmem>>
      %dma_start3A_73 = tpu.memref_squeeze %dma_start3A_72 : memref<1x128xf32, #tpu.memory_space<vmem>> -> memref<128xf32, #tpu.memory_space<vmem>>
      %dma_start3A_74 = arith.constant 0 : i32
      %dma_start3A_75 = tpu.memref_slice %arg9[%dma_start3A, %dma_start3A_74] : memref<8x128xi32, #tpu.memory_space<vmem>> -> memref<1x128xi32, #tpu.memory_space<vmem>>
      %dma_start3A_76 = tpu.memref_squeeze %dma_start3A_75 : memref<1x128xi32, #tpu.memory_space<vmem>> -> memref<128xi32, #tpu.memory_space<vmem>>
      %dma_start3A_77 = arith.constant 0 : i32
      %dma_start3A_78 = tpu.memref_slice %arg16[%dma_start3A_77] : memref<1001088xf32, #tpu.memory_space<vmem_shared>> -> memref<1001088xf32, #tpu.memory_space<vmem_shared>>
      tpu.enqueue_indirect_dma source(%dma_start3A_78 : memref<1001088xf32, #tpu.memory_space<vmem_shared>>) target(%dma_start3A_73 : memref<128xf32, #tpu.memory_space<vmem>>) offsets(%dma_start3A_76 : memref<128xi32, #tpu.memory_space<vmem>>) semaphore(%arg18 : memref<!tpu.dma_semaphore, #tpu.memory_space<semaphore_mem>>)
      %dma_start3A_79 = arith.constant 0 : i32
      %dma_start3A_80 = arith.constant 0 : i32
      %dma_start3A_81 = arith.constant 0 : i32
      %dma_start3A_82 = tpu.memref_slice %arg13[%dma_start3A_80, %dma_start3A_81] : memref<8x128xf32, #tpu.memory_space<vmem>> -> memref<1x128xf32, #tpu.memory_space<vmem>>
      %dma_start3A_83 = tpu.memref_squeeze %dma_start3A_82 : memref<1x128xf32, #tpu.memory_space<vmem>> -> memref<128xf32, #tpu.memory_space<vmem>>
      %dma_start3A_84 = arith.constant 0 : i32
      %dma_start3A_85 = tpu.memref_slice %arg10[%dma_start3A_79, %dma_start3A_84] : memref<8x128xi32, #tpu.memory_space<vmem>> -> memref<1x128xi32, #tpu.memory_space<vmem>>
      %dma_start3A_86 = tpu.memref_squeeze %dma_start3A_85 : memref<1x128xi32, #tpu.memory_space<vmem>> -> memref<128xi32, #tpu.memory_space<vmem>>
      %dma_start3A_87 = arith.constant 0 : i32
      %dma_start3A_88 = tpu.memref_slice %arg16[%dma_start3A_87] : memref<1001088xf32, #tpu.memory_space<vmem_shared>> -> memref<1001088xf32, #tpu.memory_space<vmem_shared>>
      tpu.enqueue_indirect_dma source(%dma_start3A_88 : memref<1001088xf32, #tpu.memory_space<vmem_shared>>) target(%dma_start3A_83 : memref<128xf32, #tpu.memory_space<vmem>>) offsets(%dma_start3A_86 : memref<128xi32, #tpu.memory_space<vmem>>) semaphore(%arg18 : memref<!tpu.dma_semaphore, #tpu.memory_space<semaphore_mem>>)
      %dma_start3A_89 = arith.constant 0 : i32
      %dma_start3A_90 = arith.constant 0 : i32
      %dma_start3A_91 = arith.constant 0 : i32
      %dma_start3A_92 = tpu.memref_slice %arg14[%dma_start3A_90, %dma_start3A_91] : memref<8x128xf32, #tpu.memory_space<vmem>> -> memref<1x128xf32, #tpu.memory_space<vmem>>
      %dma_start3A_93 = tpu.memref_squeeze %dma_start3A_92 : memref<1x128xf32, #tpu.memory_space<vmem>> -> memref<128xf32, #tpu.memory_space<vmem>>
      %dma_start3A_94 = arith.constant 0 : i32
      %dma_start3A_95 = tpu.memref_slice %arg11[%dma_start3A_89, %dma_start3A_94] : memref<8x128xi32, #tpu.memory_space<vmem>> -> memref<1x128xi32, #tpu.memory_space<vmem>>
      %dma_start3A_96 = tpu.memref_squeeze %dma_start3A_95 : memref<1x128xi32, #tpu.memory_space<vmem>> -> memref<128xi32, #tpu.memory_space<vmem>>
      %dma_start3A_97 = arith.constant 0 : i32
      %dma_start3A_98 = tpu.memref_slice %arg16[%dma_start3A_97] : memref<1001088xf32, #tpu.memory_space<vmem_shared>> -> memref<1001088xf32, #tpu.memory_space<vmem_shared>>
      tpu.enqueue_indirect_dma source(%dma_start3A_98 : memref<1001088xf32, #tpu.memory_space<vmem_shared>>) target(%dma_start3A_93 : memref<128xf32, #tpu.memory_space<vmem>>) offsets(%dma_start3A_96 : memref<128xi32, #tpu.memory_space<vmem>>) semaphore(%arg18 : memref<!tpu.dma_semaphore, #tpu.memory_space<semaphore_mem>>)
      %dma_start3A_99 = arith.constant 1 : i32
      %dma_start3A_100 = arith.constant 1 : i32
      %dma_start3A_101 = arith.constant 0 : i32
      %dma_start3A_102 = tpu.memref_slice %arg12[%dma_start3A_100, %dma_start3A_101] : memref<8x128xf32, #tpu.memory_space<vmem>> -> memref<1x128xf32, #tpu.memory_space<vmem>>
      %dma_start3A_103 = tpu.memref_squeeze %dma_start3A_102 : memref<1x128xf32, #tpu.memory_space<vmem>> -> memref<128xf32, #tpu.memory_space<vmem>>
      %dma_start3A_104 = arith.constant 0 : i32
      %dma_start3A_105 = tpu.memref_slice %arg9[%dma_start3A_99, %dma_start3A_104] : memref<8x128xi32, #tpu.memory_space<vmem>> -> memref<1x128xi32, #tpu.memory_space<vmem>>
      %dma_start3A_106 = tpu.memref_squeeze %dma_start3A_105 : memref<1x128xi32, #tpu.memory_space<vmem>> -> memref<128xi32, #tpu.memory_space<vmem>>
      %dma_start3A_107 = arith.constant 0 : i32
      %dma_start3A_108 = tpu.memref_slice %arg16[%dma_start3A_107] : memref<1001088xf32, #tpu.memory_space<vmem_shared>> -> memref<1001088xf32, #tpu.memory_space<vmem_shared>>
      tpu.enqueue_indirect_dma source(%dma_start3A_108 : memref<1001088xf32, #tpu.memory_space<vmem_shared>>) target(%dma_start3A_103 : memref<128xf32, #tpu.memory_space<vmem>>) offsets(%dma_start3A_106 : memref<128xi32, #tpu.memory_space<vmem>>) semaphore(%arg18 : memref<!tpu.dma_semaphore, #tpu.memory_space<semaphore_mem>>)
      %dma_start3A_109 = arith.constant 1 : i32
      %dma_start3A_110 = arith.constant 1 : i32
      %dma_start3A_111 = arith.constant 0 : i32
      %dma_start3A_112 = tpu.memref_slice %arg13[%dma_start3A_110, %dma_start3A_111] : memref<8x128xf32, #tpu.memory_space<vmem>> -> memref<1x128xf32, #tpu.memory_space<vmem>>
      %dma_start3A_113 = tpu.memref_squeeze %dma_start3A_112 : memref<1x128xf32, #tpu.memory_space<vmem>> -> memref<128xf32, #tpu.memory_space<vmem>>
      %dma_start3A_114 = arith.constant 0 : i32
      %dma_start3A_115 = tpu.memref_slice %arg10[%dma_start3A_109, %dma_start3A_114] : memref<8x128xi32, #tpu.memory_space<vmem>> -> memref<1x128xi32, #tpu.memory_space<vmem>>
      %dma_start3A_116 = tpu.memref_squeeze %dma_start3A_115 : memref<1x128xi32, #tpu.memory_space<vmem>> -> memref<128xi32, #tpu.memory_space<vmem>>
      %dma_start3A_117 = arith.constant 0 : i32
      %dma_start3A_118 = tpu.memref_slice %arg16[%dma_start3A_117] : memref<1001088xf32, #tpu.memory_space<vmem_shared>> -> memref<1001088xf32, #tpu.memory_space<vmem_shared>>
      tpu.enqueue_indirect_dma source(%dma_start3A_118 : memref<1001088xf32, #tpu.memory_space<vmem_shared>>) target(%dma_start3A_113 : memref<128xf32, #tpu.memory_space<vmem>>) offsets(%dma_start3A_116 : memref<128xi32, #tpu.memory_space<vmem>>) semaphore(%arg18 : memref<!tpu.dma_semaphore, #tpu.memory_space<semaphore_mem>>)
      %dma_start3A_119 = arith.constant 1 : i32
      %dma_start3A_120 = arith.constant 1 : i32
      %dma_start3A_121 = arith.constant 0 : i32
      %dma_start3A_122 = tpu.memref_slice %arg14[%dma_start3A_120, %dma_start3A_121] : memref<8x128xf32, #tpu.memory_space<vmem>> -> memref<1x128xf32, #tpu.memory_space<vmem>>
      %dma_start3A_123 = tpu.memref_squeeze %dma_start3A_122 : memref<1x128xf32, #tpu.memory_space<vmem>> -> memref<128xf32, #tpu.memory_space<vmem>>
      %dma_start3A_124 = arith.constant 0 : i32
      %dma_start3A_125 = tpu.memref_slice %arg11[%dma_start3A_119, %dma_start3A_124] : memref<8x128xi32, #tpu.memory_space<vmem>> -> memref<1x128xi32, #tpu.memory_space<vmem>>
      %dma_start3A_126 = tpu.memref_squeeze %dma_start3A_125 : memref<1x128xi32, #tpu.memory_space<vmem>> -> memref<128xi32, #tpu.memory_space<vmem>>
      %dma_start3A_127 = arith.constant 0 : i32
      %dma_start3A_128 = tpu.memref_slice %arg16[%dma_start3A_127] : memref<1001088xf32, #tpu.memory_space<vmem_shared>> -> memref<1001088xf32, #tpu.memory_space<vmem_shared>>
      tpu.enqueue_indirect_dma source(%dma_start3A_128 : memref<1001088xf32, #tpu.memory_space<vmem_shared>>) target(%dma_start3A_123 : memref<128xf32, #tpu.memory_space<vmem>>) offsets(%dma_start3A_126 : memref<128xi32, #tpu.memory_space<vmem>>) semaphore(%arg18 : memref<!tpu.dma_semaphore, #tpu.memory_space<semaphore_mem>>)
      %dma_start3A_129 = arith.constant 2 : i32
      %dma_start3A_130 = arith.constant 2 : i32
      %dma_start3A_131 = arith.constant 0 : i32
      %dma_start3A_132 = tpu.memref_slice %arg12[%dma_start3A_130, %dma_start3A_131] : memref<8x128xf32, #tpu.memory_space<vmem>> -> memref<1x128xf32, #tpu.memory_space<vmem>>
      %dma_start3A_133 = tpu.memref_squeeze %dma_start3A_132 : memref<1x128xf32, #tpu.memory_space<vmem>> -> memref<128xf32, #tpu.memory_space<vmem>>
      %dma_start3A_134 = arith.constant 0 : i32
      %dma_start3A_135 = tpu.memref_slice %arg9[%dma_start3A_129, %dma_start3A_134] : memref<8x128xi32, #tpu.memory_space<vmem>> -> memref<1x128xi32, #tpu.memory_space<vmem>>
      %dma_start3A_136 = tpu.memref_squeeze %dma_start3A_135 : memref<1x128xi32, #tpu.memory_space<vmem>> -> memref<128xi32, #tpu.memory_space<vmem>>
      %dma_start3A_137 = arith.constant 0 : i32
      %dma_start3A_138 = tpu.memref_slice %arg16[%dma_start3A_137] : memref<1001088xf32, #tpu.memory_space<vmem_shared>> -> memref<1001088xf32, #tpu.memory_space<vmem_shared>>
      tpu.enqueue_indirect_dma source(%dma_start3A_138 : memref<1001088xf32, #tpu.memory_space<vmem_shared>>) target(%dma_start3A_133 : memref<128xf32, #tpu.memory_space<vmem>>) offsets(%dma_start3A_136 : memref<128xi32, #tpu.memory_space<vmem>>) semaphore(%arg18 : memref<!tpu.dma_semaphore, #tpu.memory_space<semaphore_mem>>)
      %dma_start3A_139 = arith.constant 2 : i32
      %dma_start3A_140 = arith.constant 2 : i32
      %dma_start3A_141 = arith.constant 0 : i32
      %dma_start3A_142 = tpu.memref_slice %arg13[%dma_start3A_140, %dma_start3A_141] : memref<8x128xf32, #tpu.memory_space<vmem>> -> memref<1x128xf32, #tpu.memory_space<vmem>>
      %dma_start3A_143 = tpu.memref_squeeze %dma_start3A_142 : memref<1x128xf32, #tpu.memory_space<vmem>> -> memref<128xf32, #tpu.memory_space<vmem>>
      %dma_start3A_144 = arith.constant 0 : i32
      %dma_start3A_145 = tpu.memref_slice %arg10[%dma_start3A_139, %dma_start3A_144] : memref<8x128xi32, #tpu.memory_space<vmem>> -> memref<1x128xi32, #tpu.memory_space<vmem>>
      %dma_start3A_146 = tpu.memref_squeeze %dma_start3A_145 : memref<1x128xi32, #tpu.memory_space<vmem>> -> memref<128xi32, #tpu.memory_space<vmem>>
      %dma_start3A_147 = arith.constant 0 : i32
      %dma_start3A_148 = tpu.memref_slice %arg16[%dma_start3A_147] : memref<1001088xf32, #tpu.memory_space<vmem_shared>> -> memref<1001088xf32, #tpu.memory_space<vmem_shared>>
      tpu.enqueue_indirect_dma source(%dma_start3A_148 : memref<1001088xf32, #tpu.memory_space<vmem_shared>>) target(%dma_start3A_143 : memref<128xf32, #tpu.memory_space<vmem>>) offsets(%dma_start3A_146 : memref<128xi32, #tpu.memory_space<vmem>>) semaphore(%arg18 : memref<!tpu.dma_semaphore, #tpu.memory_space<semaphore_mem>>)
      %dma_start3A_149 = arith.constant 2 : i32
      %dma_start3A_150 = arith.constant 2 : i32
      %dma_start3A_151 = arith.constant 0 : i32
      %dma_start3A_152 = tpu.memref_slice %arg14[%dma_start3A_150, %dma_start3A_151] : memref<8x128xf32, #tpu.memory_space<vmem>> -> memref<1x128xf32, #tpu.memory_space<vmem>>
      %dma_start3A_153 = tpu.memref_squeeze %dma_start3A_152 : memref<1x128xf32, #tpu.memory_space<vmem>> -> memref<128xf32, #tpu.memory_space<vmem>>
      %dma_start3A_154 = arith.constant 0 : i32
      %dma_start3A_155 = tpu.memref_slice %arg11[%dma_start3A_149, %dma_start3A_154] : memref<8x128xi32, #tpu.memory_space<vmem>> -> memref<1x128xi32, #tpu.memory_space<vmem>>
      %dma_start3A_156 = tpu.memref_squeeze %dma_start3A_155 : memref<1x128xi32, #tpu.memory_space<vmem>> -> memref<128xi32, #tpu.memory_space<vmem>>
      %dma_start3A_157 = arith.constant 0 : i32
      %dma_start3A_158 = tpu.memref_slice %arg16[%dma_start3A_157] : memref<1001088xf32, #tpu.memory_space<vmem_shared>> -> memref<1001088xf32, #tpu.memory_space<vmem_shared>>
      tpu.enqueue_indirect_dma source(%dma_start3A_158 : memref<1001088xf32, #tpu.memory_space<vmem_shared>>) target(%dma_start3A_153 : memref<128xf32, #tpu.memory_space<vmem>>) offsets(%dma_start3A_156 : memref<128xi32, #tpu.memory_space<vmem>>) semaphore(%arg18 : memref<!tpu.dma_semaphore, #tpu.memory_space<semaphore_mem>>)
      %dma_start3A_159 = arith.constant 3 : i32
      %dma_start3A_160 = arith.constant 3 : i32
      %dma_start3A_161 = arith.constant 0 : i32
      %dma_start3A_162 = tpu.memref_slice %arg12[%dma_start3A_160, %dma_start3A_161] : memref<8x128xf32, #tpu.memory_space<vmem>> -> memref<1x128xf32, #tpu.memory_space<vmem>>
      %dma_start3A_163 = tpu.memref_squeeze %dma_start3A_162 : memref<1x128xf32, #tpu.memory_space<vmem>> -> memref<128xf32, #tpu.memory_space<vmem>>
      %dma_start3A_164 = arith.constant 0 : i32
      %dma_start3A_165 = tpu.memref_slice %arg9[%dma_start3A_159, %dma_start3A_164] : memref<8x128xi32, #tpu.memory_space<vmem>> -> memref<1x128xi32, #tpu.memory_space<vmem>>
      %dma_start3A_166 = tpu.memref_squeeze %dma_start3A_165 : memref<1x128xi32, #tpu.memory_space<vmem>> -> memref<128xi32, #tpu.memory_space<vmem>>
      %dma_start3A_167 = arith.constant 0 : i32
      %dma_start3A_168 = tpu.memref_slice %arg16[%dma_start3A_167] : memref<1001088xf32, #tpu.memory_space<vmem_shared>> -> memref<1001088xf32, #tpu.memory_space<vmem_shared>>
      tpu.enqueue_indirect_dma source(%dma_start3A_168 : memref<1001088xf32, #tpu.memory_space<vmem_shared>>) target(%dma_start3A_163 : memref<128xf32, #tpu.memory_space<vmem>>) offsets(%dma_start3A_166 : memref<128xi32, #tpu.memory_space<vmem>>) semaphore(%arg18 : memref<!tpu.dma_semaphore, #tpu.memory_space<semaphore_mem>>)
      %dma_start3A_169 = arith.constant 3 : i32
      %dma_start3A_170 = arith.constant 3 : i32
      %dma_start3A_171 = arith.constant 0 : i32
      %dma_start3A_172 = tpu.memref_slice %arg13[%dma_start3A_170, %dma_start3A_171] : memref<8x128xf32, #tpu.memory_space<vmem>> -> memref<1x128xf32, #tpu.memory_space<vmem>>
      %dma_start3A_173 = tpu.memref_squeeze %dma_start3A_172 : memref<1x128xf32, #tpu.memory_space<vmem>> -> memref<128xf32, #tpu.memory_space<vmem>>
      %dma_start3A_174 = arith.constant 0 : i32
      %dma_start3A_175 = tpu.memref_slice %arg10[%dma_start3A_169, %dma_start3A_174] : memref<8x128xi32, #tpu.memory_space<vmem>> -> memref<1x128xi32, #tpu.memory_space<vmem>>
      %dma_start3A_176 = tpu.memref_squeeze %dma_start3A_175 : memref<1x128xi32, #tpu.memory_space<vmem>> -> memref<128xi32, #tpu.memory_space<vmem>>
      %dma_start3A_177 = arith.constant 0 : i32
      %dma_start3A_178 = tpu.memref_slice %arg16[%dma_start3A_177] : memref<1001088xf32, #tpu.memory_space<vmem_shared>> -> memref<1001088xf32, #tpu.memory_space<vmem_shared>>
      tpu.enqueue_indirect_dma source(%dma_start3A_178 : memref<1001088xf32, #tpu.memory_space<vmem_shared>>) target(%dma_start3A_173 : memref<128xf32, #tpu.memory_space<vmem>>) offsets(%dma_start3A_176 : memref<128xi32, #tpu.memory_space<vmem>>) semaphore(%arg18 : memref<!tpu.dma_semaphore, #tpu.memory_space<semaphore_mem>>)
      %dma_start3A_179 = arith.constant 3 : i32
      %dma_start3A_180 = arith.constant 3 : i32
      %dma_start3A_181 = arith.constant 0 : i32
      %dma_start3A_182 = tpu.memref_slice %arg14[%dma_start3A_180, %dma_start3A_181] : memref<8x128xf32, #tpu.memory_space<vmem>> -> memref<1x128xf32, #tpu.memory_space<vmem>>
      %dma_start3A_183 = tpu.memref_squeeze %dma_start3A_182 : memref<1x128xf32, #tpu.memory_space<vmem>> -> memref<128xf32, #tpu.memory_space<vmem>>
      %dma_start3A_184 = arith.constant 0 : i32
      %dma_start3A_185 = tpu.memref_slice %arg11[%dma_start3A_179, %dma_start3A_184] : memref<8x128xi32, #tpu.memory_space<vmem>> -> memref<1x128xi32, #tpu.memory_space<vmem>>
      %dma_start3A_186 = tpu.memref_squeeze %dma_start3A_185 : memref<1x128xi32, #tpu.memory_space<vmem>> -> memref<128xi32, #tpu.memory_space<vmem>>
      %dma_start3A_187 = arith.constant 0 : i32
      %dma_start3A_188 = tpu.memref_slice %arg16[%dma_start3A_187] : memref<1001088xf32, #tpu.memory_space<vmem_shared>> -> memref<1001088xf32, #tpu.memory_space<vmem_shared>>
      tpu.enqueue_indirect_dma source(%dma_start3A_188 : memref<1001088xf32, #tpu.memory_space<vmem_shared>>) target(%dma_start3A_183 : memref<128xf32, #tpu.memory_space<vmem>>) offsets(%dma_start3A_186 : memref<128xi32, #tpu.memory_space<vmem>>) semaphore(%arg18 : memref<!tpu.dma_semaphore, #tpu.memory_space<semaphore_mem>>)
      %dma_start3A_189 = arith.constant 4 : i32
      %dma_start3A_190 = arith.constant 4 : i32
      %dma_start3A_191 = arith.constant 0 : i32
      %dma_start3A_192 = tpu.memref_slice %arg12[%dma_start3A_190, %dma_start3A_191] : memref<8x128xf32, #tpu.memory_space<vmem>> -> memref<1x128xf32, #tpu.memory_space<vmem>>
      %dma_start3A_193 = tpu.memref_squeeze %dma_start3A_192 : memref<1x128xf32, #tpu.memory_space<vmem>> -> memref<128xf32, #tpu.memory_space<vmem>>
      %dma_start3A_194 = arith.constant 0 : i32
      %dma_start3A_195 = tpu.memref_slice %arg9[%dma_start3A_189, %dma_start3A_194] : memref<8x128xi32, #tpu.memory_space<vmem>> -> memref<1x128xi32, #tpu.memory_space<vmem>>
      %dma_start3A_196 = tpu.memref_squeeze %dma_start3A_195 : memref<1x128xi32, #tpu.memory_space<vmem>> -> memref<128xi32, #tpu.memory_space<vmem>>
      %dma_start3A_197 = arith.constant 0 : i32
      %dma_start3A_198 = tpu.memref_slice %arg16[%dma_start3A_197] : memref<1001088xf32, #tpu.memory_space<vmem_shared>> -> memref<1001088xf32, #tpu.memory_space<vmem_shared>>
      tpu.enqueue_indirect_dma source(%dma_start3A_198 : memref<1001088xf32, #tpu.memory_space<vmem_shared>>) target(%dma_start3A_193 : memref<128xf32, #tpu.memory_space<vmem>>) offsets(%dma_start3A_196 : memref<128xi32, #tpu.memory_space<vmem>>) semaphore(%arg18 : memref<!tpu.dma_semaphore, #tpu.memory_space<semaphore_mem>>)
      %dma_start3A_199 = arith.constant 4 : i32
      %dma_start3A_200 = arith.constant 4 : i32
      %dma_start3A_201 = arith.constant 0 : i32
      %dma_start3A_202 = tpu.memref_slice %arg13[%dma_start3A_200, %dma_start3A_201] : memref<8x128xf32, #tpu.memory_space<vmem>> -> memref<1x128xf32, #tpu.memory_space<vmem>>
      %dma_start3A_203 = tpu.memref_squeeze %dma_start3A_202 : memref<1x128xf32, #tpu.memory_space<vmem>> -> memref<128xf32, #tpu.memory_space<vmem>>
      %dma_start3A_204 = arith.constant 0 : i32
      %dma_start3A_205 = tpu.memref_slice %arg10[%dma_start3A_199, %dma_start3A_204] : memref<8x128xi32, #tpu.memory_space<vmem>> -> memref<1x128xi32, #tpu.memory_space<vmem>>
      %dma_start3A_206 = tpu.memref_squeeze %dma_start3A_205 : memref<1x128xi32, #tpu.memory_space<vmem>> -> memref<128xi32, #tpu.memory_space<vmem>>
      %dma_start3A_207 = arith.constant 0 : i32
      %dma_start3A_208 = tpu.memref_slice %arg16[%dma_start3A_207] : memref<1001088xf32, #tpu.memory_space<vmem_shared>> -> memref<1001088xf32, #tpu.memory_space<vmem_shared>>
      tpu.enqueue_indirect_dma source(%dma_start3A_208 : memref<1001088xf32, #tpu.memory_space<vmem_shared>>) target(%dma_start3A_203 : memref<128xf32, #tpu.memory_space<vmem>>) offsets(%dma_start3A_206 : memref<128xi32, #tpu.memory_space<vmem>>) semaphore(%arg18 : memref<!tpu.dma_semaphore, #tpu.memory_space<semaphore_mem>>)
      %dma_start3A_209 = arith.constant 4 : i32
      %dma_start3A_210 = arith.constant 4 : i32
      %dma_start3A_211 = arith.constant 0 : i32
      %dma_start3A_212 = tpu.memref_slice %arg14[%dma_start3A_210, %dma_start3A_211] : memref<8x128xf32, #tpu.memory_space<vmem>> -> memref<1x128xf32, #tpu.memory_space<vmem>>
      %dma_start3A_213 = tpu.memref_squeeze %dma_start3A_212 : memref<1x128xf32, #tpu.memory_space<vmem>> -> memref<128xf32, #tpu.memory_space<vmem>>
      %dma_start3A_214 = arith.constant 0 : i32
      %dma_start3A_215 = tpu.memref_slice %arg11[%dma_start3A_209, %dma_start3A_214] : memref<8x128xi32, #tpu.memory_space<vmem>> -> memref<1x128xi32, #tpu.memory_space<vmem>>
      %dma_start3A_216 = tpu.memref_squeeze %dma_start3A_215 : memref<1x128xi32, #tpu.memory_space<vmem>> -> memref<128xi32, #tpu.memory_space<vmem>>
      %dma_start3A_217 = arith.constant 0 : i32
      %dma_start3A_218 = tpu.memref_slice %arg16[%dma_start3A_217] : memref<1001088xf32, #tpu.memory_space<vmem_shared>> -> memref<1001088xf32, #tpu.memory_space<vmem_shared>>
      tpu.enqueue_indirect_dma source(%dma_start3A_218 : memref<1001088xf32, #tpu.memory_space<vmem_shared>>) target(%dma_start3A_213 : memref<128xf32, #tpu.memory_space<vmem>>) offsets(%dma_start3A_216 : memref<128xi32, #tpu.memory_space<vmem>>) semaphore(%arg18 : memref<!tpu.dma_semaphore, #tpu.memory_space<semaphore_mem>>)
      %dma_start3A_219 = arith.constant 5 : i32
      %dma_start3A_220 = arith.constant 5 : i32
      %dma_start3A_221 = arith.constant 0 : i32
      %dma_start3A_222 = tpu.memref_slice %arg12[%dma_start3A_220, %dma_start3A_221] : memref<8x128xf32, #tpu.memory_space<vmem>> -> memref<1x128xf32, #tpu.memory_space<vmem>>
      %dma_start3A_223 = tpu.memref_squeeze %dma_start3A_222 : memref<1x128xf32, #tpu.memory_space<vmem>> -> memref<128xf32, #tpu.memory_space<vmem>>
      %dma_start3A_224 = arith.constant 0 : i32
      %dma_start3A_225 = tpu.memref_slice %arg9[%dma_start3A_219, %dma_start3A_224] : memref<8x128xi32, #tpu.memory_space<vmem>> -> memref<1x128xi32, #tpu.memory_space<vmem>>
      %dma_start3A_226 = tpu.memref_squeeze %dma_start3A_225 : memref<1x128xi32, #tpu.memory_space<vmem>> -> memref<128xi32, #tpu.memory_space<vmem>>
      %dma_start3A_227 = arith.constant 0 : i32
      %dma_start3A_228 = tpu.memref_slice %arg16[%dma_start3A_227] : memref<1001088xf32, #tpu.memory_space<vmem_shared>> -> memref<1001088xf32, #tpu.memory_space<vmem_shared>>
      tpu.enqueue_indirect_dma source(%dma_start3A_228 : memref<1001088xf32, #tpu.memory_space<vmem_shared>>) target(%dma_start3A_223 : memref<128xf32, #tpu.memory_space<vmem>>) offsets(%dma_start3A_226 : memref<128xi32, #tpu.memory_space<vmem>>) semaphore(%arg18 : memref<!tpu.dma_semaphore, #tpu.memory_space<semaphore_mem>>)
      %dma_start3A_229 = arith.constant 5 : i32
      %dma_start3A_230 = arith.constant 5 : i32
      %dma_start3A_231 = arith.constant 0 : i32
      %dma_start3A_232 = tpu.memref_slice %arg13[%dma_start3A_230, %dma_start3A_231] : memref<8x128xf32, #tpu.memory_space<vmem>> -> memref<1x128xf32, #tpu.memory_space<vmem>>
      %dma_start3A_233 = tpu.memref_squeeze %dma_start3A_232 : memref<1x128xf32, #tpu.memory_space<vmem>> -> memref<128xf32, #tpu.memory_space<vmem>>
      %dma_start3A_234 = arith.constant 0 : i32
      %dma_start3A_235 = tpu.memref_slice %arg10[%dma_start3A_229, %dma_start3A_234] : memref<8x128xi32, #tpu.memory_space<vmem>> -> memref<1x128xi32, #tpu.memory_space<vmem>>
      %dma_start3A_236 = tpu.memref_squeeze %dma_start3A_235 : memref<1x128xi32, #tpu.memory_space<vmem>> -> memref<128xi32, #tpu.memory_space<vmem>>
      %dma_start3A_237 = arith.constant 0 : i32
      %dma_start3A_238 = tpu.memref_slice %arg16[%dma_start3A_237] : memref<1001088xf32, #tpu.memory_space<vmem_shared>> -> memref<1001088xf32, #tpu.memory_space<vmem_shared>>
      tpu.enqueue_indirect_dma source(%dma_start3A_238 : memref<1001088xf32, #tpu.memory_space<vmem_shared>>) target(%dma_start3A_233 : memref<128xf32, #tpu.memory_space<vmem>>) offsets(%dma_start3A_236 : memref<128xi32, #tpu.memory_space<vmem>>) semaphore(%arg18 : memref<!tpu.dma_semaphore, #tpu.memory_space<semaphore_mem>>)
      %dma_start3A_239 = arith.constant 5 : i32
      %dma_start3A_240 = arith.constant 5 : i32
      %dma_start3A_241 = arith.constant 0 : i32
      %dma_start3A_242 = tpu.memref_slice %arg14[%dma_start3A_240, %dma_start3A_241] : memref<8x128xf32, #tpu.memory_space<vmem>> -> memref<1x128xf32, #tpu.memory_space<vmem>>
      %dma_start3A_243 = tpu.memref_squeeze %dma_start3A_242 : memref<1x128xf32, #tpu.memory_space<vmem>> -> memref<128xf32, #tpu.memory_space<vmem>>
      %dma_start3A_244 = arith.constant 0 : i32
      %dma_start3A_245 = tpu.memref_slice %arg11[%dma_start3A_239, %dma_start3A_244] : memref<8x128xi32, #tpu.memory_space<vmem>> -> memref<1x128xi32, #tpu.memory_space<vmem>>
      %dma_start3A_246 = tpu.memref_squeeze %dma_start3A_245 : memref<1x128xi32, #tpu.memory_space<vmem>> -> memref<128xi32, #tpu.memory_space<vmem>>
      %dma_start3A_247 = arith.constant 0 : i32
      %dma_start3A_248 = tpu.memref_slice %arg16[%dma_start3A_247] : memref<1001088xf32, #tpu.memory_space<vmem_shared>> -> memref<1001088xf32, #tpu.memory_space<vmem_shared>>
      tpu.enqueue_indirect_dma source(%dma_start3A_248 : memref<1001088xf32, #tpu.memory_space<vmem_shared>>) target(%dma_start3A_243 : memref<128xf32, #tpu.memory_space<vmem>>) offsets(%dma_start3A_246 : memref<128xi32, #tpu.memory_space<vmem>>) semaphore(%arg18 : memref<!tpu.dma_semaphore, #tpu.memory_space<semaphore_mem>>)
      %dma_start3A_249 = arith.constant 6 : i32
      %dma_start3A_250 = arith.constant 6 : i32
      %dma_start3A_251 = arith.constant 0 : i32
      %dma_start3A_252 = tpu.memref_slice %arg12[%dma_start3A_250, %dma_start3A_251] : memref<8x128xf32, #tpu.memory_space<vmem>> -> memref<1x128xf32, #tpu.memory_space<vmem>>
      %dma_start3A_253 = tpu.memref_squeeze %dma_start3A_252 : memref<1x128xf32, #tpu.memory_space<vmem>> -> memref<128xf32, #tpu.memory_space<vmem>>
      %dma_start3A_254 = arith.constant 0 : i32
      %dma_start3A_255 = tpu.memref_slice %arg9[%dma_start3A_249, %dma_start3A_254] : memref<8x128xi32, #tpu.memory_space<vmem>> -> memref<1x128xi32, #tpu.memory_space<vmem>>
      %dma_start3A_256 = tpu.memref_squeeze %dma_start3A_255 : memref<1x128xi32, #tpu.memory_space<vmem>> -> memref<128xi32, #tpu.memory_space<vmem>>
      %dma_start3A_257 = arith.constant 0 : i32
      %dma_start3A_258 = tpu.memref_slice %arg16[%dma_start3A_257] : memref<1001088xf32, #tpu.memory_space<vmem_shared>> -> memref<1001088xf32, #tpu.memory_space<vmem_shared>>
      tpu.enqueue_indirect_dma source(%dma_start3A_258 : memref<1001088xf32, #tpu.memory_space<vmem_shared>>) target(%dma_start3A_253 : memref<128xf32, #tpu.memory_space<vmem>>) offsets(%dma_start3A_256 : memref<128xi32, #tpu.memory_space<vmem>>) semaphore(%arg18 : memref<!tpu.dma_semaphore, #tpu.memory_space<semaphore_mem>>)
      %dma_start3A_259 = arith.constant 6 : i32
      %dma_start3A_260 = arith.constant 6 : i32
      %dma_start3A_261 = arith.constant 0 : i32
      %dma_start3A_262 = tpu.memref_slice %arg13[%dma_start3A_260, %dma_start3A_261] : memref<8x128xf32, #tpu.memory_space<vmem>> -> memref<1x128xf32, #tpu.memory_space<vmem>>
      %dma_start3A_263 = tpu.memref_squeeze %dma_start3A_262 : memref<1x128xf32, #tpu.memory_space<vmem>> -> memref<128xf32, #tpu.memory_space<vmem>>
      %dma_start3A_264 = arith.constant 0 : i32
      %dma_start3A_265 = tpu.memref_slice %arg10[%dma_start3A_259, %dma_start3A_264] : memref<8x128xi32, #tpu.memory_space<vmem>> -> memref<1x128xi32, #tpu.memory_space<vmem>>
      %dma_start3A_266 = tpu.memref_squeeze %dma_start3A_265 : memref<1x128xi32, #tpu.memory_space<vmem>> -> memref<128xi32, #tpu.memory_space<vmem>>
      %dma_start3A_267 = arith.constant 0 : i32
      %dma_start3A_268 = tpu.memref_slice %arg16[%dma_start3A_267] : memref<1001088xf32, #tpu.memory_space<vmem_shared>> -> memref<1001088xf32, #tpu.memory_space<vmem_shared>>
      tpu.enqueue_indirect_dma source(%dma_start3A_268 : memref<1001088xf32, #tpu.memory_space<vmem_shared>>) target(%dma_start3A_263 : memref<128xf32, #tpu.memory_space<vmem>>) offsets(%dma_start3A_266 : memref<128xi32, #tpu.memory_space<vmem>>) semaphore(%arg18 : memref<!tpu.dma_semaphore, #tpu.memory_space<semaphore_mem>>)
      %dma_start3A_269 = arith.constant 6 : i32
      %dma_start3A_270 = arith.constant 6 : i32
      %dma_start3A_271 = arith.constant 0 : i32
      %dma_start3A_272 = tpu.memref_slice %arg14[%dma_start3A_270, %dma_start3A_271] : memref<8x128xf32, #tpu.memory_space<vmem>> -> memref<1x128xf32, #tpu.memory_space<vmem>>
      %dma_start3A_273 = tpu.memref_squeeze %dma_start3A_272 : memref<1x128xf32, #tpu.memory_space<vmem>> -> memref<128xf32, #tpu.memory_space<vmem>>
      %dma_start3A_274 = arith.constant 0 : i32
      %dma_start3A_275 = tpu.memref_slice %arg11[%dma_start3A_269, %dma_start3A_274] : memref<8x128xi32, #tpu.memory_space<vmem>> -> memref<1x128xi32, #tpu.memory_space<vmem>>
      %dma_start3A_276 = tpu.memref_squeeze %dma_start3A_275 : memref<1x128xi32, #tpu.memory_space<vmem>> -> memref<128xi32, #tpu.memory_space<vmem>>
      %dma_start3A_277 = arith.constant 0 : i32
      %dma_start3A_278 = tpu.memref_slice %arg16[%dma_start3A_277] : memref<1001088xf32, #tpu.memory_space<vmem_shared>> -> memref<1001088xf32, #tpu.memory_space<vmem_shared>>
      tpu.enqueue_indirect_dma source(%dma_start3A_278 : memref<1001088xf32, #tpu.memory_space<vmem_shared>>) target(%dma_start3A_273 : memref<128xf32, #tpu.memory_space<vmem>>) offsets(%dma_start3A_276 : memref<128xi32, #tpu.memory_space<vmem>>) semaphore(%arg18 : memref<!tpu.dma_semaphore, #tpu.memory_space<semaphore_mem>>)
      %dma_start3A_279 = arith.constant 7 : i32
      %dma_start3A_280 = arith.constant 7 : i32
      %dma_start3A_281 = arith.constant 0 : i32
      %dma_start3A_282 = tpu.memref_slice %arg12[%dma_start3A_280, %dma_start3A_281] : memref<8x128xf32, #tpu.memory_space<vmem>> -> memref<1x128xf32, #tpu.memory_space<vmem>>
      %dma_start3A_283 = tpu.memref_squeeze %dma_start3A_282 : memref<1x128xf32, #tpu.memory_space<vmem>> -> memref<128xf32, #tpu.memory_space<vmem>>
      %dma_start3A_284 = arith.constant 0 : i32
      %dma_start3A_285 = tpu.memref_slice %arg9[%dma_start3A_279, %dma_start3A_284] : memref<8x128xi32, #tpu.memory_space<vmem>> -> memref<1x128xi32, #tpu.memory_space<vmem>>
      %dma_start3A_286 = tpu.memref_squeeze %dma_start3A_285 : memref<1x128xi32, #tpu.memory_space<vmem>> -> memref<128xi32, #tpu.memory_space<vmem>>
      %dma_start3A_287 = arith.constant 0 : i32
      %dma_start3A_288 = tpu.memref_slice %arg16[%dma_start3A_287] : memref<1001088xf32, #tpu.memory_space<vmem_shared>> -> memref<1001088xf32, #tpu.memory_space<vmem_shared>>
      tpu.enqueue_indirect_dma source(%dma_start3A_288 : memref<1001088xf32, #tpu.memory_space<vmem_shared>>) target(%dma_start3A_283 : memref<128xf32, #tpu.memory_space<vmem>>) offsets(%dma_start3A_286 : memref<128xi32, #tpu.memory_space<vmem>>) semaphore(%arg18 : memref<!tpu.dma_semaphore, #tpu.memory_space<semaphore_mem>>)
      %dma_start3A_289 = arith.constant 7 : i32
      %dma_start3A_290 = arith.constant 7 : i32
      %dma_start3A_291 = arith.constant 0 : i32
      %dma_start3A_292 = tpu.memref_slice %arg13[%dma_start3A_290, %dma_start3A_291] : memref<8x128xf32, #tpu.memory_space<vmem>> -> memref<1x128xf32, #tpu.memory_space<vmem>>
      %dma_start3A_293 = tpu.memref_squeeze %dma_start3A_292 : memref<1x128xf32, #tpu.memory_space<vmem>> -> memref<128xf32, #tpu.memory_space<vmem>>
      %dma_start3A_294 = arith.constant 0 : i32
      %dma_start3A_295 = tpu.memref_slice %arg10[%dma_start3A_289, %dma_start3A_294] : memref<8x128xi32, #tpu.memory_space<vmem>> -> memref<1x128xi32, #tpu.memory_space<vmem>>
      %dma_start3A_296 = tpu.memref_squeeze %dma_start3A_295 : memref<1x128xi32, #tpu.memory_space<vmem>> -> memref<128xi32, #tpu.memory_space<vmem>>
      %dma_start3A_297 = arith.constant 0 : i32
      %dma_start3A_298 = tpu.memref_slice %arg16[%dma_start3A_297] : memref<1001088xf32, #tpu.memory_space<vmem_shared>> -> memref<1001088xf32, #tpu.memory_space<vmem_shared>>
      tpu.enqueue_indirect_dma source(%dma_start3A_298 : memref<1001088xf32, #tpu.memory_space<vmem_shared>>) target(%dma_start3A_293 : memref<128xf32, #tpu.memory_space<vmem>>) offsets(%dma_start3A_296 : memref<128xi32, #tpu.memory_space<vmem>>) semaphore(%arg18 : memref<!tpu.dma_semaphore, #tpu.memory_space<semaphore_mem>>)
      %dma_start3A_299 = arith.constant 7 : i32
      %dma_start3A_300 = arith.constant 7 : i32
      %dma_start3A_301 = arith.constant 0 : i32
      %dma_start3A_302 = tpu.memref_slice %arg14[%dma_start3A_300, %dma_start3A_301] : memref<8x128xf32, #tpu.memory_space<vmem>> -> memref<1x128xf32, #tpu.memory_space<vmem>>
      %dma_start3A_303 = tpu.memref_squeeze %dma_start3A_302 : memref<1x128xf32, #tpu.memory_space<vmem>> -> memref<128xf32, #tpu.memory_space<vmem>>
      %dma_start3A_304 = arith.constant 0 : i32
      %dma_start3A_305 = tpu.memref_slice %arg11[%dma_start3A_299, %dma_start3A_304] : memref<8x128xi32, #tpu.memory_space<vmem>> -> memref<1x128xi32, #tpu.memory_space<vmem>>
      %dma_start3A_306 = tpu.memref_squeeze %dma_start3A_305 : memref<1x128xi32, #tpu.memory_space<vmem>> -> memref<128xi32, #tpu.memory_space<vmem>>
      %dma_start3A_307 = arith.constant 0 : i32
      %dma_start3A_308 = tpu.memref_slice %arg16[%dma_start3A_307] : memref<1001088xf32, #tpu.memory_space<vmem_shared>> -> memref<1001088xf32, #tpu.memory_space<vmem_shared>>
      tpu.enqueue_indirect_dma source(%dma_start3A_308 : memref<1001088xf32, #tpu.memory_space<vmem_shared>>) target(%dma_start3A_303 : memref<128xf32, #tpu.memory_space<vmem>>) offsets(%dma_start3A_306 : memref<128xi32, #tpu.memory_space<vmem>>) semaphore(%arg18 : memref<!tpu.dma_semaphore, #tpu.memory_space<semaphore_mem>>)
      %dma_wait3A = arith.constant 0 : i32
      %dma_wait3A_309 = arith.constant 0 : i32
      %dma_wait3A_310 = arith.constant 0 : i32
      %dma_wait3A_311 = tpu.memref_slice %arg12[%dma_wait3A_309, %dma_wait3A_310] : memref<8x128xf32, #tpu.memory_space<vmem>> -> memref<1x128xf32, #tpu.memory_space<vmem>>
      %dma_wait3A_312 = tpu.memref_squeeze %dma_wait3A_311 : memref<1x128xf32, #tpu.memory_space<vmem>> -> memref<128xf32, #tpu.memory_space<vmem>>
      %dma_wait3A_313 = arith.constant 0 : i32
      %dma_wait3A_314 = tpu.memref_slice %arg9[%dma_wait3A, %dma_wait3A_313] : memref<8x128xi32, #tpu.memory_space<vmem>> -> memref<1x128xi32, #tpu.memory_space<vmem>>
      %dma_wait3A_315 = tpu.memref_squeeze %dma_wait3A_314 : memref<1x128xi32, #tpu.memory_space<vmem>> -> memref<128xi32, #tpu.memory_space<vmem>>
      %dma_wait3A_316 = arith.constant 0 : i32
      %dma_wait3A_317 = tpu.memref_slice %arg16[%dma_wait3A_316] : memref<1001088xf32, #tpu.memory_space<vmem_shared>> -> memref<1001088xf32, #tpu.memory_space<vmem_shared>>
      tpu.wait_indirect_dma semaphore(%arg18 : memref<!tpu.dma_semaphore, #tpu.memory_space<semaphore_mem>>) src(%dma_wait3A_317 : memref<1001088xf32, #tpu.memory_space<vmem_shared>>) dst(%dma_wait3A_312 : memref<128xf32, #tpu.memory_space<vmem>>)
      %dma_wait3A_318 = arith.constant 0 : i32
      %dma_wait3A_319 = arith.constant 0 : i32
      %dma_wait3A_320 = arith.constant 0 : i32
      %dma_wait3A_321 = tpu.memref_slice %arg13[%dma_wait3A_319, %dma_wait3A_320] : memref<8x128xf32, #tpu.memory_space<vmem>> -> memref<1x128xf32, #tpu.memory_space<vmem>>
      %dma_wait3A_322 = tpu.memref_squeeze %dma_wait3A_321 : memref<1x128xf32, #tpu.memory_space<vmem>> -> memref<128xf32, #tpu.memory_space<vmem>>
      %dma_wait3A_323 = arith.constant 0 : i32
      %dma_wait3A_324 = tpu.memref_slice %arg10[%dma_wait3A_318, %dma_wait3A_323] : memref<8x128xi32, #tpu.memory_space<vmem>> -> memref<1x128xi32, #tpu.memory_space<vmem>>
      %dma_wait3A_325 = tpu.memref_squeeze %dma_wait3A_324 : memref<1x128xi32, #tpu.memory_space<vmem>> -> memref<128xi32, #tpu.memory_space<vmem>>
      %dma_wait3A_326 = arith.constant 0 : i32
      %dma_wait3A_327 = tpu.memref_slice %arg16[%dma_wait3A_326] : memref<1001088xf32, #tpu.memory_space<vmem_shared>> -> memref<1001088xf32, #tpu.memory_space<vmem_shared>>
      tpu.wait_indirect_dma semaphore(%arg18 : memref<!tpu.dma_semaphore, #tpu.memory_space<semaphore_mem>>) src(%dma_wait3A_327 : memref<1001088xf32, #tpu.memory_space<vmem_shared>>) dst(%dma_wait3A_322 : memref<128xf32, #tpu.memory_space<vmem>>)
      %dma_wait3A_328 = arith.constant 0 : i32
      %dma_wait3A_329 = arith.constant 0 : i32
      %dma_wait3A_330 = arith.constant 0 : i32
      %dma_wait3A_331 = tpu.memref_slice %arg14[%dma_wait3A_329, %dma_wait3A_330] : memref<8x128xf32, #tpu.memory_space<vmem>> -> memref<1x128xf32, #tpu.memory_space<vmem>>
      %dma_wait3A_332 = tpu.memref_squeeze %dma_wait3A_331 : memref<1x128xf32, #tpu.memory_space<vmem>> -> memref<128xf32, #tpu.memory_space<vmem>>
      %dma_wait3A_333 = arith.constant 0 : i32
      %dma_wait3A_334 = tpu.memref_slice %arg11[%dma_wait3A_328, %dma_wait3A_333] : memref<8x128xi32, #tpu.memory_space<vmem>> -> memref<1x128xi32, #tpu.memory_space<vmem>>
      %dma_wait3A_335 = tpu.memref_squeeze %dma_wait3A_334 : memref<1x128xi32, #tpu.memory_space<vmem>> -> memref<128xi32, #tpu.memory_space<vmem>>
      %dma_wait3A_336 = arith.constant 0 : i32
      %dma_wait3A_337 = tpu.memref_slice %arg16[%dma_wait3A_336] : memref<1001088xf32, #tpu.memory_space<vmem_shared>> -> memref<1001088xf32, #tpu.memory_space<vmem_shared>>
      tpu.wait_indirect_dma semaphore(%arg18 : memref<!tpu.dma_semaphore, #tpu.memory_space<semaphore_mem>>) src(%dma_wait3A_337 : memref<1001088xf32, #tpu.memory_space<vmem_shared>>) dst(%dma_wait3A_332 : memref<128xf32, #tpu.memory_space<vmem>>)
      %dma_wait3A_338 = arith.constant 1 : i32
      %dma_wait3A_339 = arith.constant 1 : i32
      %dma_wait3A_340 = arith.constant 0 : i32
      %dma_wait3A_341 = tpu.memref_slice %arg12[%dma_wait3A_339, %dma_wait3A_340] : memref<8x128xf32, #tpu.memory_space<vmem>> -> memref<1x128xf32, #tpu.memory_space<vmem>>
      %dma_wait3A_342 = tpu.memref_squeeze %dma_wait3A_341 : memref<1x128xf32, #tpu.memory_space<vmem>> -> memref<128xf32, #tpu.memory_space<vmem>>
      %dma_wait3A_343 = arith.constant 0 : i32
      %dma_wait3A_344 = tpu.memref_slice %arg9[%dma_wait3A_338, %dma_wait3A_343] : memref<8x128xi32, #tpu.memory_space<vmem>> -> memref<1x128xi32, #tpu.memory_space<vmem>>
      %dma_wait3A_345 = tpu.memref_squeeze %dma_wait3A_344 : memref<1x128xi32, #tpu.memory_space<vmem>> -> memref<128xi32, #tpu.memory_space<vmem>>
      %dma_wait3A_346 = arith.constant 0 : i32
      %dma_wait3A_347 = tpu.memref_slice %arg16[%dma_wait3A_346] : memref<1001088xf32, #tpu.memory_space<vmem_shared>> -> memref<1001088xf32, #tpu.memory_space<vmem_shared>>
      tpu.wait_indirect_dma semaphore(%arg18 : memref<!tpu.dma_semaphore, #tpu.memory_space<semaphore_mem>>) src(%dma_wait3A_347 : memref<1001088xf32, #tpu.memory_space<vmem_shared>>) dst(%dma_wait3A_342 : memref<128xf32, #tpu.memory_space<vmem>>)
      %dma_wait3A_348 = arith.constant 1 : i32
      %dma_wait3A_349 = arith.constant 1 : i32
      %dma_wait3A_350 = arith.constant 0 : i32
      %dma_wait3A_351 = tpu.memref_slice %arg13[%dma_wait3A_349, %dma_wait3A_350] : memref<8x128xf32, #tpu.memory_space<vmem>> -> memref<1x128xf32, #tpu.memory_space<vmem>>
      %dma_wait3A_352 = tpu.memref_squeeze %dma_wait3A_351 : memref<1x128xf32, #tpu.memory_space<vmem>> -> memref<128xf32, #tpu.memory_space<vmem>>
      %dma_wait3A_353 = arith.constant 0 : i32
      %dma_wait3A_354 = tpu.memref_slice %arg10[%dma_wait3A_348, %dma_wait3A_353] : memref<8x128xi32, #tpu.memory_space<vmem>> -> memref<1x128xi32, #tpu.memory_space<vmem>>
      %dma_wait3A_355 = tpu.memref_squeeze %dma_wait3A_354 : memref<1x128xi32, #tpu.memory_space<vmem>> -> memref<128xi32, #tpu.memory_space<vmem>>
      %dma_wait3A_356 = arith.constant 0 : i32
      %dma_wait3A_357 = tpu.memref_slice %arg16[%dma_wait3A_356] : memref<1001088xf32, #tpu.memory_space<vmem_shared>> -> memref<1001088xf32, #tpu.memory_space<vmem_shared>>
      tpu.wait_indirect_dma semaphore(%arg18 : memref<!tpu.dma_semaphore, #tpu.memory_space<semaphore_mem>>) src(%dma_wait3A_357 : memref<1001088xf32, #tpu.memory_space<vmem_shared>>) dst(%dma_wait3A_352 : memref<128xf32, #tpu.memory_space<vmem>>)
      %dma_wait3A_358 = arith.constant 1 : i32
      %dma_wait3A_359 = arith.constant 1 : i32
      %dma_wait3A_360 = arith.constant 0 : i32
      %dma_wait3A_361 = tpu.memref_slice %arg14[%dma_wait3A_359, %dma_wait3A_360] : memref<8x128xf32, #tpu.memory_space<vmem>> -> memref<1x128xf32, #tpu.memory_space<vmem>>
      %dma_wait3A_362 = tpu.memref_squeeze %dma_wait3A_361 : memref<1x128xf32, #tpu.memory_space<vmem>> -> memref<128xf32, #tpu.memory_space<vmem>>
      %dma_wait3A_363 = arith.constant 0 : i32
      %dma_wait3A_364 = tpu.memref_slice %arg11[%dma_wait3A_358, %dma_wait3A_363] : memref<8x128xi32, #tpu.memory_space<vmem>> -> memref<1x128xi32, #tpu.memory_space<vmem>>
      %dma_wait3A_365 = tpu.memref_squeeze %dma_wait3A_364 : memref<1x128xi32, #tpu.memory_space<vmem>> -> memref<128xi32, #tpu.memory_space<vmem>>
      %dma_wait3A_366 = arith.constant 0 : i32
      %dma_wait3A_367 = tpu.memref_slice %arg16[%dma_wait3A_366] : memref<1001088xf32, #tpu.memory_space<vmem_shared>> -> memref<1001088xf32, #tpu.memory_space<vmem_shared>>
      tpu.wait_indirect_dma semaphore(%arg18 : memref<!tpu.dma_semaphore, #tpu.memory_space<semaphore_mem>>) src(%dma_wait3A_367 : memref<1001088xf32, #tpu.memory_space<vmem_shared>>) dst(%dma_wait3A_362 : memref<128xf32, #tpu.memory_space<vmem>>)
      %dma_wait3A_368 = arith.constant 2 : i32
      %dma_wait3A_369 = arith.constant 2 : i32
      %dma_wait3A_370 = arith.constant 0 : i32
      %dma_wait3A_371 = tpu.memref_slice %arg12[%dma_wait3A_369, %dma_wait3A_370] : memref<8x128xf32, #tpu.memory_space<vmem>> -> memref<1x128xf32, #tpu.memory_space<vmem>>
      %dma_wait3A_372 = tpu.memref_squeeze %dma_wait3A_371 : memref<1x128xf32, #tpu.memory_space<vmem>> -> memref<128xf32, #tpu.memory_space<vmem>>
      %dma_wait3A_373 = arith.constant 0 : i32
      %dma_wait3A_374 = tpu.memref_slice %arg9[%dma_wait3A_368, %dma_wait3A_373] : memref<8x128xi32, #tpu.memory_space<vmem>> -> memref<1x128xi32, #tpu.memory_space<vmem>>
      %dma_wait3A_375 = tpu.memref_squeeze %dma_wait3A_374 : memref<1x128xi32, #tpu.memory_space<vmem>> -> memref<128xi32, #tpu.memory_space<vmem>>
      %dma_wait3A_376 = arith.constant 0 : i32
      %dma_wait3A_377 = tpu.memref_slice %arg16[%dma_wait3A_376] : memref<1001088xf32, #tpu.memory_space<vmem_shared>> -> memref<1001088xf32, #tpu.memory_space<vmem_shared>>
      tpu.wait_indirect_dma semaphore(%arg18 : memref<!tpu.dma_semaphore, #tpu.memory_space<semaphore_mem>>) src(%dma_wait3A_377 : memref<1001088xf32, #tpu.memory_space<vmem_shared>>) dst(%dma_wait3A_372 : memref<128xf32, #tpu.memory_space<vmem>>)
      %dma_wait3A_378 = arith.constant 2 : i32
      %dma_wait3A_379 = arith.constant 2 : i32
      %dma_wait3A_380 = arith.constant 0 : i32
      %dma_wait3A_381 = tpu.memref_slice %arg13[%dma_wait3A_379, %dma_wait3A_380] : memref<8x128xf32, #tpu.memory_space<vmem>> -> memref<1x128xf32, #tpu.memory_space<vmem>>
      %dma_wait3A_382 = tpu.memref_squeeze %dma_wait3A_381 : memref<1x128xf32, #tpu.memory_space<vmem>> -> memref<128xf32, #tpu.memory_space<vmem>>
      %dma_wait3A_383 = arith.constant 0 : i32
      %dma_wait3A_384 = tpu.memref_slice %arg10[%dma_wait3A_378, %dma_wait3A_383] : memref<8x128xi32, #tpu.memory_space<vmem>> -> memref<1x128xi32, #tpu.memory_space<vmem>>
      %dma_wait3A_385 = tpu.memref_squeeze %dma_wait3A_384 : memref<1x128xi32, #tpu.memory_space<vmem>> -> memref<128xi32, #tpu.memory_space<vmem>>
      %dma_wait3A_386 = arith.constant 0 : i32
      %dma_wait3A_387 = tpu.memref_slice %arg16[%dma_wait3A_386] : memref<1001088xf32, #tpu.memory_space<vmem_shared>> -> memref<1001088xf32, #tpu.memory_space<vmem_shared>>
      tpu.wait_indirect_dma semaphore(%arg18 : memref<!tpu.dma_semaphore, #tpu.memory_space<semaphore_mem>>) src(%dma_wait3A_387 : memref<1001088xf32, #tpu.memory_space<vmem_shared>>) dst(%dma_wait3A_382 : memref<128xf32, #tpu.memory_space<vmem>>)
      %dma_wait3A_388 = arith.constant 2 : i32
      %dma_wait3A_389 = arith.constant 2 : i32
      %dma_wait3A_390 = arith.constant 0 : i32
      %dma_wait3A_391 = tpu.memref_slice %arg14[%dma_wait3A_389, %dma_wait3A_390] : memref<8x128xf32, #tpu.memory_space<vmem>> -> memref<1x128xf32, #tpu.memory_space<vmem>>
      %dma_wait3A_392 = tpu.memref_squeeze %dma_wait3A_391 : memref<1x128xf32, #tpu.memory_space<vmem>> -> memref<128xf32, #tpu.memory_space<vmem>>
      %dma_wait3A_393 = arith.constant 0 : i32
      %dma_wait3A_394 = tpu.memref_slice %arg11[%dma_wait3A_388, %dma_wait3A_393] : memref<8x128xi32, #tpu.memory_space<vmem>> -> memref<1x128xi32, #tpu.memory_space<vmem>>
      %dma_wait3A_395 = tpu.memref_squeeze %dma_wait3A_394 : memref<1x128xi32, #tpu.memory_space<vmem>> -> memref<128xi32, #tpu.memory_space<vmem>>
      %dma_wait3A_396 = arith.constant 0 : i32
      %dma_wait3A_397 = tpu.memref_slice %arg16[%dma_wait3A_396] : memref<1001088xf32, #tpu.memory_space<vmem_shared>> -> memref<1001088xf32, #tpu.memory_space<vmem_shared>>
      tpu.wait_indirect_dma semaphore(%arg18 : memref<!tpu.dma_semaphore, #tpu.memory_space<semaphore_mem>>) src(%dma_wait3A_397 : memref<1001088xf32, #tpu.memory_space<vmem_shared>>) dst(%dma_wait3A_392 : memref<128xf32, #tpu.memory_space<vmem>>)
      %dma_wait3A_398 = arith.constant 3 : i32
      %dma_wait3A_399 = arith.constant 3 : i32
      %dma_wait3A_400 = arith.constant 0 : i32
      %dma_wait3A_401 = tpu.memref_slice %arg12[%dma_wait3A_399, %dma_wait3A_400] : memref<8x128xf32, #tpu.memory_space<vmem>> -> memref<1x128xf32, #tpu.memory_space<vmem>>
      %dma_wait3A_402 = tpu.memref_squeeze %dma_wait3A_401 : memref<1x128xf32, #tpu.memory_space<vmem>> -> memref<128xf32, #tpu.memory_space<vmem>>
      %dma_wait3A_403 = arith.constant 0 : i32
      %dma_wait3A_404 = tpu.memref_slice %arg9[%dma_wait3A_398, %dma_wait3A_403] : memref<8x128xi32, #tpu.memory_space<vmem>> -> memref<1x128xi32, #tpu.memory_space<vmem>>
      %dma_wait3A_405 = tpu.memref_squeeze %dma_wait3A_404 : memref<1x128xi32, #tpu.memory_space<vmem>> -> memref<128xi32, #tpu.memory_space<vmem>>
      %dma_wait3A_406 = arith.constant 0 : i32
      %dma_wait3A_407 = tpu.memref_slice %arg16[%dma_wait3A_406] : memref<1001088xf32, #tpu.memory_space<vmem_shared>> -> memref<1001088xf32, #tpu.memory_space<vmem_shared>>
      tpu.wait_indirect_dma semaphore(%arg18 : memref<!tpu.dma_semaphore, #tpu.memory_space<semaphore_mem>>) src(%dma_wait3A_407 : memref<1001088xf32, #tpu.memory_space<vmem_shared>>) dst(%dma_wait3A_402 : memref<128xf32, #tpu.memory_space<vmem>>)
      %dma_wait3A_408 = arith.constant 3 : i32
      %dma_wait3A_409 = arith.constant 3 : i32
      %dma_wait3A_410 = arith.constant 0 : i32
      %dma_wait3A_411 = tpu.memref_slice %arg13[%dma_wait3A_409, %dma_wait3A_410] : memref<8x128xf32, #tpu.memory_space<vmem>> -> memref<1x128xf32, #tpu.memory_space<vmem>>
      %dma_wait3A_412 = tpu.memref_squeeze %dma_wait3A_411 : memref<1x128xf32, #tpu.memory_space<vmem>> -> memref<128xf32, #tpu.memory_space<vmem>>
      %dma_wait3A_413 = arith.constant 0 : i32
      %dma_wait3A_414 = tpu.memref_slice %arg10[%dma_wait3A_408, %dma_wait3A_413] : memref<8x128xi32, #tpu.memory_space<vmem>> -> memref<1x128xi32, #tpu.memory_space<vmem>>
      %dma_wait3A_415 = tpu.memref_squeeze %dma_wait3A_414 : memref<1x128xi32, #tpu.memory_space<vmem>> -> memref<128xi32, #tpu.memory_space<vmem>>
      %dma_wait3A_416 = arith.constant 0 : i32
      %dma_wait3A_417 = tpu.memref_slice %arg16[%dma_wait3A_416] : memref<1001088xf32, #tpu.memory_space<vmem_shared>> -> memref<1001088xf32, #tpu.memory_space<vmem_shared>>
      tpu.wait_indirect_dma semaphore(%arg18 : memref<!tpu.dma_semaphore, #tpu.memory_space<semaphore_mem>>) src(%dma_wait3A_417 : memref<1001088xf32, #tpu.memory_space<vmem_shared>>) dst(%dma_wait3A_412 : memref<128xf32, #tpu.memory_space<vmem>>)
      %dma_wait3A_418 = arith.constant 3 : i32
      %dma_wait3A_419 = arith.constant 3 : i32
      %dma_wait3A_420 = arith.constant 0 : i32
      %dma_wait3A_421 = tpu.memref_slice %arg14[%dma_wait3A_419, %dma_wait3A_420] : memref<8x128xf32, #tpu.memory_space<vmem>> -> memref<1x128xf32, #tpu.memory_space<vmem>>
      %dma_wait3A_422 = tpu.memref_squeeze %dma_wait3A_421 : memref<1x128xf32, #tpu.memory_space<vmem>> -> memref<128xf32, #tpu.memory_space<vmem>>
      %dma_wait3A_423 = arith.constant 0 : i32
      %dma_wait3A_424 = tpu.memref_slice %arg11[%dma_wait3A_418, %dma_wait3A_423] : memref<8x128xi32, #tpu.memory_space<vmem>> -> memref<1x128xi32, #tpu.memory_space<vmem>>
      %dma_wait3A_425 = tpu.memref_squeeze %dma_wait3A_424 : memref<1x128xi32, #tpu.memory_space<vmem>> -> memref<128xi32, #tpu.memory_space<vmem>>
      %dma_wait3A_426 = arith.constant 0 : i32
      %dma_wait3A_427 = tpu.memref_slice %arg16[%dma_wait3A_426] : memref<1001088xf32, #tpu.memory_space<vmem_shared>> -> memref<1001088xf32, #tpu.memory_space<vmem_shared>>
      tpu.wait_indirect_dma semaphore(%arg18 : memref<!tpu.dma_semaphore, #tpu.memory_space<semaphore_mem>>) src(%dma_wait3A_427 : memref<1001088xf32, #tpu.memory_space<vmem_shared>>) dst(%dma_wait3A_422 : memref<128xf32, #tpu.memory_space<vmem>>)
      %dma_wait3A_428 = arith.constant 4 : i32
      %dma_wait3A_429 = arith.constant 4 : i32
      %dma_wait3A_430 = arith.constant 0 : i32
      %dma_wait3A_431 = tpu.memref_slice %arg12[%dma_wait3A_429, %dma_wait3A_430] : memref<8x128xf32, #tpu.memory_space<vmem>> -> memref<1x128xf32, #tpu.memory_space<vmem>>
      %dma_wait3A_432 = tpu.memref_squeeze %dma_wait3A_431 : memref<1x128xf32, #tpu.memory_space<vmem>> -> memref<128xf32, #tpu.memory_space<vmem>>
      %dma_wait3A_433 = arith.constant 0 : i32
      %dma_wait3A_434 = tpu.memref_slice %arg9[%dma_wait3A_428, %dma_wait3A_433] : memref<8x128xi32, #tpu.memory_space<vmem>> -> memref<1x128xi32, #tpu.memory_space<vmem>>
      %dma_wait3A_435 = tpu.memref_squeeze %dma_wait3A_434 : memref<1x128xi32, #tpu.memory_space<vmem>> -> memref<128xi32, #tpu.memory_space<vmem>>
      %dma_wait3A_436 = arith.constant 0 : i32
      %dma_wait3A_437 = tpu.memref_slice %arg16[%dma_wait3A_436] : memref<1001088xf32, #tpu.memory_space<vmem_shared>> -> memref<1001088xf32, #tpu.memory_space<vmem_shared>>
      tpu.wait_indirect_dma semaphore(%arg18 : memref<!tpu.dma_semaphore, #tpu.memory_space<semaphore_mem>>) src(%dma_wait3A_437 : memref<1001088xf32, #tpu.memory_space<vmem_shared>>) dst(%dma_wait3A_432 : memref<128xf32, #tpu.memory_space<vmem>>)
      %dma_wait3A_438 = arith.constant 4 : i32
      %dma_wait3A_439 = arith.constant 4 : i32
      %dma_wait3A_440 = arith.constant 0 : i32
      %dma_wait3A_441 = tpu.memref_slice %arg13[%dma_wait3A_439, %dma_wait3A_440] : memref<8x128xf32, #tpu.memory_space<vmem>> -> memref<1x128xf32, #tpu.memory_space<vmem>>
      %dma_wait3A_442 = tpu.memref_squeeze %dma_wait3A_441 : memref<1x128xf32, #tpu.memory_space<vmem>> -> memref<128xf32, #tpu.memory_space<vmem>>
      %dma_wait3A_443 = arith.constant 0 : i32
      %dma_wait3A_444 = tpu.memref_slice %arg10[%dma_wait3A_438, %dma_wait3A_443] : memref<8x128xi32, #tpu.memory_space<vmem>> -> memref<1x128xi32, #tpu.memory_space<vmem>>
      %dma_wait3A_445 = tpu.memref_squeeze %dma_wait3A_444 : memref<1x128xi32, #tpu.memory_space<vmem>> -> memref<128xi32, #tpu.memory_space<vmem>>
      %dma_wait3A_446 = arith.constant 0 : i32
      %dma_wait3A_447 = tpu.memref_slice %arg16[%dma_wait3A_446] : memref<1001088xf32, #tpu.memory_space<vmem_shared>> -> memref<1001088xf32, #tpu.memory_space<vmem_shared>>
      tpu.wait_indirect_dma semaphore(%arg18 : memref<!tpu.dma_semaphore, #tpu.memory_space<semaphore_mem>>) src(%dma_wait3A_447 : memref<1001088xf32, #tpu.memory_space<vmem_shared>>) dst(%dma_wait3A_442 : memref<128xf32, #tpu.memory_space<vmem>>)
      %dma_wait3A_448 = arith.constant 4 : i32
      %dma_wait3A_449 = arith.constant 4 : i32
      %dma_wait3A_450 = arith.constant 0 : i32
      %dma_wait3A_451 = tpu.memref_slice %arg14[%dma_wait3A_449, %dma_wait3A_450] : memref<8x128xf32, #tpu.memory_space<vmem>> -> memref<1x128xf32, #tpu.memory_space<vmem>>
      %dma_wait3A_452 = tpu.memref_squeeze %dma_wait3A_451 : memref<1x128xf32, #tpu.memory_space<vmem>> -> memref<128xf32, #tpu.memory_space<vmem>>
      %dma_wait3A_453 = arith.constant 0 : i32
      %dma_wait3A_454 = tpu.memref_slice %arg11[%dma_wait3A_448, %dma_wait3A_453] : memref<8x128xi32, #tpu.memory_space<vmem>> -> memref<1x128xi32, #tpu.memory_space<vmem>>
      %dma_wait3A_455 = tpu.memref_squeeze %dma_wait3A_454 : memref<1x128xi32, #tpu.memory_space<vmem>> -> memref<128xi32, #tpu.memory_space<vmem>>
      %dma_wait3A_456 = arith.constant 0 : i32
      %dma_wait3A_457 = tpu.memref_slice %arg16[%dma_wait3A_456] : memref<1001088xf32, #tpu.memory_space<vmem_shared>> -> memref<1001088xf32, #tpu.memory_space<vmem_shared>>
      tpu.wait_indirect_dma semaphore(%arg18 : memref<!tpu.dma_semaphore, #tpu.memory_space<semaphore_mem>>) src(%dma_wait3A_457 : memref<1001088xf32, #tpu.memory_space<vmem_shared>>) dst(%dma_wait3A_452 : memref<128xf32, #tpu.memory_space<vmem>>)
      %dma_wait3A_458 = arith.constant 5 : i32
      %dma_wait3A_459 = arith.constant 5 : i32
      %dma_wait3A_460 = arith.constant 0 : i32
      %dma_wait3A_461 = tpu.memref_slice %arg12[%dma_wait3A_459, %dma_wait3A_460] : memref<8x128xf32, #tpu.memory_space<vmem>> -> memref<1x128xf32, #tpu.memory_space<vmem>>
      %dma_wait3A_462 = tpu.memref_squeeze %dma_wait3A_461 : memref<1x128xf32, #tpu.memory_space<vmem>> -> memref<128xf32, #tpu.memory_space<vmem>>
      %dma_wait3A_463 = arith.constant 0 : i32
      %dma_wait3A_464 = tpu.memref_slice %arg9[%dma_wait3A_458, %dma_wait3A_463] : memref<8x128xi32, #tpu.memory_space<vmem>> -> memref<1x128xi32, #tpu.memory_space<vmem>>
      %dma_wait3A_465 = tpu.memref_squeeze %dma_wait3A_464 : memref<1x128xi32, #tpu.memory_space<vmem>> -> memref<128xi32, #tpu.memory_space<vmem>>
      %dma_wait3A_466 = arith.constant 0 : i32
      %dma_wait3A_467 = tpu.memref_slice %arg16[%dma_wait3A_466] : memref<1001088xf32, #tpu.memory_space<vmem_shared>> -> memref<1001088xf32, #tpu.memory_space<vmem_shared>>
      tpu.wait_indirect_dma semaphore(%arg18 : memref<!tpu.dma_semaphore, #tpu.memory_space<semaphore_mem>>) src(%dma_wait3A_467 : memref<1001088xf32, #tpu.memory_space<vmem_shared>>) dst(%dma_wait3A_462 : memref<128xf32, #tpu.memory_space<vmem>>)
      %dma_wait3A_468 = arith.constant 5 : i32
      %dma_wait3A_469 = arith.constant 5 : i32
      %dma_wait3A_470 = arith.constant 0 : i32
      %dma_wait3A_471 = tpu.memref_slice %arg13[%dma_wait3A_469, %dma_wait3A_470] : memref<8x128xf32, #tpu.memory_space<vmem>> -> memref<1x128xf32, #tpu.memory_space<vmem>>
      %dma_wait3A_472 = tpu.memref_squeeze %dma_wait3A_471 : memref<1x128xf32, #tpu.memory_space<vmem>> -> memref<128xf32, #tpu.memory_space<vmem>>
      %dma_wait3A_473 = arith.constant 0 : i32
      %dma_wait3A_474 = tpu.memref_slice %arg10[%dma_wait3A_468, %dma_wait3A_473] : memref<8x128xi32, #tpu.memory_space<vmem>> -> memref<1x128xi32, #tpu.memory_space<vmem>>
      %dma_wait3A_475 = tpu.memref_squeeze %dma_wait3A_474 : memref<1x128xi32, #tpu.memory_space<vmem>> -> memref<128xi32, #tpu.memory_space<vmem>>
      %dma_wait3A_476 = arith.constant 0 : i32
      %dma_wait3A_477 = tpu.memref_slice %arg16[%dma_wait3A_476] : memref<1001088xf32, #tpu.memory_space<vmem_shared>> -> memref<1001088xf32, #tpu.memory_space<vmem_shared>>
      tpu.wait_indirect_dma semaphore(%arg18 : memref<!tpu.dma_semaphore, #tpu.memory_space<semaphore_mem>>) src(%dma_wait3A_477 : memref<1001088xf32, #tpu.memory_space<vmem_shared>>) dst(%dma_wait3A_472 : memref<128xf32, #tpu.memory_space<vmem>>)
      %dma_wait3A_478 = arith.constant 5 : i32
      %dma_wait3A_479 = arith.constant 5 : i32
      %dma_wait3A_480 = arith.constant 0 : i32
      %dma_wait3A_481 = tpu.memref_slice %arg14[%dma_wait3A_479, %dma_wait3A_480] : memref<8x128xf32, #tpu.memory_space<vmem>> -> memref<1x128xf32, #tpu.memory_space<vmem>>
      %dma_wait3A_482 = tpu.memref_squeeze %dma_wait3A_481 : memref<1x128xf32, #tpu.memory_space<vmem>> -> memref<128xf32, #tpu.memory_space<vmem>>
      %dma_wait3A_483 = arith.constant 0 : i32
      %dma_wait3A_484 = tpu.memref_slice %arg11[%dma_wait3A_478, %dma_wait3A_483] : memref<8x128xi32, #tpu.memory_space<vmem>> -> memref<1x128xi32, #tpu.memory_space<vmem>>
      %dma_wait3A_485 = tpu.memref_squeeze %dma_wait3A_484 : memref<1x128xi32, #tpu.memory_space<vmem>> -> memref<128xi32, #tpu.memory_space<vmem>>
      %dma_wait3A_486 = arith.constant 0 : i32
      %dma_wait3A_487 = tpu.memref_slice %arg16[%dma_wait3A_486] : memref<1001088xf32, #tpu.memory_space<vmem_shared>> -> memref<1001088xf32, #tpu.memory_space<vmem_shared>>
      tpu.wait_indirect_dma semaphore(%arg18 : memref<!tpu.dma_semaphore, #tpu.memory_space<semaphore_mem>>) src(%dma_wait3A_487 : memref<1001088xf32, #tpu.memory_space<vmem_shared>>) dst(%dma_wait3A_482 : memref<128xf32, #tpu.memory_space<vmem>>)
      %dma_wait3A_488 = arith.constant 6 : i32
      %dma_wait3A_489 = arith.constant 6 : i32
      %dma_wait3A_490 = arith.constant 0 : i32
      %dma_wait3A_491 = tpu.memref_slice %arg12[%dma_wait3A_489, %dma_wait3A_490] : memref<8x128xf32, #tpu.memory_space<vmem>> -> memref<1x128xf32, #tpu.memory_space<vmem>>
      %dma_wait3A_492 = tpu.memref_squeeze %dma_wait3A_491 : memref<1x128xf32, #tpu.memory_space<vmem>> -> memref<128xf32, #tpu.memory_space<vmem>>
      %dma_wait3A_493 = arith.constant 0 : i32
      %dma_wait3A_494 = tpu.memref_slice %arg9[%dma_wait3A_488, %dma_wait3A_493] : memref<8x128xi32, #tpu.memory_space<vmem>> -> memref<1x128xi32, #tpu.memory_space<vmem>>
      %dma_wait3A_495 = tpu.memref_squeeze %dma_wait3A_494 : memref<1x128xi32, #tpu.memory_space<vmem>> -> memref<128xi32, #tpu.memory_space<vmem>>
      %dma_wait3A_496 = arith.constant 0 : i32
      %dma_wait3A_497 = tpu.memref_slice %arg16[%dma_wait3A_496] : memref<1001088xf32, #tpu.memory_space<vmem_shared>> -> memref<1001088xf32, #tpu.memory_space<vmem_shared>>
      tpu.wait_indirect_dma semaphore(%arg18 : memref<!tpu.dma_semaphore, #tpu.memory_space<semaphore_mem>>) src(%dma_wait3A_497 : memref<1001088xf32, #tpu.memory_space<vmem_shared>>) dst(%dma_wait3A_492 : memref<128xf32, #tpu.memory_space<vmem>>)
      %dma_wait3A_498 = arith.constant 6 : i32
      %dma_wait3A_499 = arith.constant 6 : i32
      %dma_wait3A_500 = arith.constant 0 : i32
      %dma_wait3A_501 = tpu.memref_slice %arg13[%dma_wait3A_499, %dma_wait3A_500] : memref<8x128xf32, #tpu.memory_space<vmem>> -> memref<1x128xf32, #tpu.memory_space<vmem>>
      %dma_wait3A_502 = tpu.memref_squeeze %dma_wait3A_501 : memref<1x128xf32, #tpu.memory_space<vmem>> -> memref<128xf32, #tpu.memory_space<vmem>>
      %dma_wait3A_503 = arith.constant 0 : i32
      %dma_wait3A_504 = tpu.memref_slice %arg10[%dma_wait3A_498, %dma_wait3A_503] : memref<8x128xi32, #tpu.memory_space<vmem>> -> memref<1x128xi32, #tpu.memory_space<vmem>>
      %dma_wait3A_505 = tpu.memref_squeeze %dma_wait3A_504 : memref<1x128xi32, #tpu.memory_space<vmem>> -> memref<128xi32, #tpu.memory_space<vmem>>
      %dma_wait3A_506 = arith.constant 0 : i32
      %dma_wait3A_507 = tpu.memref_slice %arg16[%dma_wait3A_506] : memref<1001088xf32, #tpu.memory_space<vmem_shared>> -> memref<1001088xf32, #tpu.memory_space<vmem_shared>>
      tpu.wait_indirect_dma semaphore(%arg18 : memref<!tpu.dma_semaphore, #tpu.memory_space<semaphore_mem>>) src(%dma_wait3A_507 : memref<1001088xf32, #tpu.memory_space<vmem_shared>>) dst(%dma_wait3A_502 : memref<128xf32, #tpu.memory_space<vmem>>)
      %dma_wait3A_508 = arith.constant 6 : i32
      %dma_wait3A_509 = arith.constant 6 : i32
      %dma_wait3A_510 = arith.constant 0 : i32
      %dma_wait3A_511 = tpu.memref_slice %arg14[%dma_wait3A_509, %dma_wait3A_510] : memref<8x128xf32, #tpu.memory_space<vmem>> -> memref<1x128xf32, #tpu.memory_space<vmem>>
      %dma_wait3A_512 = tpu.memref_squeeze %dma_wait3A_511 : memref<1x128xf32, #tpu.memory_space<vmem>> -> memref<128xf32, #tpu.memory_space<vmem>>
      %dma_wait3A_513 = arith.constant 0 : i32
      %dma_wait3A_514 = tpu.memref_slice %arg11[%dma_wait3A_508, %dma_wait3A_513] : memref<8x128xi32, #tpu.memory_space<vmem>> -> memref<1x128xi32, #tpu.memory_space<vmem>>
      %dma_wait3A_515 = tpu.memref_squeeze %dma_wait3A_514 : memref<1x128xi32, #tpu.memory_space<vmem>> -> memref<128xi32, #tpu.memory_space<vmem>>
      %dma_wait3A_516 = arith.constant 0 : i32
      %dma_wait3A_517 = tpu.memref_slice %arg16[%dma_wait3A_516] : memref<1001088xf32, #tpu.memory_space<vmem_shared>> -> memref<1001088xf32, #tpu.memory_space<vmem_shared>>
      tpu.wait_indirect_dma semaphore(%arg18 : memref<!tpu.dma_semaphore, #tpu.memory_space<semaphore_mem>>) src(%dma_wait3A_517 : memref<1001088xf32, #tpu.memory_space<vmem_shared>>) dst(%dma_wait3A_512 : memref<128xf32, #tpu.memory_space<vmem>>)
      %dma_wait3A_518 = arith.constant 7 : i32
      %dma_wait3A_519 = arith.constant 7 : i32
      %dma_wait3A_520 = arith.constant 0 : i32
      %dma_wait3A_521 = tpu.memref_slice %arg12[%dma_wait3A_519, %dma_wait3A_520] : memref<8x128xf32, #tpu.memory_space<vmem>> -> memref<1x128xf32, #tpu.memory_space<vmem>>
      %dma_wait3A_522 = tpu.memref_squeeze %dma_wait3A_521 : memref<1x128xf32, #tpu.memory_space<vmem>> -> memref<128xf32, #tpu.memory_space<vmem>>
      %dma_wait3A_523 = arith.constant 0 : i32
      %dma_wait3A_524 = tpu.memref_slice %arg9[%dma_wait3A_518, %dma_wait3A_523] : memref<8x128xi32, #tpu.memory_space<vmem>> -> memref<1x128xi32, #tpu.memory_space<vmem>>
      %dma_wait3A_525 = tpu.memref_squeeze %dma_wait3A_524 : memref<1x128xi32, #tpu.memory_space<vmem>> -> memref<128xi32, #tpu.memory_space<vmem>>
      %dma_wait3A_526 = arith.constant 0 : i32
      %dma_wait3A_527 = tpu.memref_slice %arg16[%dma_wait3A_526] : memref<1001088xf32, #tpu.memory_space<vmem_shared>> -> memref<1001088xf32, #tpu.memory_space<vmem_shared>>
      tpu.wait_indirect_dma semaphore(%arg18 : memref<!tpu.dma_semaphore, #tpu.memory_space<semaphore_mem>>) src(%dma_wait3A_527 : memref<1001088xf32, #tpu.memory_space<vmem_shared>>) dst(%dma_wait3A_522 : memref<128xf32, #tpu.memory_space<vmem>>)
      %dma_wait3A_528 = arith.constant 7 : i32
      %dma_wait3A_529 = arith.constant 7 : i32
      %dma_wait3A_530 = arith.constant 0 : i32
      %dma_wait3A_531 = tpu.memref_slice %arg13[%dma_wait3A_529, %dma_wait3A_530] : memref<8x128xf32, #tpu.memory_space<vmem>> -> memref<1x128xf32, #tpu.memory_space<vmem>>
      %dma_wait3A_532 = tpu.memref_squeeze %dma_wait3A_531 : memref<1x128xf32, #tpu.memory_space<vmem>> -> memref<128xf32, #tpu.memory_space<vmem>>
      %dma_wait3A_533 = arith.constant 0 : i32
      %dma_wait3A_534 = tpu.memref_slice %arg10[%dma_wait3A_528, %dma_wait3A_533] : memref<8x128xi32, #tpu.memory_space<vmem>> -> memref<1x128xi32, #tpu.memory_space<vmem>>
      %dma_wait3A_535 = tpu.memref_squeeze %dma_wait3A_534 : memref<1x128xi32, #tpu.memory_space<vmem>> -> memref<128xi32, #tpu.memory_space<vmem>>
      %dma_wait3A_536 = arith.constant 0 : i32
      %dma_wait3A_537 = tpu.memref_slice %arg16[%dma_wait3A_536] : memref<1001088xf32, #tpu.memory_space<vmem_shared>> -> memref<1001088xf32, #tpu.memory_space<vmem_shared>>
      tpu.wait_indirect_dma semaphore(%arg18 : memref<!tpu.dma_semaphore, #tpu.memory_space<semaphore_mem>>) src(%dma_wait3A_537 : memref<1001088xf32, #tpu.memory_space<vmem_shared>>) dst(%dma_wait3A_532 : memref<128xf32, #tpu.memory_space<vmem>>)
      %dma_wait3A_538 = arith.constant 7 : i32
      %dma_wait3A_539 = arith.constant 7 : i32
      %dma_wait3A_540 = arith.constant 0 : i32
      %dma_wait3A_541 = tpu.memref_slice %arg14[%dma_wait3A_539, %dma_wait3A_540] : memref<8x128xf32, #tpu.memory_space<vmem>> -> memref<1x128xf32, #tpu.memory_space<vmem>>
      %dma_wait3A_542 = tpu.memref_squeeze %dma_wait3A_541 : memref<1x128xf32, #tpu.memory_space<vmem>> -> memref<128xf32, #tpu.memory_space<vmem>>
      %dma_wait3A_543 = arith.constant 0 : i32
      %dma_wait3A_544 = tpu.memref_slice %arg11[%dma_wait3A_538, %dma_wait3A_543] : memref<8x128xi32, #tpu.memory_space<vmem>> -> memref<1x128xi32, #tpu.memory_space<vmem>>
      %dma_wait3A_545 = tpu.memref_squeeze %dma_wait3A_544 : memref<1x128xi32, #tpu.memory_space<vmem>> -> memref<128xi32, #tpu.memory_space<vmem>>
      %dma_wait3A_546 = arith.constant 0 : i32
      %dma_wait3A_547 = tpu.memref_slice %arg16[%dma_wait3A_546] : memref<1001088xf32, #tpu.memory_space<vmem_shared>> -> memref<1001088xf32, #tpu.memory_space<vmem_shared>>
      tpu.wait_indirect_dma semaphore(%arg18 : memref<!tpu.dma_semaphore, #tpu.memory_space<semaphore_mem>>) src(%dma_wait3A_547 : memref<1001088xf32, #tpu.memory_space<vmem_shared>>) dst(%dma_wait3A_542 : memref<128xf32, #tpu.memory_space<vmem>>)
      %barrier3A_548 = arith.constant 0 : index
      tpu.barrier barrier_id(%barrier3A_548)
      %lt3A = arith.constant 31 : i32
      %lt3A_549 = arith.cmpi slt, %scan3A_39, %lt3A : i32
      %convert_element_type3A_550 = arith.extui %lt3A_549 : i1 to i32
      %cond3A_551 = arith.constant 0 : i32
      %cond3A_552 = arith.cmpi ne, %convert_element_type3A_550, %cond3A_551 : i32
      scf.if %cond3A_552 {
        %add3A_1767 = arith.constant 1 : i32
        %add3A_1768 = arith.addi %add3A, %add3A_1767 : i32
        %eq3A_1769 = arith.constant 0 : i32
        %eq3A_1770 = arith.cmpi eq, %arg1, %eq3A_1769 : i32
        %convert_element_type3A_1771 = arith.extui %eq3A_1770 : i1 to i32
        %cond3A_1772 = arith.constant 0 : i32
        %cond3A_1773 = arith.cmpi ne, %convert_element_type3A_1771, %cond3A_1772 : i32
        scf.if %cond3A_1773 {
          %dma_start3A_1799 = arith.constant 0 : i32
          %dma_start3A_1800 = tpu.memref_slice %arg16[%dma_start3A_1799] : memref<1001088xf32, #tpu.memory_space<vmem_shared>> -> memref<249856xf32, #tpu.memory_space<vmem_shared>>
          %dma_start3A_1801 = arith.constant 0 : i32
          %dma_start3A_1802 = tpu.memref_slice %arg5[%add3A_1768, %dma_start3A_1801] : memref<64x1000000xf32, #tpu.memory_space<hbm>> -> memref<1x249856xf32, #tpu.memory_space<hbm>>
          %dma_start3A_1803 = tpu.memref_squeeze %dma_start3A_1802 : memref<1x249856xf32, #tpu.memory_space<hbm>> -> memref<249856xf32, #tpu.memory_space<hbm>>
          tpu.enqueue_dma source(%dma_start3A_1803 : memref<249856xf32, #tpu.memory_space<hbm>>) target(%dma_start3A_1800 : memref<249856xf32, #tpu.memory_space<vmem_shared>>) target_semaphore(%arg17 : memref<!tpu.dma_semaphore, #tpu.memory_space<semaphore_mem>>)
        } else {
        }
        %eq3A_1774 = arith.constant 1 : i32
        %eq3A_1775 = arith.cmpi eq, %arg1, %eq3A_1774 : i32
        %convert_element_type3A_1776 = arith.extui %eq3A_1775 : i1 to i32
        %cond3A_1777 = arith.constant 0 : i32
        %cond3A_1778 = arith.cmpi ne, %convert_element_type3A_1776, %cond3A_1777 : i32
        scf.if %cond3A_1778 {
          %dma_start3A_1799 = arith.constant 249856 : i32
          %dma_start3A_1800 = tpu.memref_slice %arg16[%dma_start3A_1799] : memref<1001088xf32, #tpu.memory_space<vmem_shared>> -> memref<249856xf32, #tpu.memory_space<vmem_shared>>
          %dma_start3A_1801 = arith.constant 249856 : i32
          %dma_start3A_1802 = tpu.memref_slice %arg5[%add3A_1768, %dma_start3A_1801] : memref<64x1000000xf32, #tpu.memory_space<hbm>> -> memref<1x249856xf32, #tpu.memory_space<hbm>>
          %dma_start3A_1803 = tpu.memref_squeeze %dma_start3A_1802 : memref<1x249856xf32, #tpu.memory_space<hbm>> -> memref<249856xf32, #tpu.memory_space<hbm>>
          tpu.enqueue_dma source(%dma_start3A_1803 : memref<249856xf32, #tpu.memory_space<hbm>>) target(%dma_start3A_1800 : memref<249856xf32, #tpu.memory_space<vmem_shared>>) target_semaphore(%arg17 : memref<!tpu.dma_semaphore, #tpu.memory_space<semaphore_mem>>)
        } else {
        }
        %eq3A_1779 = arith.constant 2 : i32
        %eq3A_1780 = arith.cmpi eq, %arg1, %eq3A_1779 : i32
        %convert_element_type3A_1781 = arith.extui %eq3A_1780 : i1 to i32
        %cond3A_1782 = arith.constant 0 : i32
        %cond3A_1783 = arith.cmpi ne, %convert_element_type3A_1781, %cond3A_1782 : i32
        scf.if %cond3A_1783 {
          %dma_start3A_1799 = arith.constant 499712 : i32
          %dma_start3A_1800 = tpu.memref_slice %arg16[%dma_start3A_1799] : memref<1001088xf32, #tpu.memory_space<vmem_shared>> -> memref<249856xf32, #tpu.memory_space<vmem_shared>>
          %dma_start3A_1801 = arith.constant 499712 : i32
          %dma_start3A_1802 = tpu.memref_slice %arg5[%add3A_1768, %dma_start3A_1801] : memref<64x1000000xf32, #tpu.memory_space<hbm>> -> memref<1x249856xf32, #tpu.memory_space<hbm>>
          %dma_start3A_1803 = tpu.memref_squeeze %dma_start3A_1802 : memref<1x249856xf32, #tpu.memory_space<hbm>> -> memref<249856xf32, #tpu.memory_space<hbm>>
          tpu.enqueue_dma source(%dma_start3A_1803 : memref<249856xf32, #tpu.memory_space<hbm>>) target(%dma_start3A_1800 : memref<249856xf32, #tpu.memory_space<vmem_shared>>) target_semaphore(%arg17 : memref<!tpu.dma_semaphore, #tpu.memory_space<semaphore_mem>>)
        } else {
        }
        %eq3A_1784 = arith.constant 3 : i32
        %eq3A_1785 = arith.cmpi eq, %arg1, %eq3A_1784 : i32
        %convert_element_type3A_1786 = arith.extui %eq3A_1785 : i1 to i32
        %cond3A_1787 = arith.constant 0 : i32
        %cond3A_1788 = arith.cmpi ne, %convert_element_type3A_1786, %cond3A_1787 : i32
        scf.if %cond3A_1788 {
          %dma_start3A_1799 = arith.constant 749568 : i32
          %dma_start3A_1800 = tpu.memref_slice %arg16[%dma_start3A_1799] : memref<1001088xf32, #tpu.memory_space<vmem_shared>> -> memref<249856xf32, #tpu.memory_space<vmem_shared>>
          %dma_start3A_1801 = arith.constant 749568 : i32
          %dma_start3A_1802 = tpu.memref_slice %arg5[%add3A_1768, %dma_start3A_1801] : memref<64x1000000xf32, #tpu.memory_space<hbm>> -> memref<1x249856xf32, #tpu.memory_space<hbm>>
          %dma_start3A_1803 = tpu.memref_squeeze %dma_start3A_1802 : memref<1x249856xf32, #tpu.memory_space<hbm>> -> memref<249856xf32, #tpu.memory_space<hbm>>
          tpu.enqueue_dma source(%dma_start3A_1803 : memref<249856xf32, #tpu.memory_space<hbm>>) target(%dma_start3A_1800 : memref<249856xf32, #tpu.memory_space<vmem_shared>>) target_semaphore(%arg17 : memref<!tpu.dma_semaphore, #tpu.memory_space<semaphore_mem>>)
        } else {
        }
        %eq3A_1789 = arith.constant 4 : i32
        %eq3A_1790 = arith.cmpi eq, %arg1, %eq3A_1789 : i32
        %convert_element_type3A_1791 = arith.extui %eq3A_1790 : i1 to i32
        %cond3A_1792 = arith.constant 0 : i32
        %cond3A_1793 = arith.cmpi ne, %convert_element_type3A_1791, %cond3A_1792 : i32
        scf.if %cond3A_1793 {
          %dma_start3A_1799 = arith.constant 999424 : i32
          %dma_start3A_1800 = tpu.memref_slice %arg16[%dma_start3A_1799] : memref<1001088xf32, #tpu.memory_space<vmem_shared>> -> memref<640xf32, #tpu.memory_space<vmem_shared>>
          %dma_start3A_1801 = arith.constant 0 : i32
          %dma_start3A_1802 = tpu.memref_slice %arg6[%add3A_1768, %dma_start3A_1801] : memref<64x640xf32, #tpu.memory_space<hbm>> -> memref<1x640xf32, #tpu.memory_space<hbm>>
          %dma_start3A_1803 = tpu.memref_squeeze %dma_start3A_1802 : memref<1x640xf32, #tpu.memory_space<hbm>> -> memref<640xf32, #tpu.memory_space<hbm>>
          tpu.enqueue_dma source(%dma_start3A_1803 : memref<640xf32, #tpu.memory_space<hbm>>) target(%dma_start3A_1800 : memref<640xf32, #tpu.memory_space<vmem_shared>>) target_semaphore(%arg17 : memref<!tpu.dma_semaphore, #tpu.memory_space<semaphore_mem>>)
        } else {
        }
        %eq3A_1794 = arith.constant 5 : i32
        %eq3A_1795 = arith.cmpi eq, %arg1, %eq3A_1794 : i32
        %convert_element_type3A_1796 = arith.extui %eq3A_1795 : i1 to i32
        %cond3A_1797 = arith.constant 0 : i32
        %cond3A_1798 = arith.cmpi ne, %convert_element_type3A_1796, %cond3A_1797 : i32
        scf.if %cond3A_1798 {
          %dma_start3A_1799 = arith.constant 1000064 : i32
          %dma_start3A_1800 = tpu.memref_slice %arg16[%dma_start3A_1799] : memref<1001088xf32, #tpu.memory_space<vmem_shared>> -> memref<1024xf32, #tpu.memory_space<vmem_shared>>
          %dma_start3A_1801 = arith.constant 0 : i32
          %dma_start3A_1802 = tpu.memref_slice %arg7[%add3A_1768, %dma_start3A_1801] : memref<64x1024xf32, #tpu.memory_space<hbm>> -> memref<1x1024xf32, #tpu.memory_space<hbm>>
          %dma_start3A_1803 = tpu.memref_squeeze %dma_start3A_1802 : memref<1x1024xf32, #tpu.memory_space<hbm>> -> memref<1024xf32, #tpu.memory_space<hbm>>
          tpu.enqueue_dma source(%dma_start3A_1803 : memref<1024xf32, #tpu.memory_space<hbm>>) target(%dma_start3A_1800 : memref<1024xf32, #tpu.memory_space<vmem_shared>>) target_semaphore(%arg17 : memref<!tpu.dma_semaphore, #tpu.memory_space<semaphore_mem>>)
        } else {
        }
      } else {
      }
      %get3A = arith.constant 0 : index
      %get3A_553 = tpu.vector_load %arg15[%get3A] {strides = array<i32>} : memref<1024xf32, #tpu.memory_space<vmem>>, vector<16xf32>,
      %get3A_554 = arith.constant 0 : i32
      %get3A_555 = arith.index_cast %get3A_554 : i32 to index
      %get3A_556 = arith.constant 0 : index
      %get3A_557 = tpu.vector_load %arg12[%get3A_555, %get3A_556] {strides = array<i32>} : memref<8x128xf32, #tpu.memory_space<vmem>>, vector<16xf32>,
      %get3A_558 = arith.constant 0 : i32
      %get3A_559 = arith.index_cast %get3A_558 : i32 to index
      %get3A_560 = arith.constant 0 : index
      %get3A_561 = tpu.vector_load %arg14[%get3A_559, %get3A_560] {strides = array<i32>} : memref<8x128xf32, #tpu.memory_space<vmem>>, vector<16xf32>,
      %mul3A_562 = arith.mulf %get3A_557, %get3A_561 : vector<16xf32>
      %get3A_563 = arith.constant 0 : i32
      %get3A_564 = arith.index_cast %get3A_563 : i32 to index
      %get3A_565 = arith.constant 0 : index
      %get3A_566 = tpu.vector_load %arg13[%get3A_564, %get3A_565] {strides = array<i32>} : memref<8x128xf32, #tpu.memory_space<vmem>>, vector<16xf32>,
      %mul3A_567 = arith.mulf %mul3A_562, %get3A_566 : vector<16xf32>
      %add3A_568 = arith.addf %get3A_553, %mul3A_567 : vector<16xf32>
      %swap3A = arith.constant 0 : index
      %swap3A_569 = tpu.vector_load %arg15[%swap3A] {strides = array<i32>} : memref<1024xf32, #tpu.memory_space<vmem>>, vector<16xf32>,
      tpu.vector_store %arg15[%swap3A], %add3A_568 {strides = array<i32>} : memref<1024xf32, #tpu.memory_space<vmem>>, vector<16xf32>,
      %get3A_570 = arith.constant 16 : index
      %get3A_571 = tpu.vector_load %arg15[%get3A_570] {strides = array<i32>} : memref<1024xf32, #tpu.memory_space<vmem>>, vector<16xf32>,
      %get3A_572 = arith.constant 0 : i32
      %get3A_573 = arith.index_cast %get3A_572 : i32 to index
      %get3A_574 = arith.constant 16 : index
      %get3A_575 = tpu.vector_load %arg12[%get3A_573, %get3A_574] {strides = array<i32>} : memref<8x128xf32, #tpu.memory_space<vmem>>, vector<16xf32>,
      %get3A_576 = arith.constant 0 : i32
      %get3A_577 = arith.index_cast %get3A_576 : i32 to index
      %get3A_578 = arith.constant 16 : index
      %get3A_579 = tpu.vector_load %arg14[%get3A_577, %get3A_578] {strides = array<i32>} : memref<8x128xf32, #tpu.memory_space<vmem>>, vector<16xf32>,
      %mul3A_580 = arith.mulf %get3A_575, %get3A_579 : vector<16xf32>
      %get3A_581 = arith.constant 0 : i32
      %get3A_582 = arith.index_cast %get3A_581 : i32 to index
      %get3A_583 = arith.constant 16 : index
      %get3A_584 = tpu.vector_load %arg13[%get3A_582, %get3A_583] {strides = array<i32>} : memref<8x128xf32, #tpu.memory_space<vmem>>, vector<16xf32>,
      %mul3A_585 = arith.mulf %mul3A_580, %get3A_584 : vector<16xf32>
      %add3A_586 = arith.addf %get3A_571, %mul3A_585 : vector<16xf32>
      %swap3A_587 = arith.constant 16 : index
      %swap3A_588 = tpu.vector_load %arg15[%swap3A_587] {strides = array<i32>} : memref<1024xf32, #tpu.memory_space<vmem>>, vector<16xf32>,
      tpu.vector_store %arg15[%swap3A_587], %add3A_586 {strides = array<i32>} : memref<1024xf32, #tpu.memory_space<vmem>>, vector<16xf32>,
      %get3A_589 = arith.constant 32 : index
      %get3A_590 = tpu.vector_load %arg15[%get3A_589] {strides = array<i32>} : memref<1024xf32, #tpu.memory_space<vmem>>, vector<16xf32>,
      %get3A_591 = arith.constant 0 : i32
      %get3A_592 = arith.index_cast %get3A_591 : i32 to index
      %get3A_593 = arith.constant 32 : index
      %get3A_594 = tpu.vector_load %arg12[%get3A_592, %get3A_593] {strides = array<i32>} : memref<8x128xf32, #tpu.memory_space<vmem>>, vector<16xf32>,
      %get3A_595 = arith.constant 0 : i32
      %get3A_596 = arith.index_cast %get3A_595 : i32 to index
      %get3A_597 = arith.constant 32 : index
      %get3A_598 = tpu.vector_load %arg14[%get3A_596, %get3A_597] {strides = array<i32>} : memref<8x128xf32, #tpu.memory_space<vmem>>, vector<16xf32>,
      %mul3A_599 = arith.mulf %get3A_594, %get3A_598 : vector<16xf32>
      %get3A_600 = arith.constant 0 : i32
      %get3A_601 = arith.index_cast %get3A_600 : i32 to index
      %get3A_602 = arith.constant 32 : index
      %get3A_603 = tpu.vector_load %arg13[%get3A_601, %get3A_602] {strides = array<i32>} : memref<8x128xf32, #tpu.memory_space<vmem>>, vector<16xf32>,
      %mul3A_604 = arith.mulf %mul3A_599, %get3A_603 : vector<16xf32>
      %add3A_605 = arith.addf %get3A_590, %mul3A_604 : vector<16xf32>
      %swap3A_606 = arith.constant 32 : index
      %swap3A_607 = tpu.vector_load %arg15[%swap3A_606] {strides = array<i32>} : memref<1024xf32, #tpu.memory_space<vmem>>, vector<16xf32>,
      tpu.vector_store %arg15[%swap3A_606], %add3A_605 {strides = array<i32>} : memref<1024xf32, #tpu.memory_space<vmem>>, vector<16xf32>,
      %get3A_608 = arith.constant 48 : index
      %get3A_609 = tpu.vector_load %arg15[%get3A_608] {strides = array<i32>} : memref<1024xf32, #tpu.memory_space<vmem>>, vector<16xf32>,
      %get3A_610 = arith.constant 0 : i32
      %get3A_611 = arith.index_cast %get3A_610 : i32 to index
      %get3A_612 = arith.constant 48 : index
      %get3A_613 = tpu.vector_load %arg12[%get3A_611, %get3A_612] {strides = array<i32>} : memref<8x128xf32, #tpu.memory_space<vmem>>, vector<16xf32>,
      %get3A_614 = arith.constant 0 : i32
      %get3A_615 = arith.index_cast %get3A_614 : i32 to index
      %get3A_616 = arith.constant 48 : index
      %get3A_617 = tpu.vector_load %arg14[%get3A_615, %get3A_616] {strides = array<i32>} : memref<8x128xf32, #tpu.memory_space<vmem>>, vector<16xf32>,
      %mul3A_618 = arith.mulf %get3A_613, %get3A_617 : vector<16xf32>
      %get3A_619 = arith.constant 0 : i32
      %get3A_620 = arith.index_cast %get3A_619 : i32 to index
      %get3A_621 = arith.constant 48 : index
      %get3A_622 = tpu.vector_load %arg13[%get3A_620, %get3A_621] {strides = array<i32>} : memref<8x128xf32, #tpu.memory_space<vmem>>, vector<16xf32>,
      %mul3A_623 = arith.mulf %mul3A_618, %get3A_622 : vector<16xf32>
      %add3A_624 = arith.addf %get3A_609, %mul3A_623 : vector<16xf32>
      %swap3A_625 = arith.constant 48 : index
      %swap3A_626 = tpu.vector_load %arg15[%swap3A_625] {strides = array<i32>} : memref<1024xf32, #tpu.memory_space<vmem>>, vector<16xf32>,
      tpu.vector_store %arg15[%swap3A_625], %add3A_624 {strides = array<i32>} : memref<1024xf32, #tpu.memory_space<vmem>>, vector<16xf32>,
      %get3A_627 = arith.constant 64 : index
      %get3A_628 = tpu.vector_load %arg15[%get3A_627] {strides = array<i32>} : memref<1024xf32, #tpu.memory_space<vmem>>, vector<16xf32>,
      %get3A_629 = arith.constant 0 : i32
      %get3A_630 = arith.index_cast %get3A_629 : i32 to index
      %get3A_631 = arith.constant 64 : index
      %get3A_632 = tpu.vector_load %arg12[%get3A_630, %get3A_631] {strides = array<i32>} : memref<8x128xf32, #tpu.memory_space<vmem>>, vector<16xf32>,
      %get3A_633 = arith.constant 0 : i32
      %get3A_634 = arith.index_cast %get3A_633 : i32 to index
      %get3A_635 = arith.constant 64 : index
      %get3A_636 = tpu.vector_load %arg14[%get3A_634, %get3A_635] {strides = array<i32>} : memref<8x128xf32, #tpu.memory_space<vmem>>, vector<16xf32>,
      %mul3A_637 = arith.mulf %get3A_632, %get3A_636 : vector<16xf32>
      %get3A_638 = arith.constant 0 : i32
      %get3A_639 = arith.index_cast %get3A_638 : i32 to index
      %get3A_640 = arith.constant 64 : index
      %get3A_641 = tpu.vector_load %arg13[%get3A_639, %get3A_640] {strides = array<i32>} : memref<8x128xf32, #tpu.memory_space<vmem>>, vector<16xf32>,
      %mul3A_642 = arith.mulf %mul3A_637, %get3A_641 : vector<16xf32>
      %add3A_643 = arith.addf %get3A_628, %mul3A_642 : vector<16xf32>
      %swap3A_644 = arith.constant 64 : index
      %swap3A_645 = tpu.vector_load %arg15[%swap3A_644] {strides = array<i32>} : memref<1024xf32, #tpu.memory_space<vmem>>, vector<16xf32>,
      tpu.vector_store %arg15[%swap3A_644], %add3A_643 {strides = array<i32>} : memref<1024xf32, #tpu.memory_space<vmem>>, vector<16xf32>,
      %get3A_646 = arith.constant 80 : index
      %get3A_647 = tpu.vector_load %arg15[%get3A_646] {strides = array<i32>} : memref<1024xf32, #tpu.memory_space<vmem>>, vector<16xf32>,
      %get3A_648 = arith.constant 0 : i32
      %get3A_649 = arith.index_cast %get3A_648 : i32 to index
      %get3A_650 = arith.constant 80 : index
      %get3A_651 = tpu.vector_load %arg12[%get3A_649, %get3A_650] {strides = array<i32>} : memref<8x128xf32, #tpu.memory_space<vmem>>, vector<16xf32>,
      %get3A_652 = arith.constant 0 : i32
      %get3A_653 = arith.index_cast %get3A_652 : i32 to index
      %get3A_654 = arith.constant 80 : index
      %get3A_655 = tpu.vector_load %arg14[%get3A_653, %get3A_654] {strides = array<i32>} : memref<8x128xf32, #tpu.memory_space<vmem>>, vector<16xf32>,
      %mul3A_656 = arith.mulf %get3A_651, %get3A_655 : vector<16xf32>
      %get3A_657 = arith.constant 0 : i32
      %get3A_658 = arith.index_cast %get3A_657 : i32 to index
      %get3A_659 = arith.constant 80 : index
      %get3A_660 = tpu.vector_load %arg13[%get3A_658, %get3A_659] {strides = array<i32>} : memref<8x128xf32, #tpu.memory_space<vmem>>, vector<16xf32>,
      %mul3A_661 = arith.mulf %mul3A_656, %get3A_660 : vector<16xf32>
      %add3A_662 = arith.addf %get3A_647, %mul3A_661 : vector<16xf32>
      %swap3A_663 = arith.constant 80 : index
      %swap3A_664 = tpu.vector_load %arg15[%swap3A_663] {strides = array<i32>} : memref<1024xf32, #tpu.memory_space<vmem>>, vector<16xf32>,
      tpu.vector_store %arg15[%swap3A_663], %add3A_662 {strides = array<i32>} : memref<1024xf32, #tpu.memory_space<vmem>>, vector<16xf32>,
      %get3A_665 = arith.constant 96 : index
      %get3A_666 = tpu.vector_load %arg15[%get3A_665] {strides = array<i32>} : memref<1024xf32, #tpu.memory_space<vmem>>, vector<16xf32>,
      %get3A_667 = arith.constant 0 : i32
      %get3A_668 = arith.index_cast %get3A_667 : i32 to index
      %get3A_669 = arith.constant 96 : index
      %get3A_670 = tpu.vector_load %arg12[%get3A_668, %get3A_669] {strides = array<i32>} : memref<8x128xf32, #tpu.memory_space<vmem>>, vector<16xf32>,
      %get3A_671 = arith.constant 0 : i32
      %get3A_672 = arith.index_cast %get3A_671 : i32 to index
      %get3A_673 = arith.constant 96 : index
      %get3A_674 = tpu.vector_load %arg14[%get3A_672, %get3A_673] {strides = array<i32>} : memref<8x128xf32, #tpu.memory_space<vmem>>, vector<16xf32>,
      %mul3A_675 = arith.mulf %get3A_670, %get3A_674 : vector<16xf32>
      %get3A_676 = arith.constant 0 : i32
      %get3A_677 = arith.index_cast %get3A_676 : i32 to index
      %get3A_678 = arith.constant 96 : index
      %get3A_679 = tpu.vector_load %arg13[%get3A_677, %get3A_678] {strides = array<i32>} : memref<8x128xf32, #tpu.memory_space<vmem>>, vector<16xf32>,
      %mul3A_680 = arith.mulf %mul3A_675, %get3A_679 : vector<16xf32>
      %add3A_681 = arith.addf %get3A_666, %mul3A_680 : vector<16xf32>
      %swap3A_682 = arith.constant 96 : index
      %swap3A_683 = tpu.vector_load %arg15[%swap3A_682] {strides = array<i32>} : memref<1024xf32, #tpu.memory_space<vmem>>, vector<16xf32>,
      tpu.vector_store %arg15[%swap3A_682], %add3A_681 {strides = array<i32>} : memref<1024xf32, #tpu.memory_space<vmem>>, vector<16xf32>,
      %get3A_684 = arith.constant 112 : index
      %get3A_685 = tpu.vector_load %arg15[%get3A_684] {strides = array<i32>} : memref<1024xf32, #tpu.memory_space<vmem>>, vector<16xf32>,
      %get3A_686 = arith.constant 0 : i32
      %get3A_687 = arith.index_cast %get3A_686 : i32 to index
      %get3A_688 = arith.constant 112 : index
      %get3A_689 = tpu.vector_load %arg12[%get3A_687, %get3A_688] {strides = array<i32>} : memref<8x128xf32, #tpu.memory_space<vmem>>, vector<16xf32>,
      %get3A_690 = arith.constant 0 : i32
      %get3A_691 = arith.index_cast %get3A_690 : i32 to index
      %get3A_692 = arith.constant 112 : index
      %get3A_693 = tpu.vector_load %arg14[%get3A_691, %get3A_692] {strides = array<i32>} : memref<8x128xf32, #tpu.memory_space<vmem>>, vector<16xf32>,
      %mul3A_694 = arith.mulf %get3A_689, %get3A_693 : vector<16xf32>
      %get3A_695 = arith.constant 0 : i32
      %get3A_696 = arith.index_cast %get3A_695 : i32 to index
      %get3A_697 = arith.constant 112 : index
      %get3A_698 = tpu.vector_load %arg13[%get3A_696, %get3A_697] {strides = array<i32>} : memref<8x128xf32, #tpu.memory_space<vmem>>, vector<16xf32>,
      %mul3A_699 = arith.mulf %mul3A_694, %get3A_698 : vector<16xf32>
      %add3A_700 = arith.addf %get3A_685, %mul3A_699 : vector<16xf32>
      %swap3A_701 = arith.constant 112 : index
      %swap3A_702 = tpu.vector_load %arg15[%swap3A_701] {strides = array<i32>} : memref<1024xf32, #tpu.memory_space<vmem>>, vector<16xf32>,
      tpu.vector_store %arg15[%swap3A_701], %add3A_700 {strides = array<i32>} : memref<1024xf32, #tpu.memory_space<vmem>>, vector<16xf32>,
      %get3A_703 = arith.constant 128 : index
      %get3A_704 = tpu.vector_load %arg15[%get3A_703] {strides = array<i32>} : memref<1024xf32, #tpu.memory_space<vmem>>, vector<16xf32>,
      %get3A_705 = arith.constant 1 : i32
      %get3A_706 = arith.index_cast %get3A_705 : i32 to index
      %get3A_707 = arith.constant 0 : index
      %get3A_708 = tpu.vector_load %arg12[%get3A_706, %get3A_707] {strides = array<i32>} : memref<8x128xf32, #tpu.memory_space<vmem>>, vector<16xf32>,
      %get3A_709 = arith.constant 1 : i32
      %get3A_710 = arith.index_cast %get3A_709 : i32 to index
      %get3A_711 = arith.constant 0 : index
      %get3A_712 = tpu.vector_load %arg14[%get3A_710, %get3A_711] {strides = array<i32>} : memref<8x128xf32, #tpu.memory_space<vmem>>, vector<16xf32>,
      %mul3A_713 = arith.mulf %get3A_708, %get3A_712 : vector<16xf32>
      %get3A_714 = arith.constant 1 : i32
      %get3A_715 = arith.index_cast %get3A_714 : i32 to index
      %get3A_716 = arith.constant 0 : index
      %get3A_717 = tpu.vector_load %arg13[%get3A_715, %get3A_716] {strides = array<i32>} : memref<8x128xf32, #tpu.memory_space<vmem>>, vector<16xf32>,
      %mul3A_718 = arith.mulf %mul3A_713, %get3A_717 : vector<16xf32>
      %add3A_719 = arith.addf %get3A_704, %mul3A_718 : vector<16xf32>
      %swap3A_720 = arith.constant 128 : index
      %swap3A_721 = tpu.vector_load %arg15[%swap3A_720] {strides = array<i32>} : memref<1024xf32, #tpu.memory_space<vmem>>, vector<16xf32>,
      tpu.vector_store %arg15[%swap3A_720], %add3A_719 {strides = array<i32>} : memref<1024xf32, #tpu.memory_space<vmem>>, vector<16xf32>,
      %get3A_722 = arith.constant 144 : index
      %get3A_723 = tpu.vector_load %arg15[%get3A_722] {strides = array<i32>} : memref<1024xf32, #tpu.memory_space<vmem>>, vector<16xf32>,
      %get3A_724 = arith.constant 1 : i32
      %get3A_725 = arith.index_cast %get3A_724 : i32 to index
      %get3A_726 = arith.constant 16 : index
      %get3A_727 = tpu.vector_load %arg12[%get3A_725, %get3A_726] {strides = array<i32>} : memref<8x128xf32, #tpu.memory_space<vmem>>, vector<16xf32>,
      %get3A_728 = arith.constant 1 : i32
      %get3A_729 = arith.index_cast %get3A_728 : i32 to index
      %get3A_730 = arith.constant 16 : index
      %get3A_731 = tpu.vector_load %arg14[%get3A_729, %get3A_730] {strides = array<i32>} : memref<8x128xf32, #tpu.memory_space<vmem>>, vector<16xf32>,
      %mul3A_732 = arith.mulf %get3A_727, %get3A_731 : vector<16xf32>
      %get3A_733 = arith.constant 1 : i32
      %get3A_734 = arith.index_cast %get3A_733 : i32 to index
      %get3A_735 = arith.constant 16 : index
      %get3A_736 = tpu.vector_load %arg13[%get3A_734, %get3A_735] {strides = array<i32>} : memref<8x128xf32, #tpu.memory_space<vmem>>, vector<16xf32>,
      %mul3A_737 = arith.mulf %mul3A_732, %get3A_736 : vector<16xf32>
      %add3A_738 = arith.addf %get3A_723, %mul3A_737 : vector<16xf32>
      %swap3A_739 = arith.constant 144 : index
      %swap3A_740 = tpu.vector_load %arg15[%swap3A_739] {strides = array<i32>} : memref<1024xf32, #tpu.memory_space<vmem>>, vector<16xf32>,
      tpu.vector_store %arg15[%swap3A_739], %add3A_738 {strides = array<i32>} : memref<1024xf32, #tpu.memory_space<vmem>>, vector<16xf32>,
      %get3A_741 = arith.constant 160 : index
      %get3A_742 = tpu.vector_load %arg15[%get3A_741] {strides = array<i32>} : memref<1024xf32, #tpu.memory_space<vmem>>, vector<16xf32>,
      %get3A_743 = arith.constant 1 : i32
      %get3A_744 = arith.index_cast %get3A_743 : i32 to index
      %get3A_745 = arith.constant 32 : index
      %get3A_746 = tpu.vector_load %arg12[%get3A_744, %get3A_745] {strides = array<i32>} : memref<8x128xf32, #tpu.memory_space<vmem>>, vector<16xf32>,
      %get3A_747 = arith.constant 1 : i32
      %get3A_748 = arith.index_cast %get3A_747 : i32 to index
      %get3A_749 = arith.constant 32 : index
      %get3A_750 = tpu.vector_load %arg14[%get3A_748, %get3A_749] {strides = array<i32>} : memref<8x128xf32, #tpu.memory_space<vmem>>, vector<16xf32>,
      %mul3A_751 = arith.mulf %get3A_746, %get3A_750 : vector<16xf32>
      %get3A_752 = arith.constant 1 : i32
      %get3A_753 = arith.index_cast %get3A_752 : i32 to index
      %get3A_754 = arith.constant 32 : index
      %get3A_755 = tpu.vector_load %arg13[%get3A_753, %get3A_754] {strides = array<i32>} : memref<8x128xf32, #tpu.memory_space<vmem>>, vector<16xf32>,
      %mul3A_756 = arith.mulf %mul3A_751, %get3A_755 : vector<16xf32>
      %add3A_757 = arith.addf %get3A_742, %mul3A_756 : vector<16xf32>
      %swap3A_758 = arith.constant 160 : index
      %swap3A_759 = tpu.vector_load %arg15[%swap3A_758] {strides = array<i32>} : memref<1024xf32, #tpu.memory_space<vmem>>, vector<16xf32>,
      tpu.vector_store %arg15[%swap3A_758], %add3A_757 {strides = array<i32>} : memref<1024xf32, #tpu.memory_space<vmem>>, vector<16xf32>,
      %get3A_760 = arith.constant 176 : index
      %get3A_761 = tpu.vector_load %arg15[%get3A_760] {strides = array<i32>} : memref<1024xf32, #tpu.memory_space<vmem>>, vector<16xf32>,
      %get3A_762 = arith.constant 1 : i32
      %get3A_763 = arith.index_cast %get3A_762 : i32 to index
      %get3A_764 = arith.constant 48 : index
      %get3A_765 = tpu.vector_load %arg12[%get3A_763, %get3A_764] {strides = array<i32>} : memref<8x128xf32, #tpu.memory_space<vmem>>, vector<16xf32>,
      %get3A_766 = arith.constant 1 : i32
      %get3A_767 = arith.index_cast %get3A_766 : i32 to index
      %get3A_768 = arith.constant 48 : index
      %get3A_769 = tpu.vector_load %arg14[%get3A_767, %get3A_768] {strides = array<i32>} : memref<8x128xf32, #tpu.memory_space<vmem>>, vector<16xf32>,
      %mul3A_770 = arith.mulf %get3A_765, %get3A_769 : vector<16xf32>
      %get3A_771 = arith.constant 1 : i32
      %get3A_772 = arith.index_cast %get3A_771 : i32 to index
      %get3A_773 = arith.constant 48 : index
      %get3A_774 = tpu.vector_load %arg13[%get3A_772, %get3A_773] {strides = array<i32>} : memref<8x128xf32, #tpu.memory_space<vmem>>, vector<16xf32>,
      %mul3A_775 = arith.mulf %mul3A_770, %get3A_774 : vector<16xf32>
      %add3A_776 = arith.addf %get3A_761, %mul3A_775 : vector<16xf32>
      %swap3A_777 = arith.constant 176 : index
      %swap3A_778 = tpu.vector_load %arg15[%swap3A_777] {strides = array<i32>} : memref<1024xf32, #tpu.memory_space<vmem>>, vector<16xf32>,
      tpu.vector_store %arg15[%swap3A_777], %add3A_776 {strides = array<i32>} : memref<1024xf32, #tpu.memory_space<vmem>>, vector<16xf32>,
      %get3A_779 = arith.constant 192 : index
      %get3A_780 = tpu.vector_load %arg15[%get3A_779] {strides = array<i32>} : memref<1024xf32, #tpu.memory_space<vmem>>, vector<16xf32>,
      %get3A_781 = arith.constant 1 : i32
      %get3A_782 = arith.index_cast %get3A_781 : i32 to index
      %get3A_783 = arith.constant 64 : index
      %get3A_784 = tpu.vector_load %arg12[%get3A_782, %get3A_783] {strides = array<i32>} : memref<8x128xf32, #tpu.memory_space<vmem>>, vector<16xf32>,
      %get3A_785 = arith.constant 1 : i32
      %get3A_786 = arith.index_cast %get3A_785 : i32 to index
      %get3A_787 = arith.constant 64 : index
      %get3A_788 = tpu.vector_load %arg14[%get3A_786, %get3A_787] {strides = array<i32>} : memref<8x128xf32, #tpu.memory_space<vmem>>, vector<16xf32>,
      %mul3A_789 = arith.mulf %get3A_784, %get3A_788 : vector<16xf32>
      %get3A_790 = arith.constant 1 : i32
      %get3A_791 = arith.index_cast %get3A_790 : i32 to index
      %get3A_792 = arith.constant 64 : index
      %get3A_793 = tpu.vector_load %arg13[%get3A_791, %get3A_792] {strides = array<i32>} : memref<8x128xf32, #tpu.memory_space<vmem>>, vector<16xf32>,
      %mul3A_794 = arith.mulf %mul3A_789, %get3A_793 : vector<16xf32>
      %add3A_795 = arith.addf %get3A_780, %mul3A_794 : vector<16xf32>
      %swap3A_796 = arith.constant 192 : index
      %swap3A_797 = tpu.vector_load %arg15[%swap3A_796] {strides = array<i32>} : memref<1024xf32, #tpu.memory_space<vmem>>, vector<16xf32>,
      tpu.vector_store %arg15[%swap3A_796], %add3A_795 {strides = array<i32>} : memref<1024xf32, #tpu.memory_space<vmem>>, vector<16xf32>,
      %get3A_798 = arith.constant 208 : index
      %get3A_799 = tpu.vector_load %arg15[%get3A_798] {strides = array<i32>} : memref<1024xf32, #tpu.memory_space<vmem>>, vector<16xf32>,
      %get3A_800 = arith.constant 1 : i32
      %get3A_801 = arith.index_cast %get3A_800 : i32 to index
      %get3A_802 = arith.constant 80 : index
      %get3A_803 = tpu.vector_load %arg12[%get3A_801, %get3A_802] {strides = array<i32>} : memref<8x128xf32, #tpu.memory_space<vmem>>, vector<16xf32>,
      %get3A_804 = arith.constant 1 : i32
      %get3A_805 = arith.index_cast %get3A_804 : i32 to index
      %get3A_806 = arith.constant 80 : index
      %get3A_807 = tpu.vector_load %arg14[%get3A_805, %get3A_806] {strides = array<i32>} : memref<8x128xf32, #tpu.memory_space<vmem>>, vector<16xf32>,
      %mul3A_808 = arith.mulf %get3A_803, %get3A_807 : vector<16xf32>
      %get3A_809 = arith.constant 1 : i32
      %get3A_810 = arith.index_cast %get3A_809 : i32 to index
      %get3A_811 = arith.constant 80 : index
      %get3A_812 = tpu.vector_load %arg13[%get3A_810, %get3A_811] {strides = array<i32>} : memref<8x128xf32, #tpu.memory_space<vmem>>, vector<16xf32>,
      %mul3A_813 = arith.mulf %mul3A_808, %get3A_812 : vector<16xf32>
      %add3A_814 = arith.addf %get3A_799, %mul3A_813 : vector<16xf32>
      %swap3A_815 = arith.constant 208 : index
      %swap3A_816 = tpu.vector_load %arg15[%swap3A_815] {strides = array<i32>} : memref<1024xf32, #tpu.memory_space<vmem>>, vector<16xf32>,
      tpu.vector_store %arg15[%swap3A_815], %add3A_814 {strides = array<i32>} : memref<1024xf32, #tpu.memory_space<vmem>>, vector<16xf32>,
      %get3A_817 = arith.constant 224 : index
      %get3A_818 = tpu.vector_load %arg15[%get3A_817] {strides = array<i32>} : memref<1024xf32, #tpu.memory_space<vmem>>, vector<16xf32>,
      %get3A_819 = arith.constant 1 : i32
      %get3A_820 = arith.index_cast %get3A_819 : i32 to index
      %get3A_821 = arith.constant 96 : index
      %get3A_822 = tpu.vector_load %arg12[%get3A_820, %get3A_821] {strides = array<i32>} : memref<8x128xf32, #tpu.memory_space<vmem>>, vector<16xf32>,
      %get3A_823 = arith.constant 1 : i32
      %get3A_824 = arith.index_cast %get3A_823 : i32 to index
      %get3A_825 = arith.constant 96 : index
      %get3A_826 = tpu.vector_load %arg14[%get3A_824, %get3A_825] {strides = array<i32>} : memref<8x128xf32, #tpu.memory_space<vmem>>, vector<16xf32>,
      %mul3A_827 = arith.mulf %get3A_822, %get3A_826 : vector<16xf32>
      %get3A_828 = arith.constant 1 : i32
      %get3A_829 = arith.index_cast %get3A_828 : i32 to index
      %get3A_830 = arith.constant 96 : index
      %get3A_831 = tpu.vector_load %arg13[%get3A_829, %get3A_830] {strides = array<i32>} : memref<8x128xf32, #tpu.memory_space<vmem>>, vector<16xf32>,
      %mul3A_832 = arith.mulf %mul3A_827, %get3A_831 : vector<16xf32>
      %add3A_833 = arith.addf %get3A_818, %mul3A_832 : vector<16xf32>
      %swap3A_834 = arith.constant 224 : index
      %swap3A_835 = tpu.vector_load %arg15[%swap3A_834] {strides = array<i32>} : memref<1024xf32, #tpu.memory_space<vmem>>, vector<16xf32>,
      tpu.vector_store %arg15[%swap3A_834], %add3A_833 {strides = array<i32>} : memref<1024xf32, #tpu.memory_space<vmem>>, vector<16xf32>,
      %get3A_836 = arith.constant 240 : index
      %get3A_837 = tpu.vector_load %arg15[%get3A_836] {strides = array<i32>} : memref<1024xf32, #tpu.memory_space<vmem>>, vector<16xf32>,
      %get3A_838 = arith.constant 1 : i32
      %get3A_839 = arith.index_cast %get3A_838 : i32 to index
      %get3A_840 = arith.constant 112 : index
      %get3A_841 = tpu.vector_load %arg12[%get3A_839, %get3A_840] {strides = array<i32>} : memref<8x128xf32, #tpu.memory_space<vmem>>, vector<16xf32>,
      %get3A_842 = arith.constant 1 : i32
      %get3A_843 = arith.index_cast %get3A_842 : i32 to index
      %get3A_844 = arith.constant 112 : index
      %get3A_845 = tpu.vector_load %arg14[%get3A_843, %get3A_844] {strides = array<i32>} : memref<8x128xf32, #tpu.memory_space<vmem>>, vector<16xf32>,
      %mul3A_846 = arith.mulf %get3A_841, %get3A_845 : vector<16xf32>
      %get3A_847 = arith.constant 1 : i32
      %get3A_848 = arith.index_cast %get3A_847 : i32 to index
      %get3A_849 = arith.constant 112 : index
      %get3A_850 = tpu.vector_load %arg13[%get3A_848, %get3A_849] {strides = array<i32>} : memref<8x128xf32, #tpu.memory_space<vmem>>, vector<16xf32>,
      %mul3A_851 = arith.mulf %mul3A_846, %get3A_850 : vector<16xf32>
      %add3A_852 = arith.addf %get3A_837, %mul3A_851 : vector<16xf32>
      %swap3A_853 = arith.constant 240 : index
      %swap3A_854 = tpu.vector_load %arg15[%swap3A_853] {strides = array<i32>} : memref<1024xf32, #tpu.memory_space<vmem>>, vector<16xf32>,
      tpu.vector_store %arg15[%swap3A_853], %add3A_852 {strides = array<i32>} : memref<1024xf32, #tpu.memory_space<vmem>>, vector<16xf32>,
      %get3A_855 = arith.constant 256 : index
      %get3A_856 = tpu.vector_load %arg15[%get3A_855] {strides = array<i32>} : memref<1024xf32, #tpu.memory_space<vmem>>, vector<16xf32>,
      %get3A_857 = arith.constant 2 : i32
      %get3A_858 = arith.index_cast %get3A_857 : i32 to index
      %get3A_859 = arith.constant 0 : index
      %get3A_860 = tpu.vector_load %arg12[%get3A_858, %get3A_859] {strides = array<i32>} : memref<8x128xf32, #tpu.memory_space<vmem>>, vector<16xf32>,
      %get3A_861 = arith.constant 2 : i32
      %get3A_862 = arith.index_cast %get3A_861 : i32 to index
      %get3A_863 = arith.constant 0 : index
      %get3A_864 = tpu.vector_load %arg14[%get3A_862, %get3A_863] {strides = array<i32>} : memref<8x128xf32, #tpu.memory_space<vmem>>, vector<16xf32>,
      %mul3A_865 = arith.mulf %get3A_860, %get3A_864 : vector<16xf32>
      %get3A_866 = arith.constant 2 : i32
      %get3A_867 = arith.index_cast %get3A_866 : i32 to index
      %get3A_868 = arith.constant 0 : index
      %get3A_869 = tpu.vector_load %arg13[%get3A_867, %get3A_868] {strides = array<i32>} : memref<8x128xf32, #tpu.memory_space<vmem>>, vector<16xf32>,
      %mul3A_870 = arith.mulf %mul3A_865, %get3A_869 : vector<16xf32>
      %add3A_871 = arith.addf %get3A_856, %mul3A_870 : vector<16xf32>
      %swap3A_872 = arith.constant 256 : index
      %swap3A_873 = tpu.vector_load %arg15[%swap3A_872] {strides = array<i32>} : memref<1024xf32, #tpu.memory_space<vmem>>, vector<16xf32>,
      tpu.vector_store %arg15[%swap3A_872], %add3A_871 {strides = array<i32>} : memref<1024xf32, #tpu.memory_space<vmem>>, vector<16xf32>,
      %get3A_874 = arith.constant 272 : index
      %get3A_875 = tpu.vector_load %arg15[%get3A_874] {strides = array<i32>} : memref<1024xf32, #tpu.memory_space<vmem>>, vector<16xf32>,
      %get3A_876 = arith.constant 2 : i32
      %get3A_877 = arith.index_cast %get3A_876 : i32 to index
      %get3A_878 = arith.constant 16 : index
      %get3A_879 = tpu.vector_load %arg12[%get3A_877, %get3A_878] {strides = array<i32>} : memref<8x128xf32, #tpu.memory_space<vmem>>, vector<16xf32>,
      %get3A_880 = arith.constant 2 : i32
      %get3A_881 = arith.index_cast %get3A_880 : i32 to index
      %get3A_882 = arith.constant 16 : index
      %get3A_883 = tpu.vector_load %arg14[%get3A_881, %get3A_882] {strides = array<i32>} : memref<8x128xf32, #tpu.memory_space<vmem>>, vector<16xf32>,
      %mul3A_884 = arith.mulf %get3A_879, %get3A_883 : vector<16xf32>
      %get3A_885 = arith.constant 2 : i32
      %get3A_886 = arith.index_cast %get3A_885 : i32 to index
      %get3A_887 = arith.constant 16 : index
      %get3A_888 = tpu.vector_load %arg13[%get3A_886, %get3A_887] {strides = array<i32>} : memref<8x128xf32, #tpu.memory_space<vmem>>, vector<16xf32>,
      %mul3A_889 = arith.mulf %mul3A_884, %get3A_888 : vector<16xf32>
      %add3A_890 = arith.addf %get3A_875, %mul3A_889 : vector<16xf32>
      %swap3A_891 = arith.constant 272 : index
      %swap3A_892 = tpu.vector_load %arg15[%swap3A_891] {strides = array<i32>} : memref<1024xf32, #tpu.memory_space<vmem>>, vector<16xf32>,
      tpu.vector_store %arg15[%swap3A_891], %add3A_890 {strides = array<i32>} : memref<1024xf32, #tpu.memory_space<vmem>>, vector<16xf32>,
      %get3A_893 = arith.constant 288 : index
      %get3A_894 = tpu.vector_load %arg15[%get3A_893] {strides = array<i32>} : memref<1024xf32, #tpu.memory_space<vmem>>, vector<16xf32>,
      %get3A_895 = arith.constant 2 : i32
      %get3A_896 = arith.index_cast %get3A_895 : i32 to index
      %get3A_897 = arith.constant 32 : index
      %get3A_898 = tpu.vector_load %arg12[%get3A_896, %get3A_897] {strides = array<i32>} : memref<8x128xf32, #tpu.memory_space<vmem>>, vector<16xf32>,
      %get3A_899 = arith.constant 2 : i32
      %get3A_900 = arith.index_cast %get3A_899 : i32 to index
      %get3A_901 = arith.constant 32 : index
      %get3A_902 = tpu.vector_load %arg14[%get3A_900, %get3A_901] {strides = array<i32>} : memref<8x128xf32, #tpu.memory_space<vmem>>, vector<16xf32>,
      %mul3A_903 = arith.mulf %get3A_898, %get3A_902 : vector<16xf32>
      %get3A_904 = arith.constant 2 : i32
      %get3A_905 = arith.index_cast %get3A_904 : i32 to index
      %get3A_906 = arith.constant 32 : index
      %get3A_907 = tpu.vector_load %arg13[%get3A_905, %get3A_906] {strides = array<i32>} : memref<8x128xf32, #tpu.memory_space<vmem>>, vector<16xf32>,
      %mul3A_908 = arith.mulf %mul3A_903, %get3A_907 : vector<16xf32>
      %add3A_909 = arith.addf %get3A_894, %mul3A_908 : vector<16xf32>
      %swap3A_910 = arith.constant 288 : index
      %swap3A_911 = tpu.vector_load %arg15[%swap3A_910] {strides = array<i32>} : memref<1024xf32, #tpu.memory_space<vmem>>, vector<16xf32>,
      tpu.vector_store %arg15[%swap3A_910], %add3A_909 {strides = array<i32>} : memref<1024xf32, #tpu.memory_space<vmem>>, vector<16xf32>,
      %get3A_912 = arith.constant 304 : index
      %get3A_913 = tpu.vector_load %arg15[%get3A_912] {strides = array<i32>} : memref<1024xf32, #tpu.memory_space<vmem>>, vector<16xf32>,
      %get3A_914 = arith.constant 2 : i32
      %get3A_915 = arith.index_cast %get3A_914 : i32 to index
      %get3A_916 = arith.constant 48 : index
      %get3A_917 = tpu.vector_load %arg12[%get3A_915, %get3A_916] {strides = array<i32>} : memref<8x128xf32, #tpu.memory_space<vmem>>, vector<16xf32>,
      %get3A_918 = arith.constant 2 : i32
      %get3A_919 = arith.index_cast %get3A_918 : i32 to index
      %get3A_920 = arith.constant 48 : index
      %get3A_921 = tpu.vector_load %arg14[%get3A_919, %get3A_920] {strides = array<i32>} : memref<8x128xf32, #tpu.memory_space<vmem>>, vector<16xf32>,
      %mul3A_922 = arith.mulf %get3A_917, %get3A_921 : vector<16xf32>
      %get3A_923 = arith.constant 2 : i32
      %get3A_924 = arith.index_cast %get3A_923 : i32 to index
      %get3A_925 = arith.constant 48 : index
      %get3A_926 = tpu.vector_load %arg13[%get3A_924, %get3A_925] {strides = array<i32>} : memref<8x128xf32, #tpu.memory_space<vmem>>, vector<16xf32>,
      %mul3A_927 = arith.mulf %mul3A_922, %get3A_926 : vector<16xf32>
      %add3A_928 = arith.addf %get3A_913, %mul3A_927 : vector<16xf32>
      %swap3A_929 = arith.constant 304 : index
      %swap3A_930 = tpu.vector_load %arg15[%swap3A_929] {strides = array<i32>} : memref<1024xf32, #tpu.memory_space<vmem>>, vector<16xf32>,
      tpu.vector_store %arg15[%swap3A_929], %add3A_928 {strides = array<i32>} : memref<1024xf32, #tpu.memory_space<vmem>>, vector<16xf32>,
      %get3A_931 = arith.constant 320 : index
      %get3A_932 = tpu.vector_load %arg15[%get3A_931] {strides = array<i32>} : memref<1024xf32, #tpu.memory_space<vmem>>, vector<16xf32>,
      %get3A_933 = arith.constant 2 : i32
      %get3A_934 = arith.index_cast %get3A_933 : i32 to index
      %get3A_935 = arith.constant 64 : index
      %get3A_936 = tpu.vector_load %arg12[%get3A_934, %get3A_935] {strides = array<i32>} : memref<8x128xf32, #tpu.memory_space<vmem>>, vector<16xf32>,
      %get3A_937 = arith.constant 2 : i32
      %get3A_938 = arith.index_cast %get3A_937 : i32 to index
      %get3A_939 = arith.constant 64 : index
      %get3A_940 = tpu.vector_load %arg14[%get3A_938, %get3A_939] {strides = array<i32>} : memref<8x128xf32, #tpu.memory_space<vmem>>, vector<16xf32>,
      %mul3A_941 = arith.mulf %get3A_936, %get3A_940 : vector<16xf32>
      %get3A_942 = arith.constant 2 : i32
      %get3A_943 = arith.index_cast %get3A_942 : i32 to index
      %get3A_944 = arith.constant 64 : index
      %get3A_945 = tpu.vector_load %arg13[%get3A_943, %get3A_944] {strides = array<i32>} : memref<8x128xf32, #tpu.memory_space<vmem>>, vector<16xf32>,
      %mul3A_946 = arith.mulf %mul3A_941, %get3A_945 : vector<16xf32>
      %add3A_947 = arith.addf %get3A_932, %mul3A_946 : vector<16xf32>
      %swap3A_948 = arith.constant 320 : index
      %swap3A_949 = tpu.vector_load %arg15[%swap3A_948] {strides = array<i32>} : memref<1024xf32, #tpu.memory_space<vmem>>, vector<16xf32>,
      tpu.vector_store %arg15[%swap3A_948], %add3A_947 {strides = array<i32>} : memref<1024xf32, #tpu.memory_space<vmem>>, vector<16xf32>,
      %get3A_950 = arith.constant 336 : index
      %get3A_951 = tpu.vector_load %arg15[%get3A_950] {strides = array<i32>} : memref<1024xf32, #tpu.memory_space<vmem>>, vector<16xf32>,
      %get3A_952 = arith.constant 2 : i32
      %get3A_953 = arith.index_cast %get3A_952 : i32 to index
      %get3A_954 = arith.constant 80 : index
      %get3A_955 = tpu.vector_load %arg12[%get3A_953, %get3A_954] {strides = array<i32>} : memref<8x128xf32, #tpu.memory_space<vmem>>, vector<16xf32>,
      %get3A_956 = arith.constant 2 : i32
      %get3A_957 = arith.index_cast %get3A_956 : i32 to index
      %get3A_958 = arith.constant 80 : index
      %get3A_959 = tpu.vector_load %arg14[%get3A_957, %get3A_958] {strides = array<i32>} : memref<8x128xf32, #tpu.memory_space<vmem>>, vector<16xf32>,
      %mul3A_960 = arith.mulf %get3A_955, %get3A_959 : vector<16xf32>
      %get3A_961 = arith.constant 2 : i32
      %get3A_962 = arith.index_cast %get3A_961 : i32 to index
      %get3A_963 = arith.constant 80 : index
      %get3A_964 = tpu.vector_load %arg13[%get3A_962, %get3A_963] {strides = array<i32>} : memref<8x128xf32, #tpu.memory_space<vmem>>, vector<16xf32>,
      %mul3A_965 = arith.mulf %mul3A_960, %get3A_964 : vector<16xf32>
      %add3A_966 = arith.addf %get3A_951, %mul3A_965 : vector<16xf32>
      %swap3A_967 = arith.constant 336 : index
      %swap3A_968 = tpu.vector_load %arg15[%swap3A_967] {strides = array<i32>} : memref<1024xf32, #tpu.memory_space<vmem>>, vector<16xf32>,
      tpu.vector_store %arg15[%swap3A_967], %add3A_966 {strides = array<i32>} : memref<1024xf32, #tpu.memory_space<vmem>>, vector<16xf32>,
      %get3A_969 = arith.constant 352 : index
      %get3A_970 = tpu.vector_load %arg15[%get3A_969] {strides = array<i32>} : memref<1024xf32, #tpu.memory_space<vmem>>, vector<16xf32>,
      %get3A_971 = arith.constant 2 : i32
      %get3A_972 = arith.index_cast %get3A_971 : i32 to index
      %get3A_973 = arith.constant 96 : index
      %get3A_974 = tpu.vector_load %arg12[%get3A_972, %get3A_973] {strides = array<i32>} : memref<8x128xf32, #tpu.memory_space<vmem>>, vector<16xf32>,
      %get3A_975 = arith.constant 2 : i32
      %get3A_976 = arith.index_cast %get3A_975 : i32 to index
      %get3A_977 = arith.constant 96 : index
      %get3A_978 = tpu.vector_load %arg14[%get3A_976, %get3A_977] {strides = array<i32>} : memref<8x128xf32, #tpu.memory_space<vmem>>, vector<16xf32>,
      %mul3A_979 = arith.mulf %get3A_974, %get3A_978 : vector<16xf32>
      %get3A_980 = arith.constant 2 : i32
      %get3A_981 = arith.index_cast %get3A_980 : i32 to index
      %get3A_982 = arith.constant 96 : index
      %get3A_983 = tpu.vector_load %arg13[%get3A_981, %get3A_982] {strides = array<i32>} : memref<8x128xf32, #tpu.memory_space<vmem>>, vector<16xf32>,
      %mul3A_984 = arith.mulf %mul3A_979, %get3A_983 : vector<16xf32>
      %add3A_985 = arith.addf %get3A_970, %mul3A_984 : vector<16xf32>
      %swap3A_986 = arith.constant 352 : index
      %swap3A_987 = tpu.vector_load %arg15[%swap3A_986] {strides = array<i32>} : memref<1024xf32, #tpu.memory_space<vmem>>, vector<16xf32>,
      tpu.vector_store %arg15[%swap3A_986], %add3A_985 {strides = array<i32>} : memref<1024xf32, #tpu.memory_space<vmem>>, vector<16xf32>,
      %get3A_988 = arith.constant 368 : index
      %get3A_989 = tpu.vector_load %arg15[%get3A_988] {strides = array<i32>} : memref<1024xf32, #tpu.memory_space<vmem>>, vector<16xf32>,
      %get3A_990 = arith.constant 2 : i32
      %get3A_991 = arith.index_cast %get3A_990 : i32 to index
      %get3A_992 = arith.constant 112 : index
      %get3A_993 = tpu.vector_load %arg12[%get3A_991, %get3A_992] {strides = array<i32>} : memref<8x128xf32, #tpu.memory_space<vmem>>, vector<16xf32>,
      %get3A_994 = arith.constant 2 : i32
      %get3A_995 = arith.index_cast %get3A_994 : i32 to index
      %get3A_996 = arith.constant 112 : index
      %get3A_997 = tpu.vector_load %arg14[%get3A_995, %get3A_996] {strides = array<i32>} : memref<8x128xf32, #tpu.memory_space<vmem>>, vector<16xf32>,
      %mul3A_998 = arith.mulf %get3A_993, %get3A_997 : vector<16xf32>
      %get3A_999 = arith.constant 2 : i32
      %get3A_1000 = arith.index_cast %get3A_999 : i32 to index
      %get3A_1001 = arith.constant 112 : index
      %get3A_1002 = tpu.vector_load %arg13[%get3A_1000, %get3A_1001] {strides = array<i32>} : memref<8x128xf32, #tpu.memory_space<vmem>>, vector<16xf32>,
      %mul3A_1003 = arith.mulf %mul3A_998, %get3A_1002 : vector<16xf32>
      %add3A_1004 = arith.addf %get3A_989, %mul3A_1003 : vector<16xf32>
      %swap3A_1005 = arith.constant 368 : index
      %swap3A_1006 = tpu.vector_load %arg15[%swap3A_1005] {strides = array<i32>} : memref<1024xf32, #tpu.memory_space<vmem>>, vector<16xf32>,
      tpu.vector_store %arg15[%swap3A_1005], %add3A_1004 {strides = array<i32>} : memref<1024xf32, #tpu.memory_space<vmem>>, vector<16xf32>,
      %get3A_1007 = arith.constant 384 : index
      %get3A_1008 = tpu.vector_load %arg15[%get3A_1007] {strides = array<i32>} : memref<1024xf32, #tpu.memory_space<vmem>>, vector<16xf32>,
      %get3A_1009 = arith.constant 3 : i32
      %get3A_1010 = arith.index_cast %get3A_1009 : i32 to index
      %get3A_1011 = arith.constant 0 : index
      %get3A_1012 = tpu.vector_load %arg12[%get3A_1010, %get3A_1011] {strides = array<i32>} : memref<8x128xf32, #tpu.memory_space<vmem>>, vector<16xf32>,
      %get3A_1013 = arith.constant 3 : i32
      %get3A_1014 = arith.index_cast %get3A_1013 : i32 to index
      %get3A_1015 = arith.constant 0 : index
      %get3A_1016 = tpu.vector_load %arg14[%get3A_1014, %get3A_1015] {strides = array<i32>} : memref<8x128xf32, #tpu.memory_space<vmem>>, vector<16xf32>,
      %mul3A_1017 = arith.mulf %get3A_1012, %get3A_1016 : vector<16xf32>
      %get3A_1018 = arith.constant 3 : i32
      %get3A_1019 = arith.index_cast %get3A_1018 : i32 to index
      %get3A_1020 = arith.constant 0 : index
      %get3A_1021 = tpu.vector_load %arg13[%get3A_1019, %get3A_1020] {strides = array<i32>} : memref<8x128xf32, #tpu.memory_space<vmem>>, vector<16xf32>,
      %mul3A_1022 = arith.mulf %mul3A_1017, %get3A_1021 : vector<16xf32>
      %add3A_1023 = arith.addf %get3A_1008, %mul3A_1022 : vector<16xf32>
      %swap3A_1024 = arith.constant 384 : index
      %swap3A_1025 = tpu.vector_load %arg15[%swap3A_1024] {strides = array<i32>} : memref<1024xf32, #tpu.memory_space<vmem>>, vector<16xf32>,
      tpu.vector_store %arg15[%swap3A_1024], %add3A_1023 {strides = array<i32>} : memref<1024xf32, #tpu.memory_space<vmem>>, vector<16xf32>,
      %get3A_1026 = arith.constant 400 : index
      %get3A_1027 = tpu.vector_load %arg15[%get3A_1026] {strides = array<i32>} : memref<1024xf32, #tpu.memory_space<vmem>>, vector<16xf32>,
      %get3A_1028 = arith.constant 3 : i32
      %get3A_1029 = arith.index_cast %get3A_1028 : i32 to index
      %get3A_1030 = arith.constant 16 : index
      %get3A_1031 = tpu.vector_load %arg12[%get3A_1029, %get3A_1030] {strides = array<i32>} : memref<8x128xf32, #tpu.memory_space<vmem>>, vector<16xf32>,
      %get3A_1032 = arith.constant 3 : i32
      %get3A_1033 = arith.index_cast %get3A_1032 : i32 to index
      %get3A_1034 = arith.constant 16 : index
      %get3A_1035 = tpu.vector_load %arg14[%get3A_1033, %get3A_1034] {strides = array<i32>} : memref<8x128xf32, #tpu.memory_space<vmem>>, vector<16xf32>,
      %mul3A_1036 = arith.mulf %get3A_1031, %get3A_1035 : vector<16xf32>
      %get3A_1037 = arith.constant 3 : i32
      %get3A_1038 = arith.index_cast %get3A_1037 : i32 to index
      %get3A_1039 = arith.constant 16 : index
      %get3A_1040 = tpu.vector_load %arg13[%get3A_1038, %get3A_1039] {strides = array<i32>} : memref<8x128xf32, #tpu.memory_space<vmem>>, vector<16xf32>,
      %mul3A_1041 = arith.mulf %mul3A_1036, %get3A_1040 : vector<16xf32>
      %add3A_1042 = arith.addf %get3A_1027, %mul3A_1041 : vector<16xf32>
      %swap3A_1043 = arith.constant 400 : index
      %swap3A_1044 = tpu.vector_load %arg15[%swap3A_1043] {strides = array<i32>} : memref<1024xf32, #tpu.memory_space<vmem>>, vector<16xf32>,
      tpu.vector_store %arg15[%swap3A_1043], %add3A_1042 {strides = array<i32>} : memref<1024xf32, #tpu.memory_space<vmem>>, vector<16xf32>,
      %get3A_1045 = arith.constant 416 : index
      %get3A_1046 = tpu.vector_load %arg15[%get3A_1045] {strides = array<i32>} : memref<1024xf32, #tpu.memory_space<vmem>>, vector<16xf32>,
      %get3A_1047 = arith.constant 3 : i32
      %get3A_1048 = arith.index_cast %get3A_1047 : i32 to index
      %get3A_1049 = arith.constant 32 : index
      %get3A_1050 = tpu.vector_load %arg12[%get3A_1048, %get3A_1049] {strides = array<i32>} : memref<8x128xf32, #tpu.memory_space<vmem>>, vector<16xf32>,
      %get3A_1051 = arith.constant 3 : i32
      %get3A_1052 = arith.index_cast %get3A_1051 : i32 to index
      %get3A_1053 = arith.constant 32 : index
      %get3A_1054 = tpu.vector_load %arg14[%get3A_1052, %get3A_1053] {strides = array<i32>} : memref<8x128xf32, #tpu.memory_space<vmem>>, vector<16xf32>,
      %mul3A_1055 = arith.mulf %get3A_1050, %get3A_1054 : vector<16xf32>
      %get3A_1056 = arith.constant 3 : i32
      %get3A_1057 = arith.index_cast %get3A_1056 : i32 to index
      %get3A_1058 = arith.constant 32 : index
      %get3A_1059 = tpu.vector_load %arg13[%get3A_1057, %get3A_1058] {strides = array<i32>} : memref<8x128xf32, #tpu.memory_space<vmem>>, vector<16xf32>,
      %mul3A_1060 = arith.mulf %mul3A_1055, %get3A_1059 : vector<16xf32>
      %add3A_1061 = arith.addf %get3A_1046, %mul3A_1060 : vector<16xf32>
      %swap3A_1062 = arith.constant 416 : index
      %swap3A_1063 = tpu.vector_load %arg15[%swap3A_1062] {strides = array<i32>} : memref<1024xf32, #tpu.memory_space<vmem>>, vector<16xf32>,
      tpu.vector_store %arg15[%swap3A_1062], %add3A_1061 {strides = array<i32>} : memref<1024xf32, #tpu.memory_space<vmem>>, vector<16xf32>,
      %get3A_1064 = arith.constant 432 : index
      %get3A_1065 = tpu.vector_load %arg15[%get3A_1064] {strides = array<i32>} : memref<1024xf32, #tpu.memory_space<vmem>>, vector<16xf32>,
      %get3A_1066 = arith.constant 3 : i32
      %get3A_1067 = arith.index_cast %get3A_1066 : i32 to index
      %get3A_1068 = arith.constant 48 : index
      %get3A_1069 = tpu.vector_load %arg12[%get3A_1067, %get3A_1068] {strides = array<i32>} : memref<8x128xf32, #tpu.memory_space<vmem>>, vector<16xf32>,
      %get3A_1070 = arith.constant 3 : i32
      %get3A_1071 = arith.index_cast %get3A_1070 : i32 to index
      %get3A_1072 = arith.constant 48 : index
      %get3A_1073 = tpu.vector_load %arg14[%get3A_1071, %get3A_1072] {strides = array<i32>} : memref<8x128xf32, #tpu.memory_space<vmem>>, vector<16xf32>,
      %mul3A_1074 = arith.mulf %get3A_1069, %get3A_1073 : vector<16xf32>
      %get3A_1075 = arith.constant 3 : i32
      %get3A_1076 = arith.index_cast %get3A_1075 : i32 to index
      %get3A_1077 = arith.constant 48 : index
      %get3A_1078 = tpu.vector_load %arg13[%get3A_1076, %get3A_1077] {strides = array<i32>} : memref<8x128xf32, #tpu.memory_space<vmem>>, vector<16xf32>,
      %mul3A_1079 = arith.mulf %mul3A_1074, %get3A_1078 : vector<16xf32>
      %add3A_1080 = arith.addf %get3A_1065, %mul3A_1079 : vector<16xf32>
      %swap3A_1081 = arith.constant 432 : index
      %swap3A_1082 = tpu.vector_load %arg15[%swap3A_1081] {strides = array<i32>} : memref<1024xf32, #tpu.memory_space<vmem>>, vector<16xf32>,
      tpu.vector_store %arg15[%swap3A_1081], %add3A_1080 {strides = array<i32>} : memref<1024xf32, #tpu.memory_space<vmem>>, vector<16xf32>,
      %get3A_1083 = arith.constant 448 : index
      %get3A_1084 = tpu.vector_load %arg15[%get3A_1083] {strides = array<i32>} : memref<1024xf32, #tpu.memory_space<vmem>>, vector<16xf32>,
      %get3A_1085 = arith.constant 3 : i32
      %get3A_1086 = arith.index_cast %get3A_1085 : i32 to index
      %get3A_1087 = arith.constant 64 : index
      %get3A_1088 = tpu.vector_load %arg12[%get3A_1086, %get3A_1087] {strides = array<i32>} : memref<8x128xf32, #tpu.memory_space<vmem>>, vector<16xf32>,
      %get3A_1089 = arith.constant 3 : i32
      %get3A_1090 = arith.index_cast %get3A_1089 : i32 to index
      %get3A_1091 = arith.constant 64 : index
      %get3A_1092 = tpu.vector_load %arg14[%get3A_1090, %get3A_1091] {strides = array<i32>} : memref<8x128xf32, #tpu.memory_space<vmem>>, vector<16xf32>,
      %mul3A_1093 = arith.mulf %get3A_1088, %get3A_1092 : vector<16xf32>
      %get3A_1094 = arith.constant 3 : i32
      %get3A_1095 = arith.index_cast %get3A_1094 : i32 to index
      %get3A_1096 = arith.constant 64 : index
      %get3A_1097 = tpu.vector_load %arg13[%get3A_1095, %get3A_1096] {strides = array<i32>} : memref<8x128xf32, #tpu.memory_space<vmem>>, vector<16xf32>,
      %mul3A_1098 = arith.mulf %mul3A_1093, %get3A_1097 : vector<16xf32>
      %add3A_1099 = arith.addf %get3A_1084, %mul3A_1098 : vector<16xf32>
      %swap3A_1100 = arith.constant 448 : index
      %swap3A_1101 = tpu.vector_load %arg15[%swap3A_1100] {strides = array<i32>} : memref<1024xf32, #tpu.memory_space<vmem>>, vector<16xf32>,
      tpu.vector_store %arg15[%swap3A_1100], %add3A_1099 {strides = array<i32>} : memref<1024xf32, #tpu.memory_space<vmem>>, vector<16xf32>,
      %get3A_1102 = arith.constant 464 : index
      %get3A_1103 = tpu.vector_load %arg15[%get3A_1102] {strides = array<i32>} : memref<1024xf32, #tpu.memory_space<vmem>>, vector<16xf32>,
      %get3A_1104 = arith.constant 3 : i32
      %get3A_1105 = arith.index_cast %get3A_1104 : i32 to index
      %get3A_1106 = arith.constant 80 : index
      %get3A_1107 = tpu.vector_load %arg12[%get3A_1105, %get3A_1106] {strides = array<i32>} : memref<8x128xf32, #tpu.memory_space<vmem>>, vector<16xf32>,
      %get3A_1108 = arith.constant 3 : i32
      %get3A_1109 = arith.index_cast %get3A_1108 : i32 to index
      %get3A_1110 = arith.constant 80 : index
      %get3A_1111 = tpu.vector_load %arg14[%get3A_1109, %get3A_1110] {strides = array<i32>} : memref<8x128xf32, #tpu.memory_space<vmem>>, vector<16xf32>,
      %mul3A_1112 = arith.mulf %get3A_1107, %get3A_1111 : vector<16xf32>
      %get3A_1113 = arith.constant 3 : i32
      %get3A_1114 = arith.index_cast %get3A_1113 : i32 to index
      %get3A_1115 = arith.constant 80 : index
      %get3A_1116 = tpu.vector_load %arg13[%get3A_1114, %get3A_1115] {strides = array<i32>} : memref<8x128xf32, #tpu.memory_space<vmem>>, vector<16xf32>,
      %mul3A_1117 = arith.mulf %mul3A_1112, %get3A_1116 : vector<16xf32>
      %add3A_1118 = arith.addf %get3A_1103, %mul3A_1117 : vector<16xf32>
      %swap3A_1119 = arith.constant 464 : index
      %swap3A_1120 = tpu.vector_load %arg15[%swap3A_1119] {strides = array<i32>} : memref<1024xf32, #tpu.memory_space<vmem>>, vector<16xf32>,
      tpu.vector_store %arg15[%swap3A_1119], %add3A_1118 {strides = array<i32>} : memref<1024xf32, #tpu.memory_space<vmem>>, vector<16xf32>,
      %get3A_1121 = arith.constant 480 : index
      %get3A_1122 = tpu.vector_load %arg15[%get3A_1121] {strides = array<i32>} : memref<1024xf32, #tpu.memory_space<vmem>>, vector<16xf32>,
      %get3A_1123 = arith.constant 3 : i32
      %get3A_1124 = arith.index_cast %get3A_1123 : i32 to index
      %get3A_1125 = arith.constant 96 : index
      %get3A_1126 = tpu.vector_load %arg12[%get3A_1124, %get3A_1125] {strides = array<i32>} : memref<8x128xf32, #tpu.memory_space<vmem>>, vector<16xf32>,
      %get3A_1127 = arith.constant 3 : i32
      %get3A_1128 = arith.index_cast %get3A_1127 : i32 to index
      %get3A_1129 = arith.constant 96 : index
      %get3A_1130 = tpu.vector_load %arg14[%get3A_1128, %get3A_1129] {strides = array<i32>} : memref<8x128xf32, #tpu.memory_space<vmem>>, vector<16xf32>,
      %mul3A_1131 = arith.mulf %get3A_1126, %get3A_1130 : vector<16xf32>
      %get3A_1132 = arith.constant 3 : i32
      %get3A_1133 = arith.index_cast %get3A_1132 : i32 to index
      %get3A_1134 = arith.constant 96 : index
      %get3A_1135 = tpu.vector_load %arg13[%get3A_1133, %get3A_1134] {strides = array<i32>} : memref<8x128xf32, #tpu.memory_space<vmem>>, vector<16xf32>,
      %mul3A_1136 = arith.mulf %mul3A_1131, %get3A_1135 : vector<16xf32>
      %add3A_1137 = arith.addf %get3A_1122, %mul3A_1136 : vector<16xf32>
      %swap3A_1138 = arith.constant 480 : index
      %swap3A_1139 = tpu.vector_load %arg15[%swap3A_1138] {strides = array<i32>} : memref<1024xf32, #tpu.memory_space<vmem>>, vector<16xf32>,
      tpu.vector_store %arg15[%swap3A_1138], %add3A_1137 {strides = array<i32>} : memref<1024xf32, #tpu.memory_space<vmem>>, vector<16xf32>,
      %get3A_1140 = arith.constant 496 : index
      %get3A_1141 = tpu.vector_load %arg15[%get3A_1140] {strides = array<i32>} : memref<1024xf32, #tpu.memory_space<vmem>>, vector<16xf32>,
      %get3A_1142 = arith.constant 3 : i32
      %get3A_1143 = arith.index_cast %get3A_1142 : i32 to index
      %get3A_1144 = arith.constant 112 : index
      %get3A_1145 = tpu.vector_load %arg12[%get3A_1143, %get3A_1144] {strides = array<i32>} : memref<8x128xf32, #tpu.memory_space<vmem>>, vector<16xf32>,
      %get3A_1146 = arith.constant 3 : i32
      %get3A_1147 = arith.index_cast %get3A_1146 : i32 to index
      %get3A_1148 = arith.constant 112 : index
      %get3A_1149 = tpu.vector_load %arg14[%get3A_1147, %get3A_1148] {strides = array<i32>} : memref<8x128xf32, #tpu.memory_space<vmem>>, vector<16xf32>,
      %mul3A_1150 = arith.mulf %get3A_1145, %get3A_1149 : vector<16xf32>
      %get3A_1151 = arith.constant 3 : i32
      %get3A_1152 = arith.index_cast %get3A_1151 : i32 to index
      %get3A_1153 = arith.constant 112 : index
      %get3A_1154 = tpu.vector_load %arg13[%get3A_1152, %get3A_1153] {strides = array<i32>} : memref<8x128xf32, #tpu.memory_space<vmem>>, vector<16xf32>,
      %mul3A_1155 = arith.mulf %mul3A_1150, %get3A_1154 : vector<16xf32>
      %add3A_1156 = arith.addf %get3A_1141, %mul3A_1155 : vector<16xf32>
      %swap3A_1157 = arith.constant 496 : index
      %swap3A_1158 = tpu.vector_load %arg15[%swap3A_1157] {strides = array<i32>} : memref<1024xf32, #tpu.memory_space<vmem>>, vector<16xf32>,
      tpu.vector_store %arg15[%swap3A_1157], %add3A_1156 {strides = array<i32>} : memref<1024xf32, #tpu.memory_space<vmem>>, vector<16xf32>,
      %get3A_1159 = arith.constant 512 : index
      %get3A_1160 = tpu.vector_load %arg15[%get3A_1159] {strides = array<i32>} : memref<1024xf32, #tpu.memory_space<vmem>>, vector<16xf32>,
      %get3A_1161 = arith.constant 4 : i32
      %get3A_1162 = arith.index_cast %get3A_1161 : i32 to index
      %get3A_1163 = arith.constant 0 : index
      %get3A_1164 = tpu.vector_load %arg12[%get3A_1162, %get3A_1163] {strides = array<i32>} : memref<8x128xf32, #tpu.memory_space<vmem>>, vector<16xf32>,
      %get3A_1165 = arith.constant 4 : i32
      %get3A_1166 = arith.index_cast %get3A_1165 : i32 to index
      %get3A_1167 = arith.constant 0 : index
      %get3A_1168 = tpu.vector_load %arg14[%get3A_1166, %get3A_1167] {strides = array<i32>} : memref<8x128xf32, #tpu.memory_space<vmem>>, vector<16xf32>,
      %mul3A_1169 = arith.mulf %get3A_1164, %get3A_1168 : vector<16xf32>
      %get3A_1170 = arith.constant 4 : i32
      %get3A_1171 = arith.index_cast %get3A_1170 : i32 to index
      %get3A_1172 = arith.constant 0 : index
      %get3A_1173 = tpu.vector_load %arg13[%get3A_1171, %get3A_1172] {strides = array<i32>} : memref<8x128xf32, #tpu.memory_space<vmem>>, vector<16xf32>,
      %mul3A_1174 = arith.mulf %mul3A_1169, %get3A_1173 : vector<16xf32>
      %add3A_1175 = arith.addf %get3A_1160, %mul3A_1174 : vector<16xf32>
      %swap3A_1176 = arith.constant 512 : index
      %swap3A_1177 = tpu.vector_load %arg15[%swap3A_1176] {strides = array<i32>} : memref<1024xf32, #tpu.memory_space<vmem>>, vector<16xf32>,
      tpu.vector_store %arg15[%swap3A_1176], %add3A_1175 {strides = array<i32>} : memref<1024xf32, #tpu.memory_space<vmem>>, vector<16xf32>,
      %get3A_1178 = arith.constant 528 : index
      %get3A_1179 = tpu.vector_load %arg15[%get3A_1178] {strides = array<i32>} : memref<1024xf32, #tpu.memory_space<vmem>>, vector<16xf32>,
      %get3A_1180 = arith.constant 4 : i32
      %get3A_1181 = arith.index_cast %get3A_1180 : i32 to index
      %get3A_1182 = arith.constant 16 : index
      %get3A_1183 = tpu.vector_load %arg12[%get3A_1181, %get3A_1182] {strides = array<i32>} : memref<8x128xf32, #tpu.memory_space<vmem>>, vector<16xf32>,
      %get3A_1184 = arith.constant 4 : i32
      %get3A_1185 = arith.index_cast %get3A_1184 : i32 to index
      %get3A_1186 = arith.constant 16 : index
      %get3A_1187 = tpu.vector_load %arg14[%get3A_1185, %get3A_1186] {strides = array<i32>} : memref<8x128xf32, #tpu.memory_space<vmem>>, vector<16xf32>,
      %mul3A_1188 = arith.mulf %get3A_1183, %get3A_1187 : vector<16xf32>
      %get3A_1189 = arith.constant 4 : i32
      %get3A_1190 = arith.index_cast %get3A_1189 : i32 to index
      %get3A_1191 = arith.constant 16 : index
      %get3A_1192 = tpu.vector_load %arg13[%get3A_1190, %get3A_1191] {strides = array<i32>} : memref<8x128xf32, #tpu.memory_space<vmem>>, vector<16xf32>,
      %mul3A_1193 = arith.mulf %mul3A_1188, %get3A_1192 : vector<16xf32>
      %add3A_1194 = arith.addf %get3A_1179, %mul3A_1193 : vector<16xf32>
      %swap3A_1195 = arith.constant 528 : index
      %swap3A_1196 = tpu.vector_load %arg15[%swap3A_1195] {strides = array<i32>} : memref<1024xf32, #tpu.memory_space<vmem>>, vector<16xf32>,
      tpu.vector_store %arg15[%swap3A_1195], %add3A_1194 {strides = array<i32>} : memref<1024xf32, #tpu.memory_space<vmem>>, vector<16xf32>,
      %get3A_1197 = arith.constant 544 : index
      %get3A_1198 = tpu.vector_load %arg15[%get3A_1197] {strides = array<i32>} : memref<1024xf32, #tpu.memory_space<vmem>>, vector<16xf32>,
      %get3A_1199 = arith.constant 4 : i32
      %get3A_1200 = arith.index_cast %get3A_1199 : i32 to index
      %get3A_1201 = arith.constant 32 : index
      %get3A_1202 = tpu.vector_load %arg12[%get3A_1200, %get3A_1201] {strides = array<i32>} : memref<8x128xf32, #tpu.memory_space<vmem>>, vector<16xf32>,
      %get3A_1203 = arith.constant 4 : i32
      %get3A_1204 = arith.index_cast %get3A_1203 : i32 to index
      %get3A_1205 = arith.constant 32 : index
      %get3A_1206 = tpu.vector_load %arg14[%get3A_1204, %get3A_1205] {strides = array<i32>} : memref<8x128xf32, #tpu.memory_space<vmem>>, vector<16xf32>,
      %mul3A_1207 = arith.mulf %get3A_1202, %get3A_1206 : vector<16xf32>
      %get3A_1208 = arith.constant 4 : i32
      %get3A_1209 = arith.index_cast %get3A_1208 : i32 to index
      %get3A_1210 = arith.constant 32 : index
      %get3A_1211 = tpu.vector_load %arg13[%get3A_1209, %get3A_1210] {strides = array<i32>} : memref<8x128xf32, #tpu.memory_space<vmem>>, vector<16xf32>,
      %mul3A_1212 = arith.mulf %mul3A_1207, %get3A_1211 : vector<16xf32>
      %add3A_1213 = arith.addf %get3A_1198, %mul3A_1212 : vector<16xf32>
      %swap3A_1214 = arith.constant 544 : index
      %swap3A_1215 = tpu.vector_load %arg15[%swap3A_1214] {strides = array<i32>} : memref<1024xf32, #tpu.memory_space<vmem>>, vector<16xf32>,
      tpu.vector_store %arg15[%swap3A_1214], %add3A_1213 {strides = array<i32>} : memref<1024xf32, #tpu.memory_space<vmem>>, vector<16xf32>,
      %get3A_1216 = arith.constant 560 : index
      %get3A_1217 = tpu.vector_load %arg15[%get3A_1216] {strides = array<i32>} : memref<1024xf32, #tpu.memory_space<vmem>>, vector<16xf32>,
      %get3A_1218 = arith.constant 4 : i32
      %get3A_1219 = arith.index_cast %get3A_1218 : i32 to index
      %get3A_1220 = arith.constant 48 : index
      %get3A_1221 = tpu.vector_load %arg12[%get3A_1219, %get3A_1220] {strides = array<i32>} : memref<8x128xf32, #tpu.memory_space<vmem>>, vector<16xf32>,
      %get3A_1222 = arith.constant 4 : i32
      %get3A_1223 = arith.index_cast %get3A_1222 : i32 to index
      %get3A_1224 = arith.constant 48 : index
      %get3A_1225 = tpu.vector_load %arg14[%get3A_1223, %get3A_1224] {strides = array<i32>} : memref<8x128xf32, #tpu.memory_space<vmem>>, vector<16xf32>,
      %mul3A_1226 = arith.mulf %get3A_1221, %get3A_1225 : vector<16xf32>
      %get3A_1227 = arith.constant 4 : i32
      %get3A_1228 = arith.index_cast %get3A_1227 : i32 to index
      %get3A_1229 = arith.constant 48 : index
      %get3A_1230 = tpu.vector_load %arg13[%get3A_1228, %get3A_1229] {strides = array<i32>} : memref<8x128xf32, #tpu.memory_space<vmem>>, vector<16xf32>,
      %mul3A_1231 = arith.mulf %mul3A_1226, %get3A_1230 : vector<16xf32>
      %add3A_1232 = arith.addf %get3A_1217, %mul3A_1231 : vector<16xf32>
      %swap3A_1233 = arith.constant 560 : index
      %swap3A_1234 = tpu.vector_load %arg15[%swap3A_1233] {strides = array<i32>} : memref<1024xf32, #tpu.memory_space<vmem>>, vector<16xf32>,
      tpu.vector_store %arg15[%swap3A_1233], %add3A_1232 {strides = array<i32>} : memref<1024xf32, #tpu.memory_space<vmem>>, vector<16xf32>,
      %get3A_1235 = arith.constant 576 : index
      %get3A_1236 = tpu.vector_load %arg15[%get3A_1235] {strides = array<i32>} : memref<1024xf32, #tpu.memory_space<vmem>>, vector<16xf32>,
      %get3A_1237 = arith.constant 4 : i32
      %get3A_1238 = arith.index_cast %get3A_1237 : i32 to index
      %get3A_1239 = arith.constant 64 : index
      %get3A_1240 = tpu.vector_load %arg12[%get3A_1238, %get3A_1239] {strides = array<i32>} : memref<8x128xf32, #tpu.memory_space<vmem>>, vector<16xf32>,
      %get3A_1241 = arith.constant 4 : i32
      %get3A_1242 = arith.index_cast %get3A_1241 : i32 to index
      %get3A_1243 = arith.constant 64 : index
      %get3A_1244 = tpu.vector_load %arg14[%get3A_1242, %get3A_1243] {strides = array<i32>} : memref<8x128xf32, #tpu.memory_space<vmem>>, vector<16xf32>,
      %mul3A_1245 = arith.mulf %get3A_1240, %get3A_1244 : vector<16xf32>
      %get3A_1246 = arith.constant 4 : i32
      %get3A_1247 = arith.index_cast %get3A_1246 : i32 to index
      %get3A_1248 = arith.constant 64 : index
      %get3A_1249 = tpu.vector_load %arg13[%get3A_1247, %get3A_1248] {strides = array<i32>} : memref<8x128xf32, #tpu.memory_space<vmem>>, vector<16xf32>,
      %mul3A_1250 = arith.mulf %mul3A_1245, %get3A_1249 : vector<16xf32>
      %add3A_1251 = arith.addf %get3A_1236, %mul3A_1250 : vector<16xf32>
      %swap3A_1252 = arith.constant 576 : index
      %swap3A_1253 = tpu.vector_load %arg15[%swap3A_1252] {strides = array<i32>} : memref<1024xf32, #tpu.memory_space<vmem>>, vector<16xf32>,
      tpu.vector_store %arg15[%swap3A_1252], %add3A_1251 {strides = array<i32>} : memref<1024xf32, #tpu.memory_space<vmem>>, vector<16xf32>,
      %get3A_1254 = arith.constant 592 : index
      %get3A_1255 = tpu.vector_load %arg15[%get3A_1254] {strides = array<i32>} : memref<1024xf32, #tpu.memory_space<vmem>>, vector<16xf32>,
      %get3A_1256 = arith.constant 4 : i32
      %get3A_1257 = arith.index_cast %get3A_1256 : i32 to index
      %get3A_1258 = arith.constant 80 : index
      %get3A_1259 = tpu.vector_load %arg12[%get3A_1257, %get3A_1258] {strides = array<i32>} : memref<8x128xf32, #tpu.memory_space<vmem>>, vector<16xf32>,
      %get3A_1260 = arith.constant 4 : i32
      %get3A_1261 = arith.index_cast %get3A_1260 : i32 to index
      %get3A_1262 = arith.constant 80 : index
      %get3A_1263 = tpu.vector_load %arg14[%get3A_1261, %get3A_1262] {strides = array<i32>} : memref<8x128xf32, #tpu.memory_space<vmem>>, vector<16xf32>,
      %mul3A_1264 = arith.mulf %get3A_1259, %get3A_1263 : vector<16xf32>
      %get3A_1265 = arith.constant 4 : i32
      %get3A_1266 = arith.index_cast %get3A_1265 : i32 to index
      %get3A_1267 = arith.constant 80 : index
      %get3A_1268 = tpu.vector_load %arg13[%get3A_1266, %get3A_1267] {strides = array<i32>} : memref<8x128xf32, #tpu.memory_space<vmem>>, vector<16xf32>,
      %mul3A_1269 = arith.mulf %mul3A_1264, %get3A_1268 : vector<16xf32>
      %add3A_1270 = arith.addf %get3A_1255, %mul3A_1269 : vector<16xf32>
      %swap3A_1271 = arith.constant 592 : index
      %swap3A_1272 = tpu.vector_load %arg15[%swap3A_1271] {strides = array<i32>} : memref<1024xf32, #tpu.memory_space<vmem>>, vector<16xf32>,
      tpu.vector_store %arg15[%swap3A_1271], %add3A_1270 {strides = array<i32>} : memref<1024xf32, #tpu.memory_space<vmem>>, vector<16xf32>,
      %get3A_1273 = arith.constant 608 : index
      %get3A_1274 = tpu.vector_load %arg15[%get3A_1273] {strides = array<i32>} : memref<1024xf32, #tpu.memory_space<vmem>>, vector<16xf32>,
      %get3A_1275 = arith.constant 4 : i32
      %get3A_1276 = arith.index_cast %get3A_1275 : i32 to index
      %get3A_1277 = arith.constant 96 : index
      %get3A_1278 = tpu.vector_load %arg12[%get3A_1276, %get3A_1277] {strides = array<i32>} : memref<8x128xf32, #tpu.memory_space<vmem>>, vector<16xf32>,
      %get3A_1279 = arith.constant 4 : i32
      %get3A_1280 = arith.index_cast %get3A_1279 : i32 to index
      %get3A_1281 = arith.constant 96 : index
      %get3A_1282 = tpu.vector_load %arg14[%get3A_1280, %get3A_1281] {strides = array<i32>} : memref<8x128xf32, #tpu.memory_space<vmem>>, vector<16xf32>,
      %mul3A_1283 = arith.mulf %get3A_1278, %get3A_1282 : vector<16xf32>
      %get3A_1284 = arith.constant 4 : i32
      %get3A_1285 = arith.index_cast %get3A_1284 : i32 to index
      %get3A_1286 = arith.constant 96 : index
      %get3A_1287 = tpu.vector_load %arg13[%get3A_1285, %get3A_1286] {strides = array<i32>} : memref<8x128xf32, #tpu.memory_space<vmem>>, vector<16xf32>,
      %mul3A_1288 = arith.mulf %mul3A_1283, %get3A_1287 : vector<16xf32>
      %add3A_1289 = arith.addf %get3A_1274, %mul3A_1288 : vector<16xf32>
      %swap3A_1290 = arith.constant 608 : index
      %swap3A_1291 = tpu.vector_load %arg15[%swap3A_1290] {strides = array<i32>} : memref<1024xf32, #tpu.memory_space<vmem>>, vector<16xf32>,
      tpu.vector_store %arg15[%swap3A_1290], %add3A_1289 {strides = array<i32>} : memref<1024xf32, #tpu.memory_space<vmem>>, vector<16xf32>,
      %get3A_1292 = arith.constant 624 : index
      %get3A_1293 = tpu.vector_load %arg15[%get3A_1292] {strides = array<i32>} : memref<1024xf32, #tpu.memory_space<vmem>>, vector<16xf32>,
      %get3A_1294 = arith.constant 4 : i32
      %get3A_1295 = arith.index_cast %get3A_1294 : i32 to index
      %get3A_1296 = arith.constant 112 : index
      %get3A_1297 = tpu.vector_load %arg12[%get3A_1295, %get3A_1296] {strides = array<i32>} : memref<8x128xf32, #tpu.memory_space<vmem>>, vector<16xf32>,
      %get3A_1298 = arith.constant 4 : i32
      %get3A_1299 = arith.index_cast %get3A_1298 : i32 to index
      %get3A_1300 = arith.constant 112 : index
      %get3A_1301 = tpu.vector_load %arg14[%get3A_1299, %get3A_1300] {strides = array<i32>} : memref<8x128xf32, #tpu.memory_space<vmem>>, vector<16xf32>,
      %mul3A_1302 = arith.mulf %get3A_1297, %get3A_1301 : vector<16xf32>
      %get3A_1303 = arith.constant 4 : i32
      %get3A_1304 = arith.index_cast %get3A_1303 : i32 to index
      %get3A_1305 = arith.constant 112 : index
      %get3A_1306 = tpu.vector_load %arg13[%get3A_1304, %get3A_1305] {strides = array<i32>} : memref<8x128xf32, #tpu.memory_space<vmem>>, vector<16xf32>,
      %mul3A_1307 = arith.mulf %mul3A_1302, %get3A_1306 : vector<16xf32>
      %add3A_1308 = arith.addf %get3A_1293, %mul3A_1307 : vector<16xf32>
      %swap3A_1309 = arith.constant 624 : index
      %swap3A_1310 = tpu.vector_load %arg15[%swap3A_1309] {strides = array<i32>} : memref<1024xf32, #tpu.memory_space<vmem>>, vector<16xf32>,
      tpu.vector_store %arg15[%swap3A_1309], %add3A_1308 {strides = array<i32>} : memref<1024xf32, #tpu.memory_space<vmem>>, vector<16xf32>,
      %get3A_1311 = arith.constant 640 : index
      %get3A_1312 = tpu.vector_load %arg15[%get3A_1311] {strides = array<i32>} : memref<1024xf32, #tpu.memory_space<vmem>>, vector<16xf32>,
      %get3A_1313 = arith.constant 5 : i32
      %get3A_1314 = arith.index_cast %get3A_1313 : i32 to index
      %get3A_1315 = arith.constant 0 : index
      %get3A_1316 = tpu.vector_load %arg12[%get3A_1314, %get3A_1315] {strides = array<i32>} : memref<8x128xf32, #tpu.memory_space<vmem>>, vector<16xf32>,
      %get3A_1317 = arith.constant 5 : i32
      %get3A_1318 = arith.index_cast %get3A_1317 : i32 to index
      %get3A_1319 = arith.constant 0 : index
      %get3A_1320 = tpu.vector_load %arg14[%get3A_1318, %get3A_1319] {strides = array<i32>} : memref<8x128xf32, #tpu.memory_space<vmem>>, vector<16xf32>,
      %mul3A_1321 = arith.mulf %get3A_1316, %get3A_1320 : vector<16xf32>
      %get3A_1322 = arith.constant 5 : i32
      %get3A_1323 = arith.index_cast %get3A_1322 : i32 to index
      %get3A_1324 = arith.constant 0 : index
      %get3A_1325 = tpu.vector_load %arg13[%get3A_1323, %get3A_1324] {strides = array<i32>} : memref<8x128xf32, #tpu.memory_space<vmem>>, vector<16xf32>,
      %mul3A_1326 = arith.mulf %mul3A_1321, %get3A_1325 : vector<16xf32>
      %add3A_1327 = arith.addf %get3A_1312, %mul3A_1326 : vector<16xf32>
      %swap3A_1328 = arith.constant 640 : index
      %swap3A_1329 = tpu.vector_load %arg15[%swap3A_1328] {strides = array<i32>} : memref<1024xf32, #tpu.memory_space<vmem>>, vector<16xf32>,
      tpu.vector_store %arg15[%swap3A_1328], %add3A_1327 {strides = array<i32>} : memref<1024xf32, #tpu.memory_space<vmem>>, vector<16xf32>,
      %get3A_1330 = arith.constant 656 : index
      %get3A_1331 = tpu.vector_load %arg15[%get3A_1330] {strides = array<i32>} : memref<1024xf32, #tpu.memory_space<vmem>>, vector<16xf32>,
      %get3A_1332 = arith.constant 5 : i32
      %get3A_1333 = arith.index_cast %get3A_1332 : i32 to index
      %get3A_1334 = arith.constant 16 : index
      %get3A_1335 = tpu.vector_load %arg12[%get3A_1333, %get3A_1334] {strides = array<i32>} : memref<8x128xf32, #tpu.memory_space<vmem>>, vector<16xf32>,
      %get3A_1336 = arith.constant 5 : i32
      %get3A_1337 = arith.index_cast %get3A_1336 : i32 to index
      %get3A_1338 = arith.constant 16 : index
      %get3A_1339 = tpu.vector_load %arg14[%get3A_1337, %get3A_1338] {strides = array<i32>} : memref<8x128xf32, #tpu.memory_space<vmem>>, vector<16xf32>,
      %mul3A_1340 = arith.mulf %get3A_1335, %get3A_1339 : vector<16xf32>
      %get3A_1341 = arith.constant 5 : i32
      %get3A_1342 = arith.index_cast %get3A_1341 : i32 to index
      %get3A_1343 = arith.constant 16 : index
      %get3A_1344 = tpu.vector_load %arg13[%get3A_1342, %get3A_1343] {strides = array<i32>} : memref<8x128xf32, #tpu.memory_space<vmem>>, vector<16xf32>,
      %mul3A_1345 = arith.mulf %mul3A_1340, %get3A_1344 : vector<16xf32>
      %add3A_1346 = arith.addf %get3A_1331, %mul3A_1345 : vector<16xf32>
      %swap3A_1347 = arith.constant 656 : index
      %swap3A_1348 = tpu.vector_load %arg15[%swap3A_1347] {strides = array<i32>} : memref<1024xf32, #tpu.memory_space<vmem>>, vector<16xf32>,
      tpu.vector_store %arg15[%swap3A_1347], %add3A_1346 {strides = array<i32>} : memref<1024xf32, #tpu.memory_space<vmem>>, vector<16xf32>,
      %get3A_1349 = arith.constant 672 : index
      %get3A_1350 = tpu.vector_load %arg15[%get3A_1349] {strides = array<i32>} : memref<1024xf32, #tpu.memory_space<vmem>>, vector<16xf32>,
      %get3A_1351 = arith.constant 5 : i32
      %get3A_1352 = arith.index_cast %get3A_1351 : i32 to index
      %get3A_1353 = arith.constant 32 : index
      %get3A_1354 = tpu.vector_load %arg12[%get3A_1352, %get3A_1353] {strides = array<i32>} : memref<8x128xf32, #tpu.memory_space<vmem>>, vector<16xf32>,
      %get3A_1355 = arith.constant 5 : i32
      %get3A_1356 = arith.index_cast %get3A_1355 : i32 to index
      %get3A_1357 = arith.constant 32 : index
      %get3A_1358 = tpu.vector_load %arg14[%get3A_1356, %get3A_1357] {strides = array<i32>} : memref<8x128xf32, #tpu.memory_space<vmem>>, vector<16xf32>,
      %mul3A_1359 = arith.mulf %get3A_1354, %get3A_1358 : vector<16xf32>
      %get3A_1360 = arith.constant 5 : i32
      %get3A_1361 = arith.index_cast %get3A_1360 : i32 to index
      %get3A_1362 = arith.constant 32 : index
      %get3A_1363 = tpu.vector_load %arg13[%get3A_1361, %get3A_1362] {strides = array<i32>} : memref<8x128xf32, #tpu.memory_space<vmem>>, vector<16xf32>,
      %mul3A_1364 = arith.mulf %mul3A_1359, %get3A_1363 : vector<16xf32>
      %add3A_1365 = arith.addf %get3A_1350, %mul3A_1364 : vector<16xf32>
      %swap3A_1366 = arith.constant 672 : index
      %swap3A_1367 = tpu.vector_load %arg15[%swap3A_1366] {strides = array<i32>} : memref<1024xf32, #tpu.memory_space<vmem>>, vector<16xf32>,
      tpu.vector_store %arg15[%swap3A_1366], %add3A_1365 {strides = array<i32>} : memref<1024xf32, #tpu.memory_space<vmem>>, vector<16xf32>,
      %get3A_1368 = arith.constant 688 : index
      %get3A_1369 = tpu.vector_load %arg15[%get3A_1368] {strides = array<i32>} : memref<1024xf32, #tpu.memory_space<vmem>>, vector<16xf32>,
      %get3A_1370 = arith.constant 5 : i32
      %get3A_1371 = arith.index_cast %get3A_1370 : i32 to index
      %get3A_1372 = arith.constant 48 : index
      %get3A_1373 = tpu.vector_load %arg12[%get3A_1371, %get3A_1372] {strides = array<i32>} : memref<8x128xf32, #tpu.memory_space<vmem>>, vector<16xf32>,
      %get3A_1374 = arith.constant 5 : i32
      %get3A_1375 = arith.index_cast %get3A_1374 : i32 to index
      %get3A_1376 = arith.constant 48 : index
      %get3A_1377 = tpu.vector_load %arg14[%get3A_1375, %get3A_1376] {strides = array<i32>} : memref<8x128xf32, #tpu.memory_space<vmem>>, vector<16xf32>,
      %mul3A_1378 = arith.mulf %get3A_1373, %get3A_1377 : vector<16xf32>
      %get3A_1379 = arith.constant 5 : i32
      %get3A_1380 = arith.index_cast %get3A_1379 : i32 to index
      %get3A_1381 = arith.constant 48 : index
      %get3A_1382 = tpu.vector_load %arg13[%get3A_1380, %get3A_1381] {strides = array<i32>} : memref<8x128xf32, #tpu.memory_space<vmem>>, vector<16xf32>,
      %mul3A_1383 = arith.mulf %mul3A_1378, %get3A_1382 : vector<16xf32>
      %add3A_1384 = arith.addf %get3A_1369, %mul3A_1383 : vector<16xf32>
      %swap3A_1385 = arith.constant 688 : index
      %swap3A_1386 = tpu.vector_load %arg15[%swap3A_1385] {strides = array<i32>} : memref<1024xf32, #tpu.memory_space<vmem>>, vector<16xf32>,
      tpu.vector_store %arg15[%swap3A_1385], %add3A_1384 {strides = array<i32>} : memref<1024xf32, #tpu.memory_space<vmem>>, vector<16xf32>,
      %get3A_1387 = arith.constant 704 : index
      %get3A_1388 = tpu.vector_load %arg15[%get3A_1387] {strides = array<i32>} : memref<1024xf32, #tpu.memory_space<vmem>>, vector<16xf32>,
      %get3A_1389 = arith.constant 5 : i32
      %get3A_1390 = arith.index_cast %get3A_1389 : i32 to index
      %get3A_1391 = arith.constant 64 : index
      %get3A_1392 = tpu.vector_load %arg12[%get3A_1390, %get3A_1391] {strides = array<i32>} : memref<8x128xf32, #tpu.memory_space<vmem>>, vector<16xf32>,
      %get3A_1393 = arith.constant 5 : i32
      %get3A_1394 = arith.index_cast %get3A_1393 : i32 to index
      %get3A_1395 = arith.constant 64 : index
      %get3A_1396 = tpu.vector_load %arg14[%get3A_1394, %get3A_1395] {strides = array<i32>} : memref<8x128xf32, #tpu.memory_space<vmem>>, vector<16xf32>,
      %mul3A_1397 = arith.mulf %get3A_1392, %get3A_1396 : vector<16xf32>
      %get3A_1398 = arith.constant 5 : i32
      %get3A_1399 = arith.index_cast %get3A_1398 : i32 to index
      %get3A_1400 = arith.constant 64 : index
      %get3A_1401 = tpu.vector_load %arg13[%get3A_1399, %get3A_1400] {strides = array<i32>} : memref<8x128xf32, #tpu.memory_space<vmem>>, vector<16xf32>,
      %mul3A_1402 = arith.mulf %mul3A_1397, %get3A_1401 : vector<16xf32>
      %add3A_1403 = arith.addf %get3A_1388, %mul3A_1402 : vector<16xf32>
      %swap3A_1404 = arith.constant 704 : index
      %swap3A_1405 = tpu.vector_load %arg15[%swap3A_1404] {strides = array<i32>} : memref<1024xf32, #tpu.memory_space<vmem>>, vector<16xf32>,
      tpu.vector_store %arg15[%swap3A_1404], %add3A_1403 {strides = array<i32>} : memref<1024xf32, #tpu.memory_space<vmem>>, vector<16xf32>,
      %get3A_1406 = arith.constant 720 : index
      %get3A_1407 = tpu.vector_load %arg15[%get3A_1406] {strides = array<i32>} : memref<1024xf32, #tpu.memory_space<vmem>>, vector<16xf32>,
      %get3A_1408 = arith.constant 5 : i32
      %get3A_1409 = arith.index_cast %get3A_1408 : i32 to index
      %get3A_1410 = arith.constant 80 : index
      %get3A_1411 = tpu.vector_load %arg12[%get3A_1409, %get3A_1410] {strides = array<i32>} : memref<8x128xf32, #tpu.memory_space<vmem>>, vector<16xf32>,
      %get3A_1412 = arith.constant 5 : i32
      %get3A_1413 = arith.index_cast %get3A_1412 : i32 to index
      %get3A_1414 = arith.constant 80 : index
      %get3A_1415 = tpu.vector_load %arg14[%get3A_1413, %get3A_1414] {strides = array<i32>} : memref<8x128xf32, #tpu.memory_space<vmem>>, vector<16xf32>,
      %mul3A_1416 = arith.mulf %get3A_1411, %get3A_1415 : vector<16xf32>
      %get3A_1417 = arith.constant 5 : i32
      %get3A_1418 = arith.index_cast %get3A_1417 : i32 to index
      %get3A_1419 = arith.constant 80 : index
      %get3A_1420 = tpu.vector_load %arg13[%get3A_1418, %get3A_1419] {strides = array<i32>} : memref<8x128xf32, #tpu.memory_space<vmem>>, vector<16xf32>,
      %mul3A_1421 = arith.mulf %mul3A_1416, %get3A_1420 : vector<16xf32>
      %add3A_1422 = arith.addf %get3A_1407, %mul3A_1421 : vector<16xf32>
      %swap3A_1423 = arith.constant 720 : index
      %swap3A_1424 = tpu.vector_load %arg15[%swap3A_1423] {strides = array<i32>} : memref<1024xf32, #tpu.memory_space<vmem>>, vector<16xf32>,
      tpu.vector_store %arg15[%swap3A_1423], %add3A_1422 {strides = array<i32>} : memref<1024xf32, #tpu.memory_space<vmem>>, vector<16xf32>,
      %get3A_1425 = arith.constant 736 : index
      %get3A_1426 = tpu.vector_load %arg15[%get3A_1425] {strides = array<i32>} : memref<1024xf32, #tpu.memory_space<vmem>>, vector<16xf32>,
      %get3A_1427 = arith.constant 5 : i32
      %get3A_1428 = arith.index_cast %get3A_1427 : i32 to index
      %get3A_1429 = arith.constant 96 : index
      %get3A_1430 = tpu.vector_load %arg12[%get3A_1428, %get3A_1429] {strides = array<i32>} : memref<8x128xf32, #tpu.memory_space<vmem>>, vector<16xf32>,
      %get3A_1431 = arith.constant 5 : i32
      %get3A_1432 = arith.index_cast %get3A_1431 : i32 to index
      %get3A_1433 = arith.constant 96 : index
      %get3A_1434 = tpu.vector_load %arg14[%get3A_1432, %get3A_1433] {strides = array<i32>} : memref<8x128xf32, #tpu.memory_space<vmem>>, vector<16xf32>,
      %mul3A_1435 = arith.mulf %get3A_1430, %get3A_1434 : vector<16xf32>
      %get3A_1436 = arith.constant 5 : i32
      %get3A_1437 = arith.index_cast %get3A_1436 : i32 to index
      %get3A_1438 = arith.constant 96 : index
      %get3A_1439 = tpu.vector_load %arg13[%get3A_1437, %get3A_1438] {strides = array<i32>} : memref<8x128xf32, #tpu.memory_space<vmem>>, vector<16xf32>,
      %mul3A_1440 = arith.mulf %mul3A_1435, %get3A_1439 : vector<16xf32>
      %add3A_1441 = arith.addf %get3A_1426, %mul3A_1440 : vector<16xf32>
      %swap3A_1442 = arith.constant 736 : index
      %swap3A_1443 = tpu.vector_load %arg15[%swap3A_1442] {strides = array<i32>} : memref<1024xf32, #tpu.memory_space<vmem>>, vector<16xf32>,
      tpu.vector_store %arg15[%swap3A_1442], %add3A_1441 {strides = array<i32>} : memref<1024xf32, #tpu.memory_space<vmem>>, vector<16xf32>,
      %get3A_1444 = arith.constant 752 : index
      %get3A_1445 = tpu.vector_load %arg15[%get3A_1444] {strides = array<i32>} : memref<1024xf32, #tpu.memory_space<vmem>>, vector<16xf32>,
      %get3A_1446 = arith.constant 5 : i32
      %get3A_1447 = arith.index_cast %get3A_1446 : i32 to index
      %get3A_1448 = arith.constant 112 : index
      %get3A_1449 = tpu.vector_load %arg12[%get3A_1447, %get3A_1448] {strides = array<i32>} : memref<8x128xf32, #tpu.memory_space<vmem>>, vector<16xf32>,
      %get3A_1450 = arith.constant 5 : i32
      %get3A_1451 = arith.index_cast %get3A_1450 : i32 to index
      %get3A_1452 = arith.constant 112 : index
      %get3A_1453 = tpu.vector_load %arg14[%get3A_1451, %get3A_1452] {strides = array<i32>} : memref<8x128xf32, #tpu.memory_space<vmem>>, vector<16xf32>,
      %mul3A_1454 = arith.mulf %get3A_1449, %get3A_1453 : vector<16xf32>
      %get3A_1455 = arith.constant 5 : i32
      %get3A_1456 = arith.index_cast %get3A_1455 : i32 to index
      %get3A_1457 = arith.constant 112 : index
      %get3A_1458 = tpu.vector_load %arg13[%get3A_1456, %get3A_1457] {strides = array<i32>} : memref<8x128xf32, #tpu.memory_space<vmem>>, vector<16xf32>,
      %mul3A_1459 = arith.mulf %mul3A_1454, %get3A_1458 : vector<16xf32>
      %add3A_1460 = arith.addf %get3A_1445, %mul3A_1459 : vector<16xf32>
      %swap3A_1461 = arith.constant 752 : index
      %swap3A_1462 = tpu.vector_load %arg15[%swap3A_1461] {strides = array<i32>} : memref<1024xf32, #tpu.memory_space<vmem>>, vector<16xf32>,
      tpu.vector_store %arg15[%swap3A_1461], %add3A_1460 {strides = array<i32>} : memref<1024xf32, #tpu.memory_space<vmem>>, vector<16xf32>,
      %get3A_1463 = arith.constant 768 : index
      %get3A_1464 = tpu.vector_load %arg15[%get3A_1463] {strides = array<i32>} : memref<1024xf32, #tpu.memory_space<vmem>>, vector<16xf32>,
      %get3A_1465 = arith.constant 6 : i32
      %get3A_1466 = arith.index_cast %get3A_1465 : i32 to index
      %get3A_1467 = arith.constant 0 : index
      %get3A_1468 = tpu.vector_load %arg12[%get3A_1466, %get3A_1467] {strides = array<i32>} : memref<8x128xf32, #tpu.memory_space<vmem>>, vector<16xf32>,
      %get3A_1469 = arith.constant 6 : i32
      %get3A_1470 = arith.index_cast %get3A_1469 : i32 to index
      %get3A_1471 = arith.constant 0 : index
      %get3A_1472 = tpu.vector_load %arg14[%get3A_1470, %get3A_1471] {strides = array<i32>} : memref<8x128xf32, #tpu.memory_space<vmem>>, vector<16xf32>,
      %mul3A_1473 = arith.mulf %get3A_1468, %get3A_1472 : vector<16xf32>
      %get3A_1474 = arith.constant 6 : i32
      %get3A_1475 = arith.index_cast %get3A_1474 : i32 to index
      %get3A_1476 = arith.constant 0 : index
      %get3A_1477 = tpu.vector_load %arg13[%get3A_1475, %get3A_1476] {strides = array<i32>} : memref<8x128xf32, #tpu.memory_space<vmem>>, vector<16xf32>,
      %mul3A_1478 = arith.mulf %mul3A_1473, %get3A_1477 : vector<16xf32>
      %add3A_1479 = arith.addf %get3A_1464, %mul3A_1478 : vector<16xf32>
      %swap3A_1480 = arith.constant 768 : index
      %swap3A_1481 = tpu.vector_load %arg15[%swap3A_1480] {strides = array<i32>} : memref<1024xf32, #tpu.memory_space<vmem>>, vector<16xf32>,
      tpu.vector_store %arg15[%swap3A_1480], %add3A_1479 {strides = array<i32>} : memref<1024xf32, #tpu.memory_space<vmem>>, vector<16xf32>,
      %get3A_1482 = arith.constant 784 : index
      %get3A_1483 = tpu.vector_load %arg15[%get3A_1482] {strides = array<i32>} : memref<1024xf32, #tpu.memory_space<vmem>>, vector<16xf32>,
      %get3A_1484 = arith.constant 6 : i32
      %get3A_1485 = arith.index_cast %get3A_1484 : i32 to index
      %get3A_1486 = arith.constant 16 : index
      %get3A_1487 = tpu.vector_load %arg12[%get3A_1485, %get3A_1486] {strides = array<i32>} : memref<8x128xf32, #tpu.memory_space<vmem>>, vector<16xf32>,
      %get3A_1488 = arith.constant 6 : i32
      %get3A_1489 = arith.index_cast %get3A_1488 : i32 to index
      %get3A_1490 = arith.constant 16 : index
      %get3A_1491 = tpu.vector_load %arg14[%get3A_1489, %get3A_1490] {strides = array<i32>} : memref<8x128xf32, #tpu.memory_space<vmem>>, vector<16xf32>,
      %mul3A_1492 = arith.mulf %get3A_1487, %get3A_1491 : vector<16xf32>
      %get3A_1493 = arith.constant 6 : i32
      %get3A_1494 = arith.index_cast %get3A_1493 : i32 to index
      %get3A_1495 = arith.constant 16 : index
      %get3A_1496 = tpu.vector_load %arg13[%get3A_1494, %get3A_1495] {strides = array<i32>} : memref<8x128xf32, #tpu.memory_space<vmem>>, vector<16xf32>,
      %mul3A_1497 = arith.mulf %mul3A_1492, %get3A_1496 : vector<16xf32>
      %add3A_1498 = arith.addf %get3A_1483, %mul3A_1497 : vector<16xf32>
      %swap3A_1499 = arith.constant 784 : index
      %swap3A_1500 = tpu.vector_load %arg15[%swap3A_1499] {strides = array<i32>} : memref<1024xf32, #tpu.memory_space<vmem>>, vector<16xf32>,
      tpu.vector_store %arg15[%swap3A_1499], %add3A_1498 {strides = array<i32>} : memref<1024xf32, #tpu.memory_space<vmem>>, vector<16xf32>,
      %get3A_1501 = arith.constant 800 : index
      %get3A_1502 = tpu.vector_load %arg15[%get3A_1501] {strides = array<i32>} : memref<1024xf32, #tpu.memory_space<vmem>>, vector<16xf32>,
      %get3A_1503 = arith.constant 6 : i32
      %get3A_1504 = arith.index_cast %get3A_1503 : i32 to index
      %get3A_1505 = arith.constant 32 : index
      %get3A_1506 = tpu.vector_load %arg12[%get3A_1504, %get3A_1505] {strides = array<i32>} : memref<8x128xf32, #tpu.memory_space<vmem>>, vector<16xf32>,
      %get3A_1507 = arith.constant 6 : i32
      %get3A_1508 = arith.index_cast %get3A_1507 : i32 to index
      %get3A_1509 = arith.constant 32 : index
      %get3A_1510 = tpu.vector_load %arg14[%get3A_1508, %get3A_1509] {strides = array<i32>} : memref<8x128xf32, #tpu.memory_space<vmem>>, vector<16xf32>,
      %mul3A_1511 = arith.mulf %get3A_1506, %get3A_1510 : vector<16xf32>
      %get3A_1512 = arith.constant 6 : i32
      %get3A_1513 = arith.index_cast %get3A_1512 : i32 to index
      %get3A_1514 = arith.constant 32 : index
      %get3A_1515 = tpu.vector_load %arg13[%get3A_1513, %get3A_1514] {strides = array<i32>} : memref<8x128xf32, #tpu.memory_space<vmem>>, vector<16xf32>,
      %mul3A_1516 = arith.mulf %mul3A_1511, %get3A_1515 : vector<16xf32>
      %add3A_1517 = arith.addf %get3A_1502, %mul3A_1516 : vector<16xf32>
      %swap3A_1518 = arith.constant 800 : index
      %swap3A_1519 = tpu.vector_load %arg15[%swap3A_1518] {strides = array<i32>} : memref<1024xf32, #tpu.memory_space<vmem>>, vector<16xf32>,
      tpu.vector_store %arg15[%swap3A_1518], %add3A_1517 {strides = array<i32>} : memref<1024xf32, #tpu.memory_space<vmem>>, vector<16xf32>,
      %get3A_1520 = arith.constant 816 : index
      %get3A_1521 = tpu.vector_load %arg15[%get3A_1520] {strides = array<i32>} : memref<1024xf32, #tpu.memory_space<vmem>>, vector<16xf32>,
      %get3A_1522 = arith.constant 6 : i32
      %get3A_1523 = arith.index_cast %get3A_1522 : i32 to index
      %get3A_1524 = arith.constant 48 : index
      %get3A_1525 = tpu.vector_load %arg12[%get3A_1523, %get3A_1524] {strides = array<i32>} : memref<8x128xf32, #tpu.memory_space<vmem>>, vector<16xf32>,
      %get3A_1526 = arith.constant 6 : i32
      %get3A_1527 = arith.index_cast %get3A_1526 : i32 to index
      %get3A_1528 = arith.constant 48 : index
      %get3A_1529 = tpu.vector_load %arg14[%get3A_1527, %get3A_1528] {strides = array<i32>} : memref<8x128xf32, #tpu.memory_space<vmem>>, vector<16xf32>,
      %mul3A_1530 = arith.mulf %get3A_1525, %get3A_1529 : vector<16xf32>
      %get3A_1531 = arith.constant 6 : i32
      %get3A_1532 = arith.index_cast %get3A_1531 : i32 to index
      %get3A_1533 = arith.constant 48 : index
      %get3A_1534 = tpu.vector_load %arg13[%get3A_1532, %get3A_1533] {strides = array<i32>} : memref<8x128xf32, #tpu.memory_space<vmem>>, vector<16xf32>,
      %mul3A_1535 = arith.mulf %mul3A_1530, %get3A_1534 : vector<16xf32>
      %add3A_1536 = arith.addf %get3A_1521, %mul3A_1535 : vector<16xf32>
      %swap3A_1537 = arith.constant 816 : index
      %swap3A_1538 = tpu.vector_load %arg15[%swap3A_1537] {strides = array<i32>} : memref<1024xf32, #tpu.memory_space<vmem>>, vector<16xf32>,
      tpu.vector_store %arg15[%swap3A_1537], %add3A_1536 {strides = array<i32>} : memref<1024xf32, #tpu.memory_space<vmem>>, vector<16xf32>,
      %get3A_1539 = arith.constant 832 : index
      %get3A_1540 = tpu.vector_load %arg15[%get3A_1539] {strides = array<i32>} : memref<1024xf32, #tpu.memory_space<vmem>>, vector<16xf32>,
      %get3A_1541 = arith.constant 6 : i32
      %get3A_1542 = arith.index_cast %get3A_1541 : i32 to index
      %get3A_1543 = arith.constant 64 : index
      %get3A_1544 = tpu.vector_load %arg12[%get3A_1542, %get3A_1543] {strides = array<i32>} : memref<8x128xf32, #tpu.memory_space<vmem>>, vector<16xf32>,
      %get3A_1545 = arith.constant 6 : i32
      %get3A_1546 = arith.index_cast %get3A_1545 : i32 to index
      %get3A_1547 = arith.constant 64 : index
      %get3A_1548 = tpu.vector_load %arg14[%get3A_1546, %get3A_1547] {strides = array<i32>} : memref<8x128xf32, #tpu.memory_space<vmem>>, vector<16xf32>,
      %mul3A_1549 = arith.mulf %get3A_1544, %get3A_1548 : vector<16xf32>
      %get3A_1550 = arith.constant 6 : i32
      %get3A_1551 = arith.index_cast %get3A_1550 : i32 to index
      %get3A_1552 = arith.constant 64 : index
      %get3A_1553 = tpu.vector_load %arg13[%get3A_1551, %get3A_1552] {strides = array<i32>} : memref<8x128xf32, #tpu.memory_space<vmem>>, vector<16xf32>,
      %mul3A_1554 = arith.mulf %mul3A_1549, %get3A_1553 : vector<16xf32>
      %add3A_1555 = arith.addf %get3A_1540, %mul3A_1554 : vector<16xf32>
      %swap3A_1556 = arith.constant 832 : index
      %swap3A_1557 = tpu.vector_load %arg15[%swap3A_1556] {strides = array<i32>} : memref<1024xf32, #tpu.memory_space<vmem>>, vector<16xf32>,
      tpu.vector_store %arg15[%swap3A_1556], %add3A_1555 {strides = array<i32>} : memref<1024xf32, #tpu.memory_space<vmem>>, vector<16xf32>,
      %get3A_1558 = arith.constant 848 : index
      %get3A_1559 = tpu.vector_load %arg15[%get3A_1558] {strides = array<i32>} : memref<1024xf32, #tpu.memory_space<vmem>>, vector<16xf32>,
      %get3A_1560 = arith.constant 6 : i32
      %get3A_1561 = arith.index_cast %get3A_1560 : i32 to index
      %get3A_1562 = arith.constant 80 : index
      %get3A_1563 = tpu.vector_load %arg12[%get3A_1561, %get3A_1562] {strides = array<i32>} : memref<8x128xf32, #tpu.memory_space<vmem>>, vector<16xf32>,
      %get3A_1564 = arith.constant 6 : i32
      %get3A_1565 = arith.index_cast %get3A_1564 : i32 to index
      %get3A_1566 = arith.constant 80 : index
      %get3A_1567 = tpu.vector_load %arg14[%get3A_1565, %get3A_1566] {strides = array<i32>} : memref<8x128xf32, #tpu.memory_space<vmem>>, vector<16xf32>,
      %mul3A_1568 = arith.mulf %get3A_1563, %get3A_1567 : vector<16xf32>
      %get3A_1569 = arith.constant 6 : i32
      %get3A_1570 = arith.index_cast %get3A_1569 : i32 to index
      %get3A_1571 = arith.constant 80 : index
      %get3A_1572 = tpu.vector_load %arg13[%get3A_1570, %get3A_1571] {strides = array<i32>} : memref<8x128xf32, #tpu.memory_space<vmem>>, vector<16xf32>,
      %mul3A_1573 = arith.mulf %mul3A_1568, %get3A_1572 : vector<16xf32>
      %add3A_1574 = arith.addf %get3A_1559, %mul3A_1573 : vector<16xf32>
      %swap3A_1575 = arith.constant 848 : index
      %swap3A_1576 = tpu.vector_load %arg15[%swap3A_1575] {strides = array<i32>} : memref<1024xf32, #tpu.memory_space<vmem>>, vector<16xf32>,
      tpu.vector_store %arg15[%swap3A_1575], %add3A_1574 {strides = array<i32>} : memref<1024xf32, #tpu.memory_space<vmem>>, vector<16xf32>,
      %get3A_1577 = arith.constant 864 : index
      %get3A_1578 = tpu.vector_load %arg15[%get3A_1577] {strides = array<i32>} : memref<1024xf32, #tpu.memory_space<vmem>>, vector<16xf32>,
      %get3A_1579 = arith.constant 6 : i32
      %get3A_1580 = arith.index_cast %get3A_1579 : i32 to index
      %get3A_1581 = arith.constant 96 : index
      %get3A_1582 = tpu.vector_load %arg12[%get3A_1580, %get3A_1581] {strides = array<i32>} : memref<8x128xf32, #tpu.memory_space<vmem>>, vector<16xf32>,
      %get3A_1583 = arith.constant 6 : i32
      %get3A_1584 = arith.index_cast %get3A_1583 : i32 to index
      %get3A_1585 = arith.constant 96 : index
      %get3A_1586 = tpu.vector_load %arg14[%get3A_1584, %get3A_1585] {strides = array<i32>} : memref<8x128xf32, #tpu.memory_space<vmem>>, vector<16xf32>,
      %mul3A_1587 = arith.mulf %get3A_1582, %get3A_1586 : vector<16xf32>
      %get3A_1588 = arith.constant 6 : i32
      %get3A_1589 = arith.index_cast %get3A_1588 : i32 to index
      %get3A_1590 = arith.constant 96 : index
      %get3A_1591 = tpu.vector_load %arg13[%get3A_1589, %get3A_1590] {strides = array<i32>} : memref<8x128xf32, #tpu.memory_space<vmem>>, vector<16xf32>,
      %mul3A_1592 = arith.mulf %mul3A_1587, %get3A_1591 : vector<16xf32>
      %add3A_1593 = arith.addf %get3A_1578, %mul3A_1592 : vector<16xf32>
      %swap3A_1594 = arith.constant 864 : index
      %swap3A_1595 = tpu.vector_load %arg15[%swap3A_1594] {strides = array<i32>} : memref<1024xf32, #tpu.memory_space<vmem>>, vector<16xf32>,
      tpu.vector_store %arg15[%swap3A_1594], %add3A_1593 {strides = array<i32>} : memref<1024xf32, #tpu.memory_space<vmem>>, vector<16xf32>,
      %get3A_1596 = arith.constant 880 : index
      %get3A_1597 = tpu.vector_load %arg15[%get3A_1596] {strides = array<i32>} : memref<1024xf32, #tpu.memory_space<vmem>>, vector<16xf32>,
      %get3A_1598 = arith.constant 6 : i32
      %get3A_1599 = arith.index_cast %get3A_1598 : i32 to index
      %get3A_1600 = arith.constant 112 : index
      %get3A_1601 = tpu.vector_load %arg12[%get3A_1599, %get3A_1600] {strides = array<i32>} : memref<8x128xf32, #tpu.memory_space<vmem>>, vector<16xf32>,
      %get3A_1602 = arith.constant 6 : i32
      %get3A_1603 = arith.index_cast %get3A_1602 : i32 to index
      %get3A_1604 = arith.constant 112 : index
      %get3A_1605 = tpu.vector_load %arg14[%get3A_1603, %get3A_1604] {strides = array<i32>} : memref<8x128xf32, #tpu.memory_space<vmem>>, vector<16xf32>,
      %mul3A_1606 = arith.mulf %get3A_1601, %get3A_1605 : vector<16xf32>
      %get3A_1607 = arith.constant 6 : i32
      %get3A_1608 = arith.index_cast %get3A_1607 : i32 to index
      %get3A_1609 = arith.constant 112 : index
      %get3A_1610 = tpu.vector_load %arg13[%get3A_1608, %get3A_1609] {strides = array<i32>} : memref<8x128xf32, #tpu.memory_space<vmem>>, vector<16xf32>,
      %mul3A_1611 = arith.mulf %mul3A_1606, %get3A_1610 : vector<16xf32>
      %add3A_1612 = arith.addf %get3A_1597, %mul3A_1611 : vector<16xf32>
      %swap3A_1613 = arith.constant 880 : index
      %swap3A_1614 = tpu.vector_load %arg15[%swap3A_1613] {strides = array<i32>} : memref<1024xf32, #tpu.memory_space<vmem>>, vector<16xf32>,
      tpu.vector_store %arg15[%swap3A_1613], %add3A_1612 {strides = array<i32>} : memref<1024xf32, #tpu.memory_space<vmem>>, vector<16xf32>,
      %get3A_1615 = arith.constant 896 : index
      %get3A_1616 = tpu.vector_load %arg15[%get3A_1615] {strides = array<i32>} : memref<1024xf32, #tpu.memory_space<vmem>>, vector<16xf32>,
      %get3A_1617 = arith.constant 7 : i32
      %get3A_1618 = arith.index_cast %get3A_1617 : i32 to index
      %get3A_1619 = arith.constant 0 : index
      %get3A_1620 = tpu.vector_load %arg12[%get3A_1618, %get3A_1619] {strides = array<i32>} : memref<8x128xf32, #tpu.memory_space<vmem>>, vector<16xf32>,
      %get3A_1621 = arith.constant 7 : i32
      %get3A_1622 = arith.index_cast %get3A_1621 : i32 to index
      %get3A_1623 = arith.constant 0 : index
      %get3A_1624 = tpu.vector_load %arg14[%get3A_1622, %get3A_1623] {strides = array<i32>} : memref<8x128xf32, #tpu.memory_space<vmem>>, vector<16xf32>,
      %mul3A_1625 = arith.mulf %get3A_1620, %get3A_1624 : vector<16xf32>
      %get3A_1626 = arith.constant 7 : i32
      %get3A_1627 = arith.index_cast %get3A_1626 : i32 to index
      %get3A_1628 = arith.constant 0 : index
      %get3A_1629 = tpu.vector_load %arg13[%get3A_1627, %get3A_1628] {strides = array<i32>} : memref<8x128xf32, #tpu.memory_space<vmem>>, vector<16xf32>,
      %mul3A_1630 = arith.mulf %mul3A_1625, %get3A_1629 : vector<16xf32>
      %add3A_1631 = arith.addf %get3A_1616, %mul3A_1630 : vector<16xf32>
      %swap3A_1632 = arith.constant 896 : index
      %swap3A_1633 = tpu.vector_load %arg15[%swap3A_1632] {strides = array<i32>} : memref<1024xf32, #tpu.memory_space<vmem>>, vector<16xf32>,
      tpu.vector_store %arg15[%swap3A_1632], %add3A_1631 {strides = array<i32>} : memref<1024xf32, #tpu.memory_space<vmem>>, vector<16xf32>,
      %get3A_1634 = arith.constant 912 : index
      %get3A_1635 = tpu.vector_load %arg15[%get3A_1634] {strides = array<i32>} : memref<1024xf32, #tpu.memory_space<vmem>>, vector<16xf32>,
      %get3A_1636 = arith.constant 7 : i32
      %get3A_1637 = arith.index_cast %get3A_1636 : i32 to index
      %get3A_1638 = arith.constant 16 : index
      %get3A_1639 = tpu.vector_load %arg12[%get3A_1637, %get3A_1638] {strides = array<i32>} : memref<8x128xf32, #tpu.memory_space<vmem>>, vector<16xf32>,
      %get3A_1640 = arith.constant 7 : i32
      %get3A_1641 = arith.index_cast %get3A_1640 : i32 to index
      %get3A_1642 = arith.constant 16 : index
      %get3A_1643 = tpu.vector_load %arg14[%get3A_1641, %get3A_1642] {strides = array<i32>} : memref<8x128xf32, #tpu.memory_space<vmem>>, vector<16xf32>,
      %mul3A_1644 = arith.mulf %get3A_1639, %get3A_1643 : vector<16xf32>
      %get3A_1645 = arith.constant 7 : i32
      %get3A_1646 = arith.index_cast %get3A_1645 : i32 to index
      %get3A_1647 = arith.constant 16 : index
      %get3A_1648 = tpu.vector_load %arg13[%get3A_1646, %get3A_1647] {strides = array<i32>} : memref<8x128xf32, #tpu.memory_space<vmem>>, vector<16xf32>,
      %mul3A_1649 = arith.mulf %mul3A_1644, %get3A_1648 : vector<16xf32>
      %add3A_1650 = arith.addf %get3A_1635, %mul3A_1649 : vector<16xf32>
      %swap3A_1651 = arith.constant 912 : index
      %swap3A_1652 = tpu.vector_load %arg15[%swap3A_1651] {strides = array<i32>} : memref<1024xf32, #tpu.memory_space<vmem>>, vector<16xf32>,
      tpu.vector_store %arg15[%swap3A_1651], %add3A_1650 {strides = array<i32>} : memref<1024xf32, #tpu.memory_space<vmem>>, vector<16xf32>,
      %get3A_1653 = arith.constant 928 : index
      %get3A_1654 = tpu.vector_load %arg15[%get3A_1653] {strides = array<i32>} : memref<1024xf32, #tpu.memory_space<vmem>>, vector<16xf32>,
      %get3A_1655 = arith.constant 7 : i32
      %get3A_1656 = arith.index_cast %get3A_1655 : i32 to index
      %get3A_1657 = arith.constant 32 : index
      %get3A_1658 = tpu.vector_load %arg12[%get3A_1656, %get3A_1657] {strides = array<i32>} : memref<8x128xf32, #tpu.memory_space<vmem>>, vector<16xf32>,
      %get3A_1659 = arith.constant 7 : i32
      %get3A_1660 = arith.index_cast %get3A_1659 : i32 to index
      %get3A_1661 = arith.constant 32 : index
      %get3A_1662 = tpu.vector_load %arg14[%get3A_1660, %get3A_1661] {strides = array<i32>} : memref<8x128xf32, #tpu.memory_space<vmem>>, vector<16xf32>,
      %mul3A_1663 = arith.mulf %get3A_1658, %get3A_1662 : vector<16xf32>
      %get3A_1664 = arith.constant 7 : i32
      %get3A_1665 = arith.index_cast %get3A_1664 : i32 to index
      %get3A_1666 = arith.constant 32 : index
      %get3A_1667 = tpu.vector_load %arg13[%get3A_1665, %get3A_1666] {strides = array<i32>} : memref<8x128xf32, #tpu.memory_space<vmem>>, vector<16xf32>,
      %mul3A_1668 = arith.mulf %mul3A_1663, %get3A_1667 : vector<16xf32>
      %add3A_1669 = arith.addf %get3A_1654, %mul3A_1668 : vector<16xf32>
      %swap3A_1670 = arith.constant 928 : index
      %swap3A_1671 = tpu.vector_load %arg15[%swap3A_1670] {strides = array<i32>} : memref<1024xf32, #tpu.memory_space<vmem>>, vector<16xf32>,
      tpu.vector_store %arg15[%swap3A_1670], %add3A_1669 {strides = array<i32>} : memref<1024xf32, #tpu.memory_space<vmem>>, vector<16xf32>,
      %get3A_1672 = arith.constant 944 : index
      %get3A_1673 = tpu.vector_load %arg15[%get3A_1672] {strides = array<i32>} : memref<1024xf32, #tpu.memory_space<vmem>>, vector<16xf32>,
      %get3A_1674 = arith.constant 7 : i32
      %get3A_1675 = arith.index_cast %get3A_1674 : i32 to index
      %get3A_1676 = arith.constant 48 : index
      %get3A_1677 = tpu.vector_load %arg12[%get3A_1675, %get3A_1676] {strides = array<i32>} : memref<8x128xf32, #tpu.memory_space<vmem>>, vector<16xf32>,
      %get3A_1678 = arith.constant 7 : i32
      %get3A_1679 = arith.index_cast %get3A_1678 : i32 to index
      %get3A_1680 = arith.constant 48 : index
      %get3A_1681 = tpu.vector_load %arg14[%get3A_1679, %get3A_1680] {strides = array<i32>} : memref<8x128xf32, #tpu.memory_space<vmem>>, vector<16xf32>,
      %mul3A_1682 = arith.mulf %get3A_1677, %get3A_1681 : vector<16xf32>
      %get3A_1683 = arith.constant 7 : i32
      %get3A_1684 = arith.index_cast %get3A_1683 : i32 to index
      %get3A_1685 = arith.constant 48 : index
      %get3A_1686 = tpu.vector_load %arg13[%get3A_1684, %get3A_1685] {strides = array<i32>} : memref<8x128xf32, #tpu.memory_space<vmem>>, vector<16xf32>,
      %mul3A_1687 = arith.mulf %mul3A_1682, %get3A_1686 : vector<16xf32>
      %add3A_1688 = arith.addf %get3A_1673, %mul3A_1687 : vector<16xf32>
      %swap3A_1689 = arith.constant 944 : index
      %swap3A_1690 = tpu.vector_load %arg15[%swap3A_1689] {strides = array<i32>} : memref<1024xf32, #tpu.memory_space<vmem>>, vector<16xf32>,
      tpu.vector_store %arg15[%swap3A_1689], %add3A_1688 {strides = array<i32>} : memref<1024xf32, #tpu.memory_space<vmem>>, vector<16xf32>,
      %get3A_1691 = arith.constant 960 : index
      %get3A_1692 = tpu.vector_load %arg15[%get3A_1691] {strides = array<i32>} : memref<1024xf32, #tpu.memory_space<vmem>>, vector<16xf32>,
      %get3A_1693 = arith.constant 7 : i32
      %get3A_1694 = arith.index_cast %get3A_1693 : i32 to index
      %get3A_1695 = arith.constant 64 : index
      %get3A_1696 = tpu.vector_load %arg12[%get3A_1694, %get3A_1695] {strides = array<i32>} : memref<8x128xf32, #tpu.memory_space<vmem>>, vector<16xf32>,
      %get3A_1697 = arith.constant 7 : i32
      %get3A_1698 = arith.index_cast %get3A_1697 : i32 to index
      %get3A_1699 = arith.constant 64 : index
      %get3A_1700 = tpu.vector_load %arg14[%get3A_1698, %get3A_1699] {strides = array<i32>} : memref<8x128xf32, #tpu.memory_space<vmem>>, vector<16xf32>,
      %mul3A_1701 = arith.mulf %get3A_1696, %get3A_1700 : vector<16xf32>
      %get3A_1702 = arith.constant 7 : i32
      %get3A_1703 = arith.index_cast %get3A_1702 : i32 to index
      %get3A_1704 = arith.constant 64 : index
      %get3A_1705 = tpu.vector_load %arg13[%get3A_1703, %get3A_1704] {strides = array<i32>} : memref<8x128xf32, #tpu.memory_space<vmem>>, vector<16xf32>,
      %mul3A_1706 = arith.mulf %mul3A_1701, %get3A_1705 : vector<16xf32>
      %add3A_1707 = arith.addf %get3A_1692, %mul3A_1706 : vector<16xf32>
      %swap3A_1708 = arith.constant 960 : index
      %swap3A_1709 = tpu.vector_load %arg15[%swap3A_1708] {strides = array<i32>} : memref<1024xf32, #tpu.memory_space<vmem>>, vector<16xf32>,
      tpu.vector_store %arg15[%swap3A_1708], %add3A_1707 {strides = array<i32>} : memref<1024xf32, #tpu.memory_space<vmem>>, vector<16xf32>,
      %get3A_1710 = arith.constant 976 : index
      %get3A_1711 = tpu.vector_load %arg15[%get3A_1710] {strides = array<i32>} : memref<1024xf32, #tpu.memory_space<vmem>>, vector<16xf32>,
      %get3A_1712 = arith.constant 7 : i32
      %get3A_1713 = arith.index_cast %get3A_1712 : i32 to index
      %get3A_1714 = arith.constant 80 : index
      %get3A_1715 = tpu.vector_load %arg12[%get3A_1713, %get3A_1714] {strides = array<i32>} : memref<8x128xf32, #tpu.memory_space<vmem>>, vector<16xf32>,
      %get3A_1716 = arith.constant 7 : i32
      %get3A_1717 = arith.index_cast %get3A_1716 : i32 to index
      %get3A_1718 = arith.constant 80 : index
      %get3A_1719 = tpu.vector_load %arg14[%get3A_1717, %get3A_1718] {strides = array<i32>} : memref<8x128xf32, #tpu.memory_space<vmem>>, vector<16xf32>,
      %mul3A_1720 = arith.mulf %get3A_1715, %get3A_1719 : vector<16xf32>
      %get3A_1721 = arith.constant 7 : i32
      %get3A_1722 = arith.index_cast %get3A_1721 : i32 to index
      %get3A_1723 = arith.constant 80 : index
      %get3A_1724 = tpu.vector_load %arg13[%get3A_1722, %get3A_1723] {strides = array<i32>} : memref<8x128xf32, #tpu.memory_space<vmem>>, vector<16xf32>,
      %mul3A_1725 = arith.mulf %mul3A_1720, %get3A_1724 : vector<16xf32>
      %add3A_1726 = arith.addf %get3A_1711, %mul3A_1725 : vector<16xf32>
      %swap3A_1727 = arith.constant 976 : index
      %swap3A_1728 = tpu.vector_load %arg15[%swap3A_1727] {strides = array<i32>} : memref<1024xf32, #tpu.memory_space<vmem>>, vector<16xf32>,
      tpu.vector_store %arg15[%swap3A_1727], %add3A_1726 {strides = array<i32>} : memref<1024xf32, #tpu.memory_space<vmem>>, vector<16xf32>,
      %get3A_1729 = arith.constant 992 : index
      %get3A_1730 = tpu.vector_load %arg15[%get3A_1729] {strides = array<i32>} : memref<1024xf32, #tpu.memory_space<vmem>>, vector<16xf32>,
      %get3A_1731 = arith.constant 7 : i32
      %get3A_1732 = arith.index_cast %get3A_1731 : i32 to index
      %get3A_1733 = arith.constant 96 : index
      %get3A_1734 = tpu.vector_load %arg12[%get3A_1732, %get3A_1733] {strides = array<i32>} : memref<8x128xf32, #tpu.memory_space<vmem>>, vector<16xf32>,
      %get3A_1735 = arith.constant 7 : i32
      %get3A_1736 = arith.index_cast %get3A_1735 : i32 to index
      %get3A_1737 = arith.constant 96 : index
      %get3A_1738 = tpu.vector_load %arg14[%get3A_1736, %get3A_1737] {strides = array<i32>} : memref<8x128xf32, #tpu.memory_space<vmem>>, vector<16xf32>,
      %mul3A_1739 = arith.mulf %get3A_1734, %get3A_1738 : vector<16xf32>
      %get3A_1740 = arith.constant 7 : i32
      %get3A_1741 = arith.index_cast %get3A_1740 : i32 to index
      %get3A_1742 = arith.constant 96 : index
      %get3A_1743 = tpu.vector_load %arg13[%get3A_1741, %get3A_1742] {strides = array<i32>} : memref<8x128xf32, #tpu.memory_space<vmem>>, vector<16xf32>,
      %mul3A_1744 = arith.mulf %mul3A_1739, %get3A_1743 : vector<16xf32>
      %add3A_1745 = arith.addf %get3A_1730, %mul3A_1744 : vector<16xf32>
      %swap3A_1746 = arith.constant 992 : index
      %swap3A_1747 = tpu.vector_load %arg15[%swap3A_1746] {strides = array<i32>} : memref<1024xf32, #tpu.memory_space<vmem>>, vector<16xf32>,
      tpu.vector_store %arg15[%swap3A_1746], %add3A_1745 {strides = array<i32>} : memref<1024xf32, #tpu.memory_space<vmem>>, vector<16xf32>,
      %get3A_1748 = arith.constant 1008 : index
      %get3A_1749 = tpu.vector_load %arg15[%get3A_1748] {strides = array<i32>} : memref<1024xf32, #tpu.memory_space<vmem>>, vector<16xf32>,
      %get3A_1750 = arith.constant 7 : i32
      %get3A_1751 = arith.index_cast %get3A_1750 : i32 to index
      %get3A_1752 = arith.constant 112 : index
      %get3A_1753 = tpu.vector_load %arg12[%get3A_1751, %get3A_1752] {strides = array<i32>} : memref<8x128xf32, #tpu.memory_space<vmem>>, vector<16xf32>,
      %get3A_1754 = arith.constant 7 : i32
      %get3A_1755 = arith.index_cast %get3A_1754 : i32 to index
      %get3A_1756 = arith.constant 112 : index
      %get3A_1757 = tpu.vector_load %arg14[%get3A_1755, %get3A_1756] {strides = array<i32>} : memref<8x128xf32, #tpu.memory_space<vmem>>, vector<16xf32>,
      %mul3A_1758 = arith.mulf %get3A_1753, %get3A_1757 : vector<16xf32>
      %get3A_1759 = arith.constant 7 : i32
      %get3A_1760 = arith.index_cast %get3A_1759 : i32 to index
      %get3A_1761 = arith.constant 112 : index
      %get3A_1762 = tpu.vector_load %arg13[%get3A_1760, %get3A_1761] {strides = array<i32>} : memref<8x128xf32, #tpu.memory_space<vmem>>, vector<16xf32>,
      %mul3A_1763 = arith.mulf %mul3A_1758, %get3A_1762 : vector<16xf32>
      %add3A_1764 = arith.addf %get3A_1749, %mul3A_1763 : vector<16xf32>
      %swap3A_1765 = arith.constant 1008 : index
      %swap3A_1766 = tpu.vector_load %arg15[%swap3A_1765] {strides = array<i32>} : memref<1024xf32, #tpu.memory_space<vmem>>, vector<16xf32>,
      tpu.vector_store %arg15[%swap3A_1765], %add3A_1764 {strides = array<i32>} : memref<1024xf32, #tpu.memory_space<vmem>>, vector<16xf32>,
    }
    %scan3A_38 = arith.constant 32 : i32
    "tpu.region"() ({
      %run_scoped3A = tpu.sem_alloc : memref<!tpu.dma_semaphore, #tpu.memory_space<semaphore_mem>>
      %dma_start3A = arith.constant 0 : i32
      %dma_start3A_39 = tpu.memref_slice %arg8[%arg0, %arg1, %dma_start3A] : memref<2x16x1024xf32, #tpu.memory_space<hbm>> -> memref<1x1x1024xf32, #tpu.memory_space<hbm>>
      %dma_start3A_40 = tpu.memref_squeeze %dma_start3A_39 : memref<1x1x1024xf32, #tpu.memory_space<hbm>> -> memref<1024xf32, #tpu.memory_space<hbm>>
      %dma_start3A_41 = arith.constant 0 : i32
      %dma_start3A_42 = tpu.memref_slice %arg8[%arg0, %arg1, %dma_start3A_41] : memref<2x16x1024xf32, #tpu.memory_space<hbm>> -> memref<1x1x1024xf32, #tpu.memory_space<hbm>>
      %dma_start3A_43 = tpu.memref_squeeze %dma_start3A_42 : memref<1x1x1024xf32, #tpu.memory_space<hbm>> -> memref<1024xf32, #tpu.memory_space<hbm>>
      tpu.enqueue_dma source(%arg15 : memref<1024xf32, #tpu.memory_space<vmem>>) target(%dma_start3A_43 : memref<1024xf32, #tpu.memory_space<hbm>>) target_semaphore(%run_scoped3A : memref<!tpu.dma_semaphore, #tpu.memory_space<semaphore_mem>>)
      %dma_wait3A = arith.constant 0 : i32
      %dma_wait3A_44 = tpu.memref_slice %arg8[%arg0, %arg1, %dma_wait3A] : memref<2x16x1024xf32, #tpu.memory_space<hbm>> -> memref<1x1x1024xf32, #tpu.memory_space<hbm>>
      %dma_wait3A_45 = tpu.memref_squeeze %dma_wait3A_44 : memref<1x1x1024xf32, #tpu.memory_space<hbm>> -> memref<1024xf32, #tpu.memory_space<hbm>>
      %dma_wait3A_46 = arith.constant 0 : i32
      %dma_wait3A_47 = tpu.memref_slice %arg8[%arg0, %arg1, %dma_wait3A_46] : memref<2x16x1024xf32, #tpu.memory_space<hbm>> -> memref<1x1x1024xf32, #tpu.memory_space<hbm>>
      %dma_wait3A_48 = tpu.memref_squeeze %dma_wait3A_47 : memref<1x1x1024xf32, #tpu.memory_space<hbm>> -> memref<1024xf32, #tpu.memory_space<hbm>>
      tpu.wait_dma2 semaphore(%run_scoped3A : memref<!tpu.dma_semaphore, #tpu.memory_space<semaphore_mem>>) src(%arg15 : memref<1024xf32, #tpu.memory_space<vmem>>) dst(%dma_wait3A_48 : memref<1024xf32, #tpu.memory_space<hbm>>)
      tpu.yield
    }) : () -> ()
    return
  }
}

module attributes {stable_mosaic.version = 14 : i64} {
  func.func @_softmax_body(%arg0: memref<2x128x128xf32, #tpu.memory_space<vmem>>, %arg1: memref<128x128xf32, #tpu.memory_space<vmem>>) attributes {dimension_semantics = [], scalar_prefetch = 0 : i64, scratch_operands = 0 : i64, tpu.core_type = #tpu.core_type<tc>} {
    %get3A = arith.constant 0 : index
    %get3A_0 = arith.constant 0 : index
    %get3A_1 = arith.constant 0 : index
    %get3A_2 = vector.load %arg0[%get3A, %get3A_0, %get3A_1] : memref<2x128x128xf32, #tpu.memory_space<vmem>>, vector<1x128x128xf32>
    %get3A_3 = vector.shape_cast %get3A_2 : vector<1x128x128xf32> to vector<128x128xf32>
    %get3A_4 = arith.constant 1 : index
    %get3A_5 = arith.constant 0 : index
    %get3A_6 = arith.constant 0 : index
    %get3A_7 = vector.load %arg0[%get3A_4, %get3A_5, %get3A_6] : memref<2x128x128xf32, #tpu.memory_space<vmem>>, vector<1x128x128xf32>
    %get3A_8 = vector.shape_cast %get3A_7 : vector<1x128x128xf32> to vector<128x128xf32>
    %add3A = arith.addf %get3A_3, %get3A_8 : vector<128x128xf32>
    %reduce_max3A = vector.shape_cast %add3A : vector<128x128xf32> to vector<1x128x128xf32>
    %reduce_max3A_9 = arith.constant dense<0xFF800000> : vector<1xf32>
    %reduce_max3A_10 = vector.multi_reduction <maximumf>, %reduce_max3A, %reduce_max3A_9 [1, 2] : vector<1x128x128xf32> to vector<1xf32>
    %reduce_max3A_11 = vector.shape_cast %reduce_max3A_10 : vector<1xf32> to vector<1x1x1xf32>
    %reduce_max3A_12 = vector.extract %reduce_max3A_11[0, 0, 0] : f32 from vector<1x1x1xf32>
    %sub3A = vector.broadcast %reduce_max3A_12 : f32 to vector<128x128xf32>
    %sub3A_13 = arith.subf %add3A, %sub3A : vector<128x128xf32>
    %exp3A = math.exp %sub3A_13 : vector<128x128xf32>
    %reduce_sum3A = vector.shape_cast %exp3A : vector<128x128xf32> to vector<1x128x128xf32>
    %reduce_sum3A_14 = arith.constant dense<0.000000e+00> : vector<1xf32>
    %reduce_sum3A_15 = vector.multi_reduction <add>, %reduce_sum3A, %reduce_sum3A_14 [1, 2] : vector<1x128x128xf32> to vector<1xf32>
    %reduce_sum3A_16 = vector.shape_cast %reduce_sum3A_15 : vector<1xf32> to vector<1x1x1xf32>
    %reduce_sum3A_17 = vector.extract %reduce_sum3A_16[0, 0, 0] : f32 from vector<1x1x1xf32>
    %div3A = arith.constant 1.000000e+00 : f32
    %div3A_18 = arith.divf %div3A, %reduce_sum3A_17 : f32
    %mul3A = vector.broadcast %div3A_18 : f32 to vector<128x128xf32>
    %mul3A_19 = arith.mulf %exp3A, %mul3A : vector<128x128xf32>
    %swap3A = arith.constant 0 : index
    %swap3A_20 = arith.constant 0 : index
    %swap3A_21 = vector.load %arg1[%swap3A, %swap3A_20] : memref<128x128xf32, #tpu.memory_space<vmem>>, vector<128x128xf32>
    tpu.vector_store %arg1[%swap3A, %swap3A_20], %mul3A_19 {strides = array<i32>} : memref<128x128xf32, #tpu.memory_space<vmem>>, vector<128x128xf32>,
    return
  }
}

</mosaic_0001>

<sc_bundles>
// kernel: kernel.4.cloned.1.call-start
scs
__scs_entry_jumppad:
0x0: {  	(pc) =	sbr.rel $0x88, $3  }
0x1: {  	(tag) =	ssettag $0x0;
	lr =	simm.s32 $0x1  }
0x2: {  	[smem:$0x3F9C] =	sst lr;
	_ =	strace $0xD0000000  }
0x3: {  	_ = 	snop  }
0x4: {  	_ = 	snop  }
0x5: {  	_ = 	snop  }
0x6: {  	_ = 	snop  }
0x7: {  	_ = 	snop  }
__scs_overlays_trampoline_lowered:
0x8: {  	[smem:$0x3FAB] =	sst s0  }
0x9: {  	[smem:$0x3FAC] =	sst s1  }
0xa: {  	[smem:$0x3FAD] =	sst s2  }
0xb: {  	[smem:$0x3FAE] =	sst s3  }
0xc: {  	[smem:$0x3FAF] =	sst s4  }
0xd: {  	[smem:$0x3FB0] =	sst s5  }
0xe: {  	[smem:$0x3FB1] =	sst s6  }
0xf: {  	[smem:$0x3FB2] =	sst s7  }
0x10: {  	[smem:$0x3FB3] =	sst s8  }
0x11: {  	[smem:$0x3FB4] =	sst s9;
	s0 =	simm.s32 @!p0 $0x0  }
0x12: {  	s1 =	sld [smem:$0x3F9A];
	s0 =	simm.s32 @p0 $0x1  }
0x13: {  	[smem:$0x3FB5] =	sst s0;
	s0 =	simm.s32 @!p1 $0x0  }
0x14: {  	s2 =	sld [smem:$0x3F99];
	s0 =	simm.s32 @p1 $0x1  }
0x15: {  	[smem:$0x3FB6] =	sst s0;
	s0 =	simm.s32 @!p2 $0x0  }
0x16: {  	s3 =	sld [smem:$0x3FDB];
	s0 =	simm.s32 @p2 $0x1  }
0x17: {  	s4 =	simm.s32 $0x1BF5;
	[smem:$0x3FB8] =	sst s0  }
0x18: {  	s0 =	sld [smem:$0x3F9B];
	_ =	swait.ge [sflag:s4], $0x0  }
0x19: {  	s7 =	sld [smem:$0x3F9C]  }
0x1a: {  	s8 =	sadd.s32 $0xFFFFE003, lr  }
0x1b: {  	s9 =	sadd.s32 $0xFFFFFEF7, lr;
	s5 =	simm.s32 $0xFFFFFFFF;
	p2 =	slt.u32 s8, $0xFFFFF086  }
0x1c: {  	p1 =	slt.u32 s9, $0xF7A;
	s5 =	simm.s32 @!p2 $0x0  }
0x1d: {  	s5 =	simm.s32 @p1 $0x1;
	p0 =	seq.s32 s7, s2  }
0x1e: {  	s7 =	smul.u32 @!p0 $0xF7A, s2;
	p2 =	seq.s32 @!p0 s5, $0x0  }
0x1f: {  	s9 =	smul.u32 $0xF7A, s1;
	s8 =	simm.s32 @!p0 $0x1BF5;
	p2 =	por !p2, p0  }
0x20: {  	[sflag:s8] =	ssyncset.s32 @!p0 $0xFFFFF086;
	s6 =	sadd.s32 @!p0 s3, s7;
	s7 =	simm.s32 @!p0 $0x108  }
0x21: {  	s3 =	sadd.s32 s3, s9;
	s6 =	sadd.s32 @!p0 $0x88, s6;
	s7 =	simm.s32 @p2 $0x1082  }
0x22: {  	[simem:s7], [sflag:s8] =	dma.local @!p0 [hbm:s6], $0xF7A  }
0x23: {  	s9 =	sor.u32 $0xD0000000, s2;
	s6 =	simm.s32 $0x108;
	_ =	swait.ge @!p0 [sflag:s8], $0x0  }
0x24: {  	s3 =	sadd.s32 $0x88, s3;
	s6 =	simm.s32 @!p1 $0x1082;
	[sflag:s4] =	ssyncset.s32 $0xFFFFF086  }
0x25: {  	[simem:s6], [sflag:s4] =	dma.local [hbm:s3], $0xF7A  }
0x26: {  	[smem:$0x3F9C] =	sst s1;
	(tag) =	ssettag s2;
	_ =	strace s9  }
0x27: {  	s1 =	sld [smem:$0x3FAC]  }
0x28: {  	s2 =	sld [smem:$0x3FAD]  }
0x29: {  	s4 =	sld [smem:$0x3FAF]  }
0x2a: {  	p0 =	seq.s32 s5, $0x0;
	s5 =	sld [smem:$0x3FB0]  }
0x2b: {  	s6 =	sld [smem:$0x3FB1]  }
0x2c: {  	s7 =	sld [smem:$0x3FB2]  }
0x2d: {  	s3 =	simm.s32 $0x108;
	s8 =	sld [smem:$0x3FB3]  }
0x2e: {  	s3 =	simm.s32 @!p0 $0x1082;
	s9 =	sld [smem:$0x3FB4]  }
0x2f: {  	lr =	sadd.s32 s0, s3;
	s0 =	sld [smem:$0x3FAB]  }
0x30: {  	s3 =	sld [smem:$0x3FAE]  }
0x31: {  	[smem:$0x3FB7] =	sst s10  }
0x32: {  	s10 =	sld [smem:$0x3FB5];
	_ =	sdelay $0x3  }
0x33: {  	p0 =	seq.s32 s10, $0x1;
	s10 =	sld [smem:$0x3FB7];
	_ =	sdelay $0x3  }
0x34: {  	[smem:$0x3FB7] =	sst s10  }
0x35: {  	s10 =	sld [smem:$0x3FB6];
	_ =	sdelay $0x3  }
0x36: {  	p1 =	seq.s32 s10, $0x1;
	s10 =	sld [smem:$0x3FB7];
	_ =	sdelay $0x3  }
0x37: {  	[smem:$0x3FB7] =	sst s10  }
0x38: {  	s10 =	sld [smem:$0x3FB8]  }
0x39: {  	_ = 	snop;
	(pc) =	sbr.ind lr, $3  }
0x3a: {  	_ = 	snop  }
0x3b: {  	_ = 	snop  }
0x3c: {  	p2 =	seq.s32 s10, $0x1;
	s10 =	sld [smem:$0x3FB7]  }
0x3d: {  	_ =	shalt  }
0x3e: {  	_ =	shalt  }
0x3f: {  	_ =	shalt  }
0x40: {  	_ =	shalt  }
0x41: {  	_ =	shalt  }
0x42: {  	_ =	shalt  }
0x43: {  	_ =	shalt  }
0x44: {  	_ =	shalt  }
0x45: {  	_ =	shalt  }
0x46: {  	_ =	shalt  }
0x47: {  	_ =	shalt  }
0x48: {  	_ =	shalt  }
0x49: {  	_ =	shalt  }
0x4a: {  	_ =	shalt  }
0x4b: {  	_ =	shalt  }
0x4c: {  	_ =	shalt  }
0x4d: {  	_ =	shalt  }
0x4e: {  	_ =	shalt  }
0x4f: {  	_ =	shalt  }
0x50: {  	_ =	shalt  }
0x51: {  	_ =	shalt  }
0x52: {  	_ =	shalt  }
0x53: {  	_ =	shalt  }
0x54: {  	_ =	shalt  }
0x55: {  	_ =	shalt  }
0x56: {  	_ =	shalt  }
0x57: {  	_ =	shalt  }
0x58: {  	_ =	shalt  }
0x59: {  	_ =	shalt  }
0x5a: {  	_ =	shalt  }
0x5b: {  	_ =	shalt  }
0x5c: {  	_ =	shalt  }
0x5d: {  	_ =	shalt  }
0x5e: {  	_ =	shalt  }
0x5f: {  	_ =	shalt  }
0x60: {  	_ =	shalt  }
0x61: {  	_ =	shalt  }
0x62: {  	_ =	shalt  }
0x63: {  	_ =	shalt  }
0x64: {  	_ =	shalt  }
0x65: {  	_ =	shalt  }
0x66: {  	_ =	shalt  }
0x67: {  	_ =	shalt  }
0x68: {  	_ =	shalt  }
0x69: {  	_ =	shalt  }
0x6a: {  	_ =	shalt  }
0x6b: {  	_ =	shalt  }
0x6c: {  	_ =	shalt  }
0x6d: {  	_ =	shalt  }
0x6e: {  	_ =	shalt  }
0x6f: {  	_ =	shalt  }
0x70: {  	_ =	shalt  }
0x71: {  	_ =	shalt  }
0x72: {  	_ =	shalt  }
0x73: {  	_ =	shalt  }
0x74: {  	_ =	shalt  }
0x75: {  	_ =	shalt  }
0x76: {  	_ =	shalt  }
0x77: {  	_ =	shalt  }
0x78: {  	_ =	shalt  }
0x79: {  	_ =	shalt  }
0x7a: {  	_ =	shalt  }
0x7b: {  	_ =	shalt  }
0x7c: {  	_ =	shalt  }
0x7d: {  	_ =	shalt  }
0x7e: {  	_ =	shalt  }
0x7f: {  	_ =	shalt  }
0x80: {  	_ =	shalt  }
0x81: {  	_ =	shalt  }
0x82: {  	_ =	shalt  }
0x83: {  	_ =	shalt  }
0x84: {  	_ =	shalt  }
0x85: {  	_ =	shalt  }
0x86: {  	_ =	shalt  }
0x87: {  	_ =	shalt  }
.Lfunc_end0:
.L_simem_size_0:
called_computation_lowered:
.L_overlay_start_0:
0x88: {  	s2 =	sld [smem:$0x3FD9]  }
0x89: {  	s3 =	sld [smem:$0x3FFE];
	_ =	sdelay $0x1  }
0x8a: {  	s1 =	srdreg.scid  }
0x8b: {  	s0 =	sand.u32 $0x1, s1  }
0x8c: {  	s17 =	sshll.u32 s0, $0xA;
	s2 =	sadd.s32 s3, s2  }
0x8d: {  	s2 =	sadd.s32 s2, s17  }
0x8e: {  	[smem:$0x3FC3] =	sst s2  }
0x8f: {  	_ = 	snop  }
0x90: {  	s2 =	sld [smem:$0x3FC9]  }
0x91: {  	s18 =	sld [smem:$0x3FC7]  }
0x92: {  	s4 =	sld [smem:$0x3FC6]  }
0x93: {  	s5 =	sld [smem:$0x3FD0];
	(tm) =	ssettm $0x1  }
0x94: {  	s6 =	sld [smem:$0x3FFB];
	_ =	sdelay $0x3  }
0x95: {  	_ =	strace s6  }
0x96: {  	s6 =	sld [smem:$0x3FFC];
	_ =	sdelay $0x3  }
0x97: {  	_ =	strace s6  }
0x98: {  	s6 =	sld [smem:$0x3FFD];
	_ =	sdelay $0x3  }
0x99: {  	_ =	strace s6  }
0x9a: {  	_ =	strace $0x8FFFFFFF  }
0x9b: {  	s19 =	sld [smem:$0x3FDB];
	_ =	sdelay $0x1  }
0x9c: {  	s7 =	simm.s32 $_scs_section_size  }
0x9d: {  	s8 =	simm.s32 $_size__tile_overlayer_lowered;
	s9 =	simm.s32 $_tile_overlayer_lowered  }
0x9e: {  	s22 =	simm.s32 $0x1BFF;
	s21 =	sshll.u32 s9, $0x1;
	s6 =	sadd.s32 s7, s19  }
0x9f: {  	s10 =	simm.s32 $0x0;
	s20 =	sshll.u32 s8, $0x1;
	s8 =	sadd.s32 s21, s6  }
0xa0: {  	[timem:s10], [sflag:s22] =	dma.local [hbm:s8], s20  }
0xa1: {  	_ =	swait.ge [sflag:s22], s20  }
0xa2: {  	s7 =	ssub.s32 $0x0, s20;
	[sflag:s22] =	ssyncset.done $0x0  }
0xa3: {  	[sflag:s22] =	ssyncadd.s32 s7;
	_ =	sdelay $0x1  }
0xa4: {  	s23 =	simm.s32 $0x1B8B  }
0xa5: {  	_ =	swait.ge [sflag:s23], $0x1  }
0xa6: {  	[sflag:s23] =	ssyncset.done $0x0  }
0xa7: {  	s25 =	simm.s32 $0x1B8E;
	s24 =	sld [smem:$0x3FFE];
	[sflag:s23] =	ssyncadd.s32 $0xFFFFFFFF  }
0xa8: {  	s26 =	simm.s32 $execute0_lowered;
	[smem:$0x3FD2] =	sst s25  }
0xa9: {  	s8 =	sshll.u32 s26, $0x1;
	_ =	strace $0x80000046;
	[dreg:$0x1] =	wrdreg $0xFFFFFFFF  }
0xaa: {  	s28 =	simm.s32 $_size_execute0_lowered;
	s6 =	sadd.s32 s6, s8;
	[dreg:$0x0] =	wrdreg $0x0  }
0xab: {  	s8 =	sshll.u32 s28, $0x1;
	[dreg:$0x2] =	wrdreg s6  }
0xac: {  	[dreg:$0x3] =	wrdreg s8  }
0xad: {  	[dreg:$0x4] =	wrdreg $0xC0  }
0xae: {  	_ =	task [dreg:s10], $0x5FFFF  }
0xaf: {  	[dreg:$0x1] =	wrdreg $0xFFFFFFFF  }
0xb0: {  	[dreg:$0x0] =	wrdreg $0x60  }
0xb1: {  	[dreg:$0x2] =	wrdreg s2  }
0xb2: {  	[dreg:$0x3] =	wrdreg s18  }
0xb3: {  	[dreg:$0x4] =	wrdreg s5  }
0xb4: {  	[dreg:$0x5] =	wrdreg s4  }
0xb5: {  	[dreg:$0x6] =	wrdreg s24  }
0xb6: {  	[dreg:$0x7] =	wrdreg $0x1C000  }
0xb7: {  	[dreg:$0x8] =	wrdreg $0x9  }
0xb8: {  	_ =	task.clear_ibuf [dreg:s10], $0x9FFFF;
	_ =	strace $0x90000046  }
0xb9: {  	s29 =	simm.s32 $0x9;
	_ =	strace $0x80000048  }
0xba: {  	_ =	swait.ge [sflag:s29], $0x1  }
0xbb: {  	[sflag:s29] =	ssyncadd.s32 $0xFFFFFFFF  }
0xbc: {  	_ =	strace $0x90000048  }
0xbd: {  	_ =	sfence  }
0xbe: {  	s30 =	sld [smem:$0x0];
	_ =	sdelay $0x2  }
0xbf: {  	s31 =	sshll.u32 s1, $0xD;
	s1 =	sshrl.u32 s1, $0x2  }
0xc0: {  	s3 =	sand.u32 $0x4000, s31;
	s1 =	sadd.s32 s1, s30  }
0xc1: {  	s0 =	sor.u32 s3, s0;
	s1 =	sshll.u32 s1, $0x11  }
0xc2: {  	s0 =	sor.u32 s1, s0  }
0xc3: {  	s0 =	sadd.s32 $0x8F2B, s0  }
0xc4: {  	[sflag:s0] =	ssyncadd.remote.s32 $0x1  }
0xc5: {  	_ =	sfence.sel $0xFFFF  }
0xc6: {  	[dreg:$0x0] =	wrdreg $0xFFFFFFFF;
	(pc) =	sbr.abs _section_cstart, $3  }
0xc7: {  	[dreg:$0x1] =	wrdreg $0xFFFFFFFF  }
0xc8: {  	_ =	task.clear_ibuf [dreg:s10], $0x2FFFF;
	_ =	strace $0x9FFFFFFF  }
0xc9: {  	(tm) =	ssettm $0x7FFFFFFF  }
tec
execute0_lowered:
.L_overlay_start_1:
0x0: {  	(tag) =	ssettag $0x1  }
0x1: {  	s0 =	rddreg [dreg:$0x0]  }
0x2: {  	s3 =	rddreg [dreg:$0x1]  }
0x3: {  	s5 =	rddreg [dreg:$0x2]  }
0x4: {  	s1 =	rddreg [dreg:$0x3]  }
0x5: {  	s6 =	rddreg [dreg:$0x4]  }
0x6: {  	s2 =	rddreg [dreg:$0x5]  }
0x7: {  	s15 =	simm.s32 $0x0;
	s7 =	srdreg.scid;
	s4 =	stileid.u32  }
0x8: {  	s28 =	simm.s32 $0x400;
	s30 =	simm.s32 $0x80;
	[smem:$0x7FF] =	sst s15  }
0x9: {  	s7 =	sand.u32 $0x1, s7;
	s8 =	sshll.u32 s4, $0xA;
	s9 =	sshll.u32 s4, $0x7  }
0xa: {  	s12 =	sadd.s32 $0x400, s6;
	s13 =	sadd.s32 $0x1800, s6;
	s16 =	sadd.s32 $0xF4000, s2  }
0xb: {  	s17 =	sadd.s32 $0xB7000, s2;
	s20 =	sadd.s32 $0x7A000, s2;
	p4 =	seq.s32 s4, $0x0  }
0xc: {  	p5 =	seq.s32 s4, $0x3;
	s10 =	sshll.u32 s7, $0xE;
	s8 =	sand.u32 $0x2000, s8  }
0xd: {  	_ =	strace $0x80000047;
	s22 =	sand.u32 $0x380, s9;
	s23 =	ssub.s32 $0x2, s7  }
0xe: {  	s0 =	sadd.s32 s0, s9;
	s24 =	sadd.s32 s3, s9;
	[dreg:$0x8] =	wrdreg s13  }
0xf: {  	s25 =	sadd.s32 s5, s9;
	s26 =	smul.u32 $0x1E85000, s7;
	[dreg:$0xe] =	wrdreg s16  }
0x10: {  	s3 =	sshll.u32 s7, $0x5;
	s31 =	smul.u32 $0xA00, s7;
	[dreg:$0x7] =	wrdreg s12  }
0x11: {  	s29 =	sshll.u32 s7, $0xC;
	[dreg:$0x10] =	wrdreg s17;
	s19 =	smul.u32 $0x3D0A00, s7  }
0x12: {  	[dreg:$0x12] =	wrdreg s20;
	p0 =	seq.s32 @!p4 s4, $0x1;
	p2 =	seq.s32 @!p5 s4, $0x4  }
0x13: {  	s17 =	simm.s32 $0xC00;
	s20 =	simm.s32 $0x1400;
	[dreg:$0x9] =	wrdreg s0  }
0x14: {  	s5 =	simm.s32 $0x1380;
	s8 =	sor.u32 s10, s8;
	[dreg:$0xa] =	wrdreg s24  }
0x15: {  	s11 =	sshrl.u32 s23, $0x1;
	[dreg:$0xb] =	wrdreg s25;
	s14 =	sadd.s32 s13, s29  }
0x16: {  	s29 =	sor.u32 $0x80, s29;
	p1 =	por p0, p4;
	p3 =	por p2, p5  }
0x17: {  	p6 =	por !p0, p4;
	s10 =	simm.s32 $0x2;
	s8 =	sor.u32 s22, s8  }
0x18: {  	[dreg:$0xd] =	wrdreg s14;
	s0 =	sshrl.u32 s26, $0x3;
	s9 =	sadd.s32 s12, s31  }
0x19: {  	s22 =	sadd.s32 $0x3D000, s2;
	s26 =	sshll.u32 s7, $0x9;
	[dreg:$0x1a] =	wrdreg s29  }
0x1a: {  	s31 =	sor.u32 $0x1, s3;
	p1 =	seq.s32 @!p1 s4, $0x2;
	[dreg:$0xf] =	wrdreg s9  }
0x1b: {  	s7 =	simm.s32 $0x3;
	s8 =	sshrl.u32 s8, $0x3;
	[dreg:$0x14] =	wrdreg s22  }
0x1c: {  	s0 =	sadd.s32 s1, s0;
	[dreg:$0x1b] =	wrdreg s31;
	p0 =	por @!p4 !p1, p0  }
0x1d: {  	s18 =	sadd.s32 $0xB7000, s0;
	s21 =	sadd.s32 $0x7A000, s0;
	s0 =	sadd.s32 $0x3D000, s0  }
0x1e: {  	p1 =	seq.s32 @!p3 s4, $0x5;
	[dreg:$0x15] =	wrdreg s0;
	s0 =	sor.u32 $0x10, s26  }
0x1f: {  	s6 =	sadd.s32 s8, s6;
	[dreg:$0x19] =	wrdreg s0;
	s0 =	simm.s32 @!p6 $0x0  }
0x20: {  	s8 =	ssub.s32 s23, s11;
	p3 =	por p0, p4;
	s0 =	simm.s32 @p6 $0x1  }
0x21: {  	s11 =	sadd.s32 $0xF4280, s2;
	[smem:$0x7F4] =	sst s0;
	s0 =	simm.s32 @!p3 $0x0  }
0x22: {  	s3 =	simm.s32 $0x780;
	[dreg:$0xc] =	wrdreg s11;
	s0 =	simm.s32 @p3 $0x1  }
0x23: {  	s22 =	simm.s32 $0xB00;
	[smem:$0x7F5] =	sst s0;
	s0 =	simm.s32 @!p4 $0x0  }
0x24: {  	p0 =	por !p0, p4;
	[dreg:$0x11] =	wrdreg s18;
	s0 =	simm.s32 @p4 $0x1  }
0x25: {  	s9 =	simm.s32 $0x0;
	[smem:$0x7F6] =	sst s0;
	s0 =	simm.s32 @!p0 $0x0  }
0x26: {  	s0 =	simm.s32 @p0 $0x1;
	p0 =	por @!p5 !p1, p2;
	p1 =	por !p2, p5  }
0x27: {  	s23 =	sadd.s32 s1, s19;
	[smem:$0x7F7] =	sst s0;
	s0 =	simm.s32 @!p1 $0x0  }
0x28: {  	[dreg:$0x13] =	wrdreg s21;
	s0 =	simm.s32 @p1 $0x1;
	p1 =	por p0, p5  }
0x29: {  	s19 =	simm.s32 $0x1000;
	[smem:$0x7F8] =	sst s0;
	s0 =	simm.s32 @!p1 $0x0  }
0x2a: {  	[dreg:$0x16] =	wrdreg s23;
	s24 =	sadd.s32 $0x3800, s6;
	s0 =	simm.s32 @p1 $0x1  }
0x2b: {  	s25 =	smax.u32 s8, $0x1;
	[smem:$0x7F9] =	sst s0;
	s0 =	simm.s32 @!p5 $0x0  }
0x2c: {  	s8 =	simm.s32 $0x800;
	p0 =	por !p0, p5;
	s0 =	simm.s32 @p5 $0x1  }
0x2d: {  	s21 =	simm.s32 $0x1300;
	[smem:$0x7FA] =	sst s0;
	s0 =	simm.s32 @!p0 $0x0  }
0x2e: {  	s23 =	simm.s32 $0x1700;
	s0 =	simm.s32 @p0 $0x1;
	p0 =	sgt.s32 s4, $0x2  }
.Ltmp0:
0x2f: {  	[smem:$0x7FB] =	sst s0;
	s0 =	simm.s32 @!p0 $0x0;
	(pc) =	sbr.rel .LBB2_1-.Ltmp0, $4  }
0x30: {  	[dreg:$0x17] =	wrdreg s24;
	s0 =	simm.s32 @p0 $0x1;
	p0 =	sne.s32 s4, $0x0  }
0x31: {  	s26 =	simm.s32 $0xF80;
	[smem:$0x7FC] =	sst s0;
	s0 =	simm.s32 @!p0 $0x0  }
0x32: {  	s6 =	simm.s32 $0xB80;
	[dreg:$0x18] =	wrdreg s25;
	s0 =	simm.s32 @p0 $0x1  }
0x33: {  	v0 =	vimm.f32 $0.0e+00;
	s24 =	simm.s32 $0x380;
	s25 =	simm.s32 $0x1780;
	[smem:$0x7FD] =	sst s0  }
.LBB2_10:
0x34: {  	s0 =	rddreg [dreg:$0x17];
	s7 =	simm.s32 $0x1800  }
0x35: {  	[hbm4b:s0+s30] =	stream.strided.scatter [tilespmem:s7], [sflag:$0x3], $0x400, s28, s30, $0x38;
	[tilespmem:$0x11068] =	vst v63  }
0x36: {  	s7 =	simm.s32 $0x3  }
0x37: {  	_ =	swait.ge [sflag:s7], $0x400  }
0x38: {  	s9 =	rddreg [dreg:$0x1c]  }
0x39: {  	s31 =	rddreg [dreg:$0x18];
	s9 =	sadd.s32 $0x1, s9  }
0x3a: {  	p0 =	sne.s32 s9, s31  }
.Ltmp1:
0x3b: {  	_ = 	snop;
	(pc) =	sbr.rel @!p0 .LBB2_11-.Ltmp1, $3  }
0x3c: {  	_ =	sdelay $0x1  }
0x3d: {  	[sflag:s7] =	ssyncset.done $0x0  }
0x3e: {  	[sflag:s7] =	ssyncadd.s32 $0xFFFFFC00  }
.LBB2_1:
0x3f: {  	s0 =	rddreg [dreg:$0x9]  }
0x40: {  	[tilespmem:s15], [sflag:$0x3] =	stream.linear.gather [hbm4b:s0+s15], $0x400, $0x38;
	[tilespmem:$0x11068] =	vst v63  }
0x41: {  	_ =	swait.ge [sflag:s7], $0x400  }
0x42: {  	[sflag:s7] =	ssyncset.done $0x0  }
0x43: {  	s29 =	rddreg [dreg:$0xa];
	[sflag:s7] =	ssyncadd.s32 $0xFFFFFC00  }
0x44: {  	[tilespmem:s28], [sflag:$0x3] =	stream.linear.gather [hbm4b:s29+s15], $0x400, $0x38;
	[tilespmem:$0x11068] =	vst v63  }
0x45: {  	_ =	swait.ge [sflag:s7], $0x400  }
0x46: {  	[sflag:s7] =	ssyncset.done $0x0  }
0x47: {  	s31 =	rddreg [dreg:$0xb];
	[sflag:s7] =	ssyncadd.s32 $0xFFFFFC00  }
0x48: {  	[tilespmem:s8], [sflag:$0x3] =	stream.linear.gather [hbm4b:s31+s15], $0x400, $0x38;
	[tilespmem:$0x11068] =	vst v63  }
0x49: {  	_ =	swait.ge [sflag:s7], $0x400  }
0x4a: {  	[sflag:s7] =	ssyncset.done $0x0  }
0x4b: {  	s11 =	simm.s32 $0x0;
	s0 =	simm.s32 $0x40;
	[sflag:s7] =	ssyncadd.s32 $0xFFFFFC00  }
.LBB2_2:
0x4c: {  	p0 =	sne.s32 s0, $0xFC0;
	[tilespmem:s11+$0x1800] =	vst v0;
	s11 =	smov.u32 s0;
	s0 =	sadd.s32 $0x40, s0  }
.Ltmp2:
0x4d: {  	(pc) =	sbr.rel @p0 .LBB2_2-.Ltmp2, $2  }
0x4e: {  	_ =	sdelay $0x2  }
0x4f: {  	s11 =	sshra.s32 s11, $0x2  }
0x50: {  	s0 =	sld [smem:$0x7FC];
	_ =	sdelay $0x2  }
0x51: {  	p0 =	seq.s32 s0, $0x1  }
.Ltmp3:
0x52: {  	_ = 	snop;
	(pc) =	sbr.rel @p0 .LBB2_5-.Ltmp3, $2  }
0x53: {  	_ =	sdelay $0x2  }
0x54: {  	[dreg:$0x1c] =	wrdreg s9;
	[tilespmem:s11+$0x1800] =	vst v0  }
0x55: {  	s0 =	sld [smem:$0x7F6];
	_ =	sdelay $0x2  }
0x56: {  	p1 =	seq.s32 s0, $0x1  }
0x57: {  	s7 =	rddreg [dreg:$0x16];
	s0 =	sshrl.u32 @p1 s2, $0x3;
	s11 =	simm.s32 @p1 $0x1  }
0x58: {  	s12 =	simm.s32 @p1 $0x10;
	s13 =	simm.s32 @p1 $0x80;
	s14 =	simm.s32 @p1 $0x1C01  }
0x59: {  	[spmem:s0@s12], [sflag:s14] =	dma.strided @p1 [hbm:s7@s13], $0x7A00, s11, $0x10   }
0x5a: {  	s7 =	sld [smem:$0x7F4];
	_ =	sdelay $0x2  }
0x5b: {  	s0 =	rddreg [dreg:$0x14];
	p0 =	seq.s32 s7, $0x1  }
0x5c: {  	s7 =	rddreg [dreg:$0x15];
	s0 =	sshrl.u32 @!p0 s0, $0x3;
	s11 =	simm.s32 @!p0 $0x1  }
0x5d: {  	s12 =	simm.s32 @!p0 $0x10;
	s13 =	simm.s32 @!p0 $0x80;
	s14 =	simm.s32 @!p0 $0x1C41  }
0x5e: {  	[spmem:s0@s12], [sflag:s14] =	dma.strided @!p0 [hbm:s7@s13], $0x7A00, s11, $0x10   }
0x5f: {  	s7 =	sld [smem:$0x7F5];
	_ =	sdelay $0x2  }
0x60: {  	s0 =	rddreg [dreg:$0x12];
	p6 =	seq.s32 s7, $0x1  }
0x61: {  	s7 =	rddreg [dreg:$0x13];
	s0 =	sshrl.u32 @!p6 s0, $0x3;
	s11 =	simm.s32 @!p6 $0x1  }
0x62: {  	s12 =	simm.s32 @!p6 $0x10;
	s13 =	simm.s32 @!p6 $0x80;
	s14 =	simm.s32 @!p6 $0x1C81  }
0x63: {  	[spmem:s0@s12], [sflag:s14] =	dma.strided @!p6 [hbm:s7@s13], $0x7A00, s11, $0x10   }
0x64: {  	s0 =	sld [smem:$0x7F7];
	_ =	sdelay $0x2  }
0x65: {  	p3 =	por $0x0, $0x0;
	p4 =	por @!p6 $0x0, $0x0;
	p2 =	seq.s32 s0, $0x1  }
0x66: {  	p4 =	por @!p2 p3, p3  }
0x67: {  	s0 =	simm.s32 @!p4 $0x0  }
0x68: {  	s9 =	sld [smem:$0x7F7];
	s0 =	simm.s32 @p4 $0x1  }
0x69: {  	[smem:$0x7F3] =	sst s0  }
0x6a: {  	s11 =	sld [smem:$0x7F3]  }
0x6b: {  	p3 =	por @p1 $0x0, $0x0  }
0x6c: {  	p2 =	por @!p6 $0x1, $0x1;
	p1 =	por $0x0, $0x0;
	p6 =	seq.s32 s9, $0x1  }
0x6d: {  	p2 =	por @!p6 p1, p1;
	p1 =	por @!p0 $0x0, $0x0;
	p6 =	seq.s32 s11, $0x1  }
0x6e: {  	s12 =	sld [smem:$0x7F6];
	p6 =	por @!p0 p1, p1  }
0x6f: {  	s18 =	sld [smem:$0x7F6];
	s0 =	simm.s32 @!p6 $0x0  }
0x70: {  	s31 =	sld [smem:$0x7F6];
	s0 =	simm.s32 @p6 $0x1;
	p6 =	por @!p0 $0x0, $0x0  }
0x71: {  	[smem:$0x7F3] =	sst s0;
	p2 =	por @!p0 p6, p6  }
0x72: {  	s0 =	simm.s32 @!p2 $0x0;
	s13 =	sld [smem:$0x7F3]  }
0x73: {  	p1 =	por @!p0 $0x1, $0x1;
	s16 =	sld [smem:$0x7F3];
	s0 =	simm.s32 @p2 $0x1  }
0x74: {  	p4 =	por @!p0 p1, p1;
	p0 =	seq.s32 s12, $0x1;
	[smem:$0x7F2] =	sst s0  }
0x75: {  	p5 =	seq.s32 s18, $0x1;
	p6 =	por @p0 $0x0, $0x0;
	s14 =	sld [smem:$0x7F2]  }
0x76: {  	s29 =	sld [smem:$0x7F3];
	p2 =	por @p0 $0x0, $0x0;
	p6 =	por @!p0 p4, p4  }
.Ltmp4:
0x77: {  	p4 =	por p0, p0;
	p1 =	seq.s32 s13, $0x1;
	(pc) =	sbr.rel .LBB2_6-.Ltmp4, $4  }
0x78: {  	p0 =	por @p0 $0x0, $0x0;
	p2 =	por @!p4 p1, p1;
	p1 =	seq.s32 s14, $0x1  }
0x79: {  	p0 =	por @!p4 p1, p1;
	p4 =	por @p4 $0x0, $0x0;
	p1 =	seq.s32 s16, $0x1  }
0x7a: {  	p4 =	por @!p5 p1, p1;
	p1 =	seq.s32 s29, $0x1;
	p5 =	seq.s32 s31, $0x1  }
0x7b: {  	p3 =	por @!p5 p1, p1  }
.LBB2_5:
0x7c: {  	s7 =	sld [smem:$0x7FA];
	_ =	sdelay $0x2  }
0x7d: {  	s0 =	rddreg [dreg:$0x10];
	p1 =	seq.s32 s7, $0x1  }
0x7e: {  	s7 =	rddreg [dreg:$0x11];
	s0 =	sshrl.u32 @p1 s0, $0x3;
	s11 =	simm.s32 @p1 $0x1  }
0x7f: {  	s12 =	simm.s32 @p1 $0x10;
	s13 =	simm.s32 @p1 $0x80;
	s14 =	simm.s32 @p1 $0x1CC1  }
0x80: {  	[spmem:s0@s12], [sflag:s14] =	dma.strided @p1 [hbm:s7@s13], $0x7A00, s11, $0x10   }
0x81: {  	s7 =	sld [smem:$0x7F8];
	_ =	sdelay $0x2  }
0x82: {  	s0 =	rddreg [dreg:$0xe];
	p0 =	seq.s32 s7, $0x1  }
0x83: {  	s7 =	rddreg [dreg:$0xf];
	s0 =	sshrl.u32 @!p0 s0, $0x3;
	s11 =	simm.s32 @!p0 $0x1  }
0x84: {  	s12 =	simm.s32 @!p0 $0x10;
	s13 =	simm.s32 @!p0 $0x80;
	s14 =	simm.s32 @!p0 $0x1D01  }
0x85: {  	[spmem:s0@s12], [sflag:s14] =	dma.strided @!p0 [hbm:s7@s13], $0x50, s11, $0x10   }
0x86: {  	s7 =	sld [smem:$0x7F9];
	_ =	sdelay $0x1  }
0x87: {  	s0 =	rddreg [dreg:$0xc]  }
0x88: {  	p2 =	seq.s32 s7, $0x1;
	s7 =	rddreg [dreg:$0xd]  }
0x89: {  	s0 =	sshrl.u32 @!p2 s0, $0x3;
	s11 =	simm.s32 @!p2 $0x1;
	s12 =	simm.s32 @!p2 $0x10  }
0x8a: {  	s13 =	simm.s32 @!p2 $0x80;
	s14 =	simm.s32 @!p2 $0x1D41;
	p0 =	por @!p2 $0x1, $0x1  }
0x8b: {  	[spmem:s0@s12], [sflag:s14] =	dma.strided @!p2 [hbm:s7@s13], $0x80, s11, $0x10   }
0x8c: {  	s0 =	simm.s32 @!p0 $0x0;
	s29 =	sld [smem:$0x7FB]  }
0x8d: {  	p6 =	por @!p2 $0x0, $0x0;
	s0 =	simm.s32 @p0 $0x1;
	s31 =	sld [smem:$0x7FB]  }
0x8e: {  	p0 =	por p6, p6;
	[smem:$0x7EF] =	sst s0  }
0x8f: {  	p6 =	por $0x0, $0x0;
	s7 =	sld [smem:$0x7EF];
	p2 =	seq.s32 s29, $0x1  }
0x90: {  	p4 =	por @p1 $0x1, $0x1;
	p3 =	por @p1 $0x0, $0x0;
	p0 =	por @!p2 p6, p6  }
0x91: {  	p1 =	por $0x0, $0x0;
	p6 =	seq.s32 s31, $0x1;
	s0 =	simm.s32 @!p0 $0x0  }
0x92: {  	p2 =	por p0, p0;
	s0 =	simm.s32 @p0 $0x1;
	p0 =	seq.s32 s7, $0x1  }
0x93: {  	p0 =	por @!p6 p1, p1  }
0x94: {  	[smem:$0x7F1] =	sst s0;
	s0 =	simm.s32 @!p0 $0x0  }
0x95: {  	s9 =	sld [smem:$0x7F8];
	s0 =	simm.s32 @p0 $0x1  }
0x96: {  	[smem:$0x7EF] =	sst s0  }
0x97: {  	s11 =	sld [smem:$0x7EF];
	_ =	sdelay $0x1  }
0x98: {  	p0 =	seq.s32 s9, $0x1  }
0x99: {  	p6 =	por @!p0 $0x0, $0x0;
	p1 =	seq.s32 s11, $0x1  }
0x9a: {  	s13 =	sld [smem:$0x7F1];
	p1 =	por @!p0 p6, p6  }
0x9b: {  	s12 =	sld [smem:$0x7FA];
	s0 =	simm.s32 @!p1 $0x0  }
0x9c: {  	s14 =	sld [smem:$0x7FA];
	s0 =	simm.s32 @p1 $0x1;
	p1 =	por @!p0 $0x0, $0x0  }
0x9d: {  	s31 =	sld [smem:$0x7FA];
	p6 =	seq.s32 s13, $0x1;
	p2 =	por @!p0 p1, p1  }
0x9e: {  	[smem:$0x7EF] =	sst s0;
	p1 =	seq.s32 s12, $0x1;
	s0 =	simm.s32 @!p2 $0x0  }
0x9f: {  	s0 =	simm.s32 @p2 $0x1;
	p2 =	por @p1 $0x0, $0x0;
	p1 =	por @!p0 $0x1, $0x1  }
0xa0: {  	s16 =	sld [smem:$0x7EF];
	p6 =	por @!p0 p1, p1  }
0xa1: {  	[smem:$0x7F0] =	sst s0;
	s0 =	simm.s32 @!p6 $0x0  }
0xa2: {  	s18 =	sld [smem:$0x7F0];
	s0 =	simm.s32 @p6 $0x1  }
0xa3: {  	p0 =	seq.s32 s14, $0x1;
	p1 =	seq.s32 s16, $0x1;
	[smem:$0x7F1] =	sst s0  }
0xa4: {  	p2 =	por @!p0 p1, p1;
	s29 =	sld [smem:$0x7F1]  }
0xa5: {  	p1 =	por p0, p0;
	p6 =	por @p0 $0x0, $0x0;
	p5 =	seq.s32 s18, $0x1  }
0xa6: {  	p4 =	por @!p0 p5, p5;
	p6 =	por @!p0 p5, p5;
	p0 =	por @p0 $0x0, $0x0  }
0xa7: {  	p0 =	por @!p1 p5, p5;
	p5 =	seq.s32 s31, $0x1;
	p1 =	seq.s32 s29, $0x1  }
0xa8: {  	p3 =	por @!p5 p1, p1  }
.LBB2_6:
.Ltmp5:
0xa9: {  	(pc) =	sbr.rel .LBB2_7-.Ltmp5, $3  }
0xaa: {  	_ =	sdelay $0x1  }
0xab: {  	s14 =	rddreg [dreg:$0x1a]  }
0xac: {  	s12 =	simm.s32 $0x0;
	s16 =	rddreg [dreg:$0x19]  }
.LBB2_9:
0xad: {  	v56 =	vld [tilespmem:$0x1800]  }
0xae: {  	v19 =	vld [tilespmem:$0xC00]  }
0xaf: {  	v16 =	vld [tilespmem:$0x1400]  }
0xb0: {  	v29 =	vld [tilespmem:$0x1000]  }
0xb1: {  	v57 =	vld [tilespmem:$0x1810]  }
0xb2: {  	v13 =	vld [tilespmem:$0xC10]  }
0xb3: {  	v9 =	vld [tilespmem:$0x1410]  }
0xb4: {  	v26 =	vld [tilespmem:$0x1010]  }
0xb5: {  	v61 =	vld [tilespmem:$0x1820]  }
0xb6: {  	v10 =	vld [tilespmem:$0xC20]  }
0xb7: {  	v6 =	vld [tilespmem:$0x1420]  }
0xb8: {  	v22 =	vld [tilespmem:$0x1020]  }
0xb9: {  	v1 =	vld [tilespmem:$0x1830]  }
0xba: {  	v7 =	vld [tilespmem:$0xC30]  }
0xbb: {  	v23 =	vld [tilespmem:$0x1030]  }
0xbc: {  	v2 =	vld [tilespmem:$0x1840]  }
0xbd: {  	v8 =	vld [tilespmem:$0xC40]  }
0xbe: {  	v30 =	vld [tilespmem:$0x1040]  }
0xbf: {  	v3 =	vld [tilespmem:$0x1850]  }
0xc0: {  	v4 =	vld [tilespmem:$0xC50]  }
0xc1: {  	v31 =	vld [tilespmem:$0x1050]  }
0xc2: {  	v5 =	vld [tilespmem:$0x1860]  }
0xc3: {  	v11 =	vld [tilespmem:$0xC60]  }
0xc4: {  	v34 =	vld [tilespmem:$0x1060]  }
0xc5: {  	v12 =	vld [tilespmem:$0x1870]  }
0xc6: {  	v14 =	vld [tilespmem:$0xC70]  }
0xc7: {  	v37 =	vld [tilespmem:$0x1070]  }
0xc8: {  	v15 =	vld [tilespmem:$0x1880]  }
0xc9: {  	v17 =	vld [tilespmem:$0xC80]  }
0xca: {  	v40 =	vld [tilespmem:$0x1080]  }
0xcb: {  	v18 =	vld [tilespmem:$0x1890]  }
0xcc: {  	v20 =	vld [tilespmem:$0xC90]  }
0xcd: {  	v43 =	vld [tilespmem:$0x1090]  }
0xce: {  	v21 =	vld [tilespmem:$0x18A0]  }
0xcf: {  	v24 =	vld [tilespmem:$0xCA0]  }
0xd0: {  	v46 =	vld [tilespmem:$0x10A0]  }
0xd1: {  	v25 =	vld [tilespmem:$0x18B0]  }
0xd2: {  	v27 =	vld [tilespmem:$0xCB0]  }
0xd3: {  	v49 =	vld [tilespmem:$0x10B0]  }
0xd4: {  	v28 =	vld [tilespmem:$0x18C0]  }
0xd5: {  	v32 =	vld [tilespmem:$0xCC0]  }
0xd6: {  	v52 =	vld [tilespmem:$0x10C0]  }
0xd7: {  	v33 =	vld [tilespmem:$0x18D0]  }
0xd8: {  	v35 =	vld [tilespmem:$0xCD0]  }
0xd9: {  	v58 =	vld [tilespmem:$0x10D0]  }
0xda: {  	v36 =	vld [tilespmem:$0x18E0]  }
0xdb: {  	v38 =	vld [tilespmem:$0xCE0]  }
0xdc: {  	v62 =	vld [tilespmem:$0x10E0]  }
0xdd: {  	v39 =	vld [tilespmem:$0x18F0]  }
0xde: {  	v41 =	vld [tilespmem:$0xCF0]  }
0xdf: {  	v42 =	vld [tilespmem:$0x10F0]  }
0xe0: {  	v53 =	vld [tilespmem:$0x1900]  }
0xe1: {  	v44 =	vld [tilespmem:$0xD00]  }
0xe2: {  	v45 =	vld [tilespmem:$0x1100]  }
0xe3: {  	v54 =	vld [tilespmem:$0x1910];
	[tilespmem:$0x1F780] =	vst v1  }
0xe4: {  	v47 =	vld [tilespmem:$0xD10];
	[tilespmem:$0x1F790] =	vst v2  }
0xe5: {  	v48 =	vld [tilespmem:$0x1110];
	[tilespmem:$0x1F7A0] =	vst v3  }
0xe6: {  	v55 =	vld [tilespmem:$0x1920];
	[tilespmem:$0x1F7B0] =	vst v5  }
0xe7: {  	v1 =	vld [tilespmem:$0x1430];
	[tilespmem:$0x1F7C0] =	vst v12  }
0xe8: {  	v2 =	vld [tilespmem:$0x1440];
	[tilespmem:$0x1F7D0] =	vst v15  }
0xe9: {  	v3 =	vld [tilespmem:$0x1450];
	[tilespmem:$0x1F7E0] =	vst v18  }
0xea: {  	v5 =	vld [tilespmem:$0x1460];
	[tilespmem:$0x1F7F0] =	vst v21  }
0xeb: {  	v12 =	vld [tilespmem:$0x1470];
	[tilespmem:$0x1F800] =	vst v25  }
0xec: {  	v15 =	vld [tilespmem:$0x1480];
	[tilespmem:$0x1F810] =	vst v28  }
0xed: {  	v18 =	vld [tilespmem:$0x1490];
	[tilespmem:$0x1F820] =	vst v33  }
0xee: {  	v21 =	vld [tilespmem:$0x14A0];
	[tilespmem:$0x1F840] =	vst v36  }
0xef: {  	v25 =	vld [tilespmem:$0x14B0];
	[tilespmem:$0x1F860] =	vst v39  }
0xf0: {  	v28 =	vld [tilespmem:$0x14C0];
	[tilespmem:$0x1F830] =	vst v42  }
0xf1: {  	v33 =	vld [tilespmem:$0x14D0];
	[tilespmem:$0x1F880] =	vst v53  }
0xf2: {  	v36 =	vld [tilespmem:$0x14E0];
	[tilespmem:$0x1F850] =	vst v45  }
0xf3: {  	v39 =	vld [tilespmem:$0x14F0];
	[tilespmem:$0x1F8A0] =	vst v54  }
0xf4: {  	v42 =	vld [tilespmem:$0x1500];
	[tilespmem:$0x1F870] =	vst v48  }
0xf5: {  	v45 =	vld [tilespmem:$0x1510];
	[tilespmem:$0x1F8C0] =	vst v55  }
0xf6: {  	v50 =	vld [tilespmem:$0xD20]  }
0xf7: {  	v60 =	vld [tilespmem:$0x1940];
	_ =	sdelay $0x4  }
0xf8: {  	[tilespmem:$0x1F940] =	vst v60;
	v60 =	vld [tilespmem:$0x1150];
	_ =	sdelay $0x4  }
0xf9: {  	[tilespmem:$0x1F910] =	vst v60;
	v60 =	vld [tilespmem:$0x1960];
	_ =	sdelay $0x4  }
0xfa: {  	[tilespmem:$0x1F9C0] =	vst v60;
	v60 =	vld [tilespmem:$0xD60];
	_ =	sdelay $0x4  }
0xfb: {  	[tilespmem:$0x1F8E0] =	vst v60;
	v60 =	vld [tilespmem:$0x1560];
	_ =	sdelay $0x4  }
0xfc: {  	[tilespmem:$0x1F8F0] =	vst v60;
	v60 =	vld [tilespmem:$0x1160];
	_ =	sdelay $0x4  }
0xfd: {  	[tilespmem:$0x1F950] =	vst v60;
	v60 =	vld [tilespmem:$0x1970];
	_ =	sdelay $0x4  }
0xfe: {  	[tilespmem:$0x1FA00] =	vst v60;
	v60 =	vld [tilespmem:$0xD70];
	_ =	sdelay $0x4  }
0xff: {  	[tilespmem:$0x1F920] =	vst v60;
	v60 =	vld [tilespmem:$0x1570];
	_ =	sdelay $0x4  }
0x100: {  	[tilespmem:$0x1F930] =	vst v60;
	v60 =	vld [tilespmem:$0x1170];
	_ =	sdelay $0x4  }
0x101: {  	[tilespmem:$0x1F990] =	vst v60;
	v60 =	vld [tilespmem:$0x1980];
	_ =	sdelay $0x4  }
0x102: {  	[tilespmem:$0x1FA40] =	vst v60;
	v60 =	vld [tilespmem:$0xD80];
	_ =	sdelay $0x4  }
0x103: {  	[tilespmem:$0x1F960] =	vst v60;
	v60 =	vld [tilespmem:$0x1580];
	_ =	sdelay $0x4  }
0x104: {  	[tilespmem:$0x1F970] =	vst v60;
	v60 =	vld [tilespmem:$0x1180];
	_ =	sdelay $0x4  }
0x105: {  	[tilespmem:$0x1F9D0] =	vst v60;
	v60 =	vld [tilespmem:$0x1990];
	_ =	sdelay $0x4  }
0x106: {  	[tilespmem:$0x1FA80] =	vst v60;
	v60 =	vld [tilespmem:$0xD90];
	_ =	sdelay $0x4  }
0x107: {  	[tilespmem:$0x1F9A0] =	vst v60;
	v60 =	vld [tilespmem:$0x1590];
	_ =	sdelay $0x4  }
0x108: {  	[tilespmem:$0x1F9B0] =	vst v60;
	v60 =	vld [tilespmem:$0x1190];
	_ =	sdelay $0x4  }
0x109: {  	[tilespmem:$0x1FA10] =	vst v60;
	v60 =	vld [tilespmem:$0x19A0];
	_ =	sdelay $0x4  }
0x10a: {  	[tilespmem:$0x1FAC0] =	vst v60;
	v60 =	vld [tilespmem:$0xDA0];
	_ =	sdelay $0x4  }
0x10b: {  	[tilespmem:$0x1F9E0] =	vst v60;
	v60 =	vld [tilespmem:$0x15A0];
	_ =	sdelay $0x4  }
0x10c: {  	[tilespmem:$0x1F9F0] =	vst v60;
	v60 =	vld [tilespmem:$0x11A0];
	_ =	sdelay $0x4  }
0x10d: {  	[tilespmem:$0x1FA50] =	vst v60;
	v60 =	vld [tilespmem:$0x19B0];
	_ =	sdelay $0x4  }
0x10e: {  	[tilespmem:$0x1FB00] =	vst v60;
	v60 =	vld [tilespmem:$0xDB0];
	_ =	sdelay $0x4  }
0x10f: {  	[tilespmem:$0x1FA20] =	vst v60;
	v60 =	vld [tilespmem:$0x15B0];
	_ =	sdelay $0x4  }
0x110: {  	[tilespmem:$0x1FA30] =	vst v60;
	v60 =	vld [tilespmem:$0x11B0];
	_ =	sdelay $0x4  }
0x111: {  	[tilespmem:$0x1FA90] =	vst v60;
	v60 =	vld [tilespmem:$0x19C0];
	_ =	sdelay $0x4  }
0x112: {  	[tilespmem:$0x1FB40] =	vst v60;
	v60 =	vld [tilespmem:$0xDC0];
	_ =	sdelay $0x4  }
0x113: {  	[tilespmem:$0x1FA60] =	vst v60;
	v60 =	vld [tilespmem:$0x15C0];
	_ =	sdelay $0x4  }
0x114: {  	[tilespmem:$0x1FA70] =	vst v60;
	v60 =	vld [tilespmem:$0x11C0];
	_ =	sdelay $0x4  }
0x115: {  	[tilespmem:$0x1FAD0] =	vst v60;
	v60 =	vld [tilespmem:$0x19D0];
	_ =	sdelay $0x4  }
0x116: {  	[tilespmem:$0x1FB80] =	vst v60;
	v60 =	vld [tilespmem:$0xDD0];
	_ =	sdelay $0x4  }
0x117: {  	[tilespmem:$0x1FAA0] =	vst v60;
	v60 =	vld [tilespmem:$0x15D0];
	_ =	sdelay $0x4  }
0x118: {  	[tilespmem:$0x1FAB0] =	vst v60;
	v60 =	vld [tilespmem:$0x11D0];
	_ =	sdelay $0x4  }
0x119: {  	[tilespmem:$0x1FB10] =	vst v60;
	v60 =	vld [tilespmem:$0x19E0];
	_ =	sdelay $0x4  }
0x11a: {  	[tilespmem:$0x1FBC0] =	vst v60;
	v60 =	vld [tilespmem:$0xDE0];
	_ =	sdelay $0x4  }
0x11b: {  	[tilespmem:$0x1FAE0] =	vst v60;
	v60 =	vld [tilespmem:$0x15E0];
	_ =	sdelay $0x4  }
0x11c: {  	[tilespmem:$0x1FAF0] =	vst v60;
	v60 =	vld [tilespmem:$0x11E0];
	_ =	sdelay $0x4  }
0x11d: {  	[tilespmem:$0x1FB50] =	vst v60;
	v60 =	vld [tilespmem:$0x19F0];
	_ =	sdelay $0x4  }
0x11e: {  	[tilespmem:$0x1FC00] =	vst v60;
	v60 =	vld [tilespmem:$0xDF0];
	_ =	sdelay $0x4  }
0x11f: {  	[tilespmem:$0x1FB20] =	vst v60;
	v60 =	vld [tilespmem:$0x15F0];
	_ =	sdelay $0x4  }
0x120: {  	[tilespmem:$0x1FB30] =	vst v60;
	v60 =	vld [tilespmem:$0x11F0];
	_ =	sdelay $0x4  }
0x121: {  	[tilespmem:$0x1FB90] =	vst v60;
	v60 =	vld [tilespmem:$0x1A00];
	_ =	sdelay $0x4  }
0x122: {  	[tilespmem:$0x1FC40] =	vst v60;
	v60 =	vld [tilespmem:$0xE00];
	_ =	sdelay $0x4  }
0x123: {  	[tilespmem:$0x1FB60] =	vst v60;
	v60 =	vld [tilespmem:$0x1600];
	_ =	sdelay $0x4  }
0x124: {  	[tilespmem:$0x1FB70] =	vst v60;
	v60 =	vld [tilespmem:$0x1200];
	_ =	sdelay $0x4  }
0x125: {  	[tilespmem:$0x1FBD0] =	vst v60;
	v60 =	vld [tilespmem:$0x1A10];
	_ =	sdelay $0x4  }
0x126: {  	[tilespmem:$0x1FC80] =	vst v60;
	v60 =	vld [tilespmem:$0xE10];
	_ =	sdelay $0x4  }
0x127: {  	[tilespmem:$0x1FBA0] =	vst v60;
	v60 =	vld [tilespmem:$0x1610];
	_ =	sdelay $0x4  }
0x128: {  	[tilespmem:$0x1FBB0] =	vst v60;
	v60 =	vld [tilespmem:$0x1210];
	_ =	sdelay $0x4  }
0x129: {  	[tilespmem:$0x1FC10] =	vst v60;
	v60 =	vld [tilespmem:$0x1A20];
	_ =	sdelay $0x4  }
0x12a: {  	[tilespmem:$0x1FCC0] =	vst v60;
	v60 =	vld [tilespmem:$0xE20];
	_ =	sdelay $0x4  }
0x12b: {  	[tilespmem:$0x1FBE0] =	vst v60;
	v60 =	vld [tilespmem:$0x1620];
	_ =	sdelay $0x4  }
0x12c: {  	[tilespmem:$0x1FBF0] =	vst v60;
	v60 =	vld [tilespmem:$0x1220];
	_ =	sdelay $0x4  }
0x12d: {  	[tilespmem:$0x1FC50] =	vst v60;
	v60 =	vld [tilespmem:$0x1A30];
	_ =	sdelay $0x4  }
0x12e: {  	[tilespmem:$0x1FD00] =	vst v60;
	v60 =	vld [tilespmem:$0xE30];
	_ =	sdelay $0x4  }
0x12f: {  	[tilespmem:$0x1FC20] =	vst v60;
	v60 =	vld [tilespmem:$0x1630];
	_ =	sdelay $0x4  }
0x130: {  	[tilespmem:$0x1FC30] =	vst v60;
	v60 =	vld [tilespmem:$0x1230];
	_ =	sdelay $0x4  }
0x131: {  	[tilespmem:$0x1FC90] =	vst v60;
	v60 =	vld [tilespmem:$0x1A40];
	_ =	sdelay $0x4  }
0x132: {  	[tilespmem:$0x1FD40] =	vst v60;
	v60 =	vld [tilespmem:$0xE40];
	_ =	sdelay $0x4  }
0x133: {  	[tilespmem:$0x1FC60] =	vst v60;
	v60 =	vld [tilespmem:$0x1640];
	_ =	sdelay $0x1  }
0x134: {  	v48 =	vld [tilespmem:$0x1520]  }
0x135: {  	v51 =	vld [tilespmem:$0x1120]  }
0x136: {  	v59 =	vld [tilespmem:$0x1930]  }
0x137: {  	[tilespmem:$0x1FC70] =	vst v60;
	v60 =	vld [tilespmem:$0x1240]  }
0x138: {  	v53 =	vld [tilespmem:$0xD30]  }
0x139: {  	v54 =	vld [tilespmem:$0x1130]  }
0x13a: {  	v55 =	vld [tilespmem:$0x1140]  }
0x13b: {  	v63 =	vld [tilespmem:$0x1950]  }
0x13c: {  	[tilespmem:$0x1FCD0] =	vst v60;
	v60 =	vld [tilespmem:$0x1A50]  }
0x13d: {  	v16 =	vmul.f32 v16, v19;
	v19 =	vld [tilespmem:$0x1700]  }
0x13e: {  	v9 =	vmul.f32 v9, v13;
	v6 =	vmul.f32 v6, v10;
	v13 =	vld [tilespmem:$0x1F780]  }
0x13f: {  	v29 =	vmul.f32 v29, v16;
	v16 =	vld [tilespmem:$0x1300]  }
0x140: {  	v9 =	vmul.f32 v26, v9;
	v6 =	vmul.f32 v22, v6;
	v26 =	vld [tilespmem:$0xF10]  }
0x141: {  	[tilespmem:$0x1FD80] =	vst v60;
	v60 =	vld [tilespmem:$0xE50]  }
0x142: {  	v10 =	vadd.f32 v6, v61;
	v61 =	vld [tilespmem:$0x1F840]  }
0x143: {  	v2 =	vmul.f32 v2, v8;
	v8 =	vld [tilespmem:$0xF20]  }
0x144: {  	v1 =	vmul.f32 v1, v7;
	v7 =	vld [tilespmem:$0x1320]  }
0x145: {  	v22 =	vmul.f32 v18, v20;
	v20 =	vld [tilespmem:$0x1F850]  }
0x146: {  	[tilespmem:$0x1FCA0] =	vst v60;
	v60 =	vld [tilespmem:$0x1650]  }
0x147: {  	[tilespmem:$0x1F890] =	vst v51;
	v51 =	vld [tilespmem:$0x1530]  }
0x148: {  	[tilespmem:$0x1F900] =	vst v59;
	v59 =	vld [tilespmem:$0xD40]  }
0x149: {  	[tilespmem:$0x1F8B0] =	vst v54;
	v54 =	vld [tilespmem:$0x1540]  }
0x14a: {  	[tilespmem:$0x1F980] =	vst v63;
	v63 =	vld [tilespmem:$0xD50]  }
0x14b: {  	[tilespmem:$0x1FCB0] =	vst v60;
	v60 =	vld [tilespmem:$0x1250]  }
0x14c: {  	[tilespmem:$0x1F8D0] =	vst v55;
	v55 =	vld [tilespmem:$0x1550]  }
0x14d: {  	[tilespmem:$0x1FF70] =	vst v19;
	v19 =	vadd.f32 v29, v56;
	v29 =	vadd.f32 v9, v57;
	v9 =	vld [tilespmem:$0x1710]  }
0x14e: {  	v57 =	vld [tilespmem:$0x1310]  }
0x14f: {  	v56 =	vld [tilespmem:$0x1B20]  }
0x150: {  	[tilespmem:$0x1FD10] =	vst v60;
	v60 =	vld [tilespmem:$0x1A60]  }
0x151: {  	v3 =	vmul.f32 v3, v4;
	[tilespmem:$0x1FFD0] =	vst v16;
	v16 =	vld [tilespmem:$0x1F790]  }
0x152: {  	v5 =	vmul.f32 v5, v11;
	v1 =	vmul.f32 v23, v1;
	v23 =	vld [tilespmem:$0x1F7B0]  }
0x153: {  	v32 =	vmul.f32 v28, v32;
	v3 =	vmul.f32 v31, v3;
	v31 =	vld [tilespmem:$0x1F7D0]  }
0x154: {  	v5 =	vmul.f32 v34, v5;
	v34 =	vmul.f32 v33, v35;
	v35 =	vld [tilespmem:$0x1F7F0]  }
0x155: {  	[tilespmem:$0x1FDC0] =	vst v60;
	v60 =	vld [tilespmem:$0xE60]  }
0x156: {  	v11 =	vmul.f32 v52, v32;
	v52 =	vld [tilespmem:$0x1F830]  }
0x157: {  	v6 =	vmul.f32 v43, v22;
	v22 =	vld [tilespmem:$0x1F860]  }
0x158: {  	v2 =	vmul.f32 v30, v2;
	v30 =	vmul.f32 v25, v27;
	v25 =	vld [tilespmem:$0x1F880]  }
0x159: {  	v33 =	vld [tilespmem:$0x1F8C0]  }
0x15a: {  	[tilespmem:$0x1FCE0] =	vst v60;
	v60 =	vld [tilespmem:$0x1660]  }
0x15b: {  	v14 =	vmul.f32 v12, v14;
	[tilespmem:$0x1820] =	vst v10;
	v10 =	vmul.f32 v49, v30;
	v49 =	vld [tilespmem:$0x1F820]  }
0x15c: {  	[tilespmem:$0x1800] =	vst v19;
	v19 =	vmul.f32 v15, v17;
	v12 =	vmul.f32 v58, v34;
	v34 =	vld [tilespmem:$0x1F8D0]  }
0x15d: {  	[tilespmem:$0x1FFA0] =	vst v26;
	v58 =	vmul.f32 v45, v47;
	v47 =	vld [tilespmem:$0x1F980]  }
0x15e: {  	[tilespmem:$0x1810] =	vst v29;
	v1 =	vadd.f32 v1, v13;
	v26 =	vmul.f32 v40, v19;
	v40 =	vmul.f32 v39, v41;
	v41 =	vld [tilespmem:$0x1F810]  }
0x15f: {  	v29 =	vmul.f32 v21, v24;
	[tilespmem:$0x1FCF0] =	vst v60;
	v60 =	vld [tilespmem:$0x1260]  }
0x160: {  	[tilespmem:$0x1830] =	vst v1;
	v1 =	vld [tilespmem:$0x1F7A0]  }
0x161: {  	[tilespmem:$0x1FFB0] =	vst v9;
	v9 =	vmul.f32 v46, v29;
	v29 =	vld [tilespmem:$0x1F8A0]  }
0x162: {  	v4 =	vadd.f32 v2, v16;
	v2 =	vld [tilespmem:$0x1720]  }
0x163: {  	v46 =	vmul.f32 v42, v44;
	v39 =	vld [tilespmem:$0x1F910]  }
0x164: {  	[tilespmem:$0x1FD50] =	vst v60;
	v60 =	vld [tilespmem:$0x1A70]  }
0x165: {  	v13 =	vmul.f32 v20, v46;
	v20 =	vld [tilespmem:$0x1760]  }
0x166: {  	[tilespmem:$0x1840] =	vst v4;
	v4 =	vadd.f32 v5, v23;
	v23 =	vld [tilespmem:$0x1F870]  }
0x167: {  	v5 =	vadd.f32 v26, v31;
	v26 =	vld [tilespmem:$0x1F890]  }
0x168: {  	v9 =	vadd.f32 v9, v35;
	v31 =	vld [tilespmem:$0x1F8B0]  }
0x169: {  	[tilespmem:$0x1FE00] =	vst v60;
	v60 =	vld [tilespmem:$0xE70]  }
0x16a: {  	v15 =	vmul.f32 v52, v40;
	[tilespmem:$0x18A0] =	vst v9;
	v9 =	vadd.f32 v11, v41;
	v11 =	vld [tilespmem:$0x1340]  }
0x16b: {  	[tilespmem:$0x1860] =	vst v4;
	v4 =	vld [tilespmem:$0xF30]  }
0x16c: {  	v15 =	vadd.f32 v15, v22;
	[tilespmem:$0x1880] =	vst v5;
	v5 =	vld [tilespmem:$0x1330]  }
0x16d: {  	v1 =	vadd.f32 v3, v1;
	v3 =	vmul.f32 v37, v14;
	v14 =	vadd.f32 v12, v49;
	v12 =	vld [tilespmem:$0x1740]  }
0x16e: {  	[tilespmem:$0x1FD20] =	vst v60;
	v60 =	vld [tilespmem:$0x1670]  }
0x16f: {  	v13 =	vadd.f32 v13, v25;
	[tilespmem:$0x18F0] =	vst v15;
	v15 =	vld [tilespmem:$0x1350]  }
0x170: {  	[tilespmem:$0x18C0] =	vst v9;
	v9 =	vld [tilespmem:$0x1B50]  }
0x171: {  	[tilespmem:$0x1900] =	vst v13;
	v13 =	vld [tilespmem:$0x1B60]  }
0x172: {  	[tilespmem:$0x1850] =	vst v1;
	v1 =	vld [tilespmem:$0x1F7C0]  }
0x173: {  	[tilespmem:$0x1FD30] =	vst v60;
	v60 =	vld [tilespmem:$0x1270]  }
0x174: {  	v24 =	vmul.f32 v51, v53;
	v53 =	vld [tilespmem:$0x1F9C0]  }
0x175: {  	v37 =	vmul.f32 v36, v38;
	v2 =	vmul.f32 v2, v8;
	v8 =	vld [tilespmem:$0x13C0]  }
0x176: {  	[tilespmem:$0x18D0] =	vst v14;
	v14 =	vld [tilespmem:$0xF50]  }
0x177: {  	v43 =	vmul.f32 v62, v37;
	v19 =	vmul.f32 v31, v24;
	v24 =	vld [tilespmem:$0x1770]  }
0x178: {  	v1 =	vadd.f32 v3, v1;
	[tilespmem:$0x1FD90] =	vst v60;
	v60 =	vld [tilespmem:$0x1A80]  }
0x179: {  	v21 =	vmul.f32 v48, v50;
	v16 =	vmul.f32 v23, v58;
	v62 =	vadd.f32 v43, v61;
	v43 =	vld [tilespmem:$0x1F940]  }
0x17a: {  	[tilespmem:$0x1870] =	vst v1;
	v1 =	vld [tilespmem:$0x1F7E0]  }
0x17b: {  	v28 =	vmul.f32 v54, v59;
	v27 =	vmul.f32 v26, v21;
	v30 =	vadd.f32 v16, v29;
	v16 =	vld [tilespmem:$0x1750]  }
0x17c: {  	v35 =	vld [tilespmem:$0x1F8E0]  }
0x17d: {  	v18 =	vmul.f32 v34, v28;
	v17 =	vadd.f32 v27, v33;
	[tilespmem:$0x1FE40] =	vst v60;
	v60 =	vld [tilespmem:$0xE80]  }
0x17e: {  	v3 =	vld [tilespmem:$0x1B30]  }
0x17f: {  	[tilespmem:$0x1920] =	vst v17;
	v17 =	vadd.f32 v18, v43;
	v18 =	vld [tilespmem:$0xF60];
	v1 =	vadd.f32 v6, v1  }
0x180: {  	v36 =	vld [tilespmem:$0x1F8F0]  }
0x181: {  	[tilespmem:$0x1890] =	vst v1;
	v1 =	vld [tilespmem:$0x1F800]  }
0x182: {  	[tilespmem:$0x1FD60] =	vst v60;
	v60 =	vld [tilespmem:$0x1680]  }
0x183: {  	[tilespmem:$0x1940] =	vst v17;
	v17 =	vld [tilespmem:$0x1B70]  }
0x184: {  	v6 =	vld [tilespmem:$0x1730]  }
0x185: {  	v44 =	vld [tilespmem:$0x1F950]  }
0x186: {  	v38 =	vadd.f32 v10, v1;
	v1 =	vld [tilespmem:$0x1B40]  }
0x187: {  	[tilespmem:$0x1FD70] =	vst v60;
	v60 =	vld [tilespmem:$0x1280]  }
0x188: {  	v10 =	vld [tilespmem:$0xF40]  }
0x189: {  	v61 =	vld [tilespmem:$0x1FA00]  }
0x18a: {  	[tilespmem:$0x18B0] =	vst v38;
	v38 =	vld [tilespmem:$0x1F900]  }
0x18b: {  	v41 =	vld [tilespmem:$0x1F920]  }
0x18c: {  	[tilespmem:$0x1FDD0] =	vst v60;
	v60 =	vld [tilespmem:$0x1A90]  }
0x18d: {  	v42 =	vld [tilespmem:$0x1F930]  }
0x18e: {  	v49 =	vld [tilespmem:$0x1F990]  }
0x18f: {  	v45 =	vld [tilespmem:$0x1F960]  }
0x190: {  	v46 =	vld [tilespmem:$0x1F970]  }
0x191: {  	[tilespmem:$0x1FE80] =	vst v60;
	v60 =	vld [tilespmem:$0xE90]  }
0x192: {  	[tilespmem:$0x1910] =	vst v30;
	v37 =	vmul.f32 v36, v35;
	v30 =	vld [tilespmem:$0x1FA40]  }
0x193: {  	v54 =	vld [tilespmem:$0x1F9D0]  }
0x194: {  	v22 =	vmul.f32 v44, v37;
	v50 =	vld [tilespmem:$0x1F9A0]  }
0x195: {  	v51 =	vld [tilespmem:$0x1F9B0]  }
0x196: {  	v22 =	vadd.f32 v22, v53;
	v23 =	vmul.f32 v46, v45;
	[tilespmem:$0x1FDA0] =	vst v60;
	v60 =	vld [tilespmem:$0x1690]  }
0x197: {  	[tilespmem:$0x18E0] =	vst v62;
	v62 =	vld [tilespmem:$0x1FA10]  }
0x198: {  	[tilespmem:$0x1960] =	vst v22;
	v22 =	vld [tilespmem:$0xF70];
	v19 =	vadd.f32 v19, v38;
	v21 =	vmul.f32 v42, v41;
	v23 =	vmul.f32 v54, v23  }
0x199: {  	v34 =	vld [tilespmem:$0x1FA80]  }
0x19a: {  	[tilespmem:$0x1930] =	vst v19;
	v19 =	vld [tilespmem:$0x1360];
	v21 =	vmul.f32 v49, v21;
	v23 =	vadd.f32 v23, v30;
	v52 =	vmul.f32 v51, v50  }
0x19b: {  	[tilespmem:$0x1FDB0] =	vst v60;
	v60 =	vld [tilespmem:$0x1290]  }
0x19c: {  	v32 =	vmul.f32 v55, v63;
	v21 =	vadd.f32 v21, v61;
	[tilespmem:$0x1980] =	vst v23;
	v23 =	vld [tilespmem:$0x1370];
	v63 =	vmul.f32 v62, v52  }
0x19d: {  	v38 =	vld [tilespmem:$0x1FAC0]  }
0x19e: {  	[tilespmem:$0x1970] =	vst v21;
	v21 =	vadd.f32 v63, v34;
	v34 =	vld [tilespmem:$0x1B90]  }
0x19f: {  	v55 =	vld [tilespmem:$0x1F9E0]  }
0x1a0: {  	[tilespmem:$0x1FE10] =	vst v60;
	v60 =	vld [tilespmem:$0x1AA0]  }
0x1a1: {  	v58 =	vld [tilespmem:$0x1F9F0]  }
0x1a2: {  	v31 =	vld [tilespmem:$0x1FA50]  }
0x1a3: {  	v28 =	vld [tilespmem:$0x1FA20]  }
0x1a4: {  	v29 =	vld [tilespmem:$0x1FA30]  }
0x1a5: {  	[tilespmem:$0x1FEC0] =	vst v60;
	v60 =	vld [tilespmem:$0xEA0]  }
0x1a6: {  	[tilespmem:$0x1990] =	vst v21;
	v21 =	vld [tilespmem:$0x1B80]  }
0x1a7: {  	v59 =	vmul.f32 v58, v55;
	v35 =	vld [tilespmem:$0x1FA90]  }
0x1a8: {  	v42 =	vld [tilespmem:$0x1FB00]  }
0x1a9: {  	v26 =	vmul.f32 v31, v59;
	v31 =	vld [tilespmem:$0xF80]  }
0x1aa: {  	v25 =	vmul.f32 v29, v28;
	[tilespmem:$0x1FDE0] =	vst v60;
	v60 =	vld [tilespmem:$0x16A0]  }
0x1ab: {  	v46 =	vld [tilespmem:$0x1FB40]  }
0x1ac: {  	v25 =	vmul.f32 v35, v25;
	v35 =	vld [tilespmem:$0xF90]  }
0x1ad: {  	v40 =	vmul.f32 v39, v32;
	v32 =	vld [tilespmem:$0x1FA60]  }
0x1ae: {  	v33 =	vld [tilespmem:$0x1FA70]  }
0x1af: {  	[tilespmem:$0x1FDF0] =	vst v60;
	v60 =	vld [tilespmem:$0x12A0]  }
0x1b0: {  	v39 =	vld [tilespmem:$0x1FAD0]  }
0x1b1: {  	v50 =	vld [tilespmem:$0x1FB80]  }
0x1b2: {  	v36 =	vld [tilespmem:$0x1FAA0]  }
0x1b3: {  	v37 =	vld [tilespmem:$0x1FAB0]  }
0x1b4: {  	[tilespmem:$0x1FE50] =	vst v60;
	v60 =	vld [tilespmem:$0x1AB0]  }
0x1b5: {  	v43 =	vld [tilespmem:$0x1FB10]  }
0x1b6: {  	v54 =	vld [tilespmem:$0x1FBC0]  }
0x1b7: {  	v48 =	vadd.f32 v40, v47;
	v40 =	vld [tilespmem:$0x1FAE0]  }
0x1b8: {  	v41 =	vld [tilespmem:$0x1FAF0]  }
0x1b9: {  	[tilespmem:$0x1FF00] =	vst v60;
	v60 =	vld [tilespmem:$0xEB0]  }
0x1ba: {  	v47 =	vld [tilespmem:$0x1FB50]  }
0x1bb: {  	v61 =	vld [tilespmem:$0x1FC00]  }
0x1bc: {  	v44 =	vld [tilespmem:$0x1FB20]  }
0x1bd: {  	v45 =	vld [tilespmem:$0x1FB30]  }
0x1be: {  	[tilespmem:$0x1FE20] =	vst v60;
	v60 =	vld [tilespmem:$0x16B0]  }
0x1bf: {  	v51 =	vld [tilespmem:$0x1FB90]  }
0x1c0: {  	v28 =	vmul.f32 v37, v36;
	v37 =	vld [tilespmem:$0x1FC40]  }
0x1c1: {  	[tilespmem:$0x1950] =	vst v48;
	v48 =	vld [tilespmem:$0x1FB60]  }
0x1c2: {  	v49 =	vld [tilespmem:$0x1FB70]  }
0x1c3: {  	[tilespmem:$0x1FE30] =	vst v60;
	v60 =	vld [tilespmem:$0x12B0]  }
0x1c4: {  	v27 =	vmul.f32 v33, v32;
	v55 =	vld [tilespmem:$0x1FBD0]  }
0x1c5: {  	v26 =	vadd.f32 v26, v38;
	v52 =	vld [tilespmem:$0x1FBA0]  }
0x1c6: {  	v27 =	vmul.f32 v39, v27;
	v29 =	vmul.f32 v41, v40;
	v53 =	vld [tilespmem:$0x1FBB0]  }
0x1c7: {  	[tilespmem:$0x19A0] =	vst v26;
	v25 =	vadd.f32 v25, v42;
	v28 =	vmul.f32 v43, v28;
	v62 =	vld [tilespmem:$0x1FC10]  }
0x1c8: {  	v26 =	vadd.f32 v27, v46;
	v27 =	vmul.f32 v47, v29;
	v29 =	vmul.f32 v49, v48;
	[tilespmem:$0x1FE90] =	vst v60;
	v60 =	vld [tilespmem:$0x1AC0]  }
0x1c9: {  	[tilespmem:$0x19B0] =	vst v25;
	v32 =	vld [tilespmem:$0x1780];
	v25 =	vadd.f32 v28, v50;
	v30 =	vmul.f32 v45, v44  }
0x1ca: {  	[tilespmem:$0x19C0] =	vst v26;
	v26 =	vadd.f32 v27, v54;
	v27 =	vmul.f32 v55, v29;
	v41 =	vld [tilespmem:$0x1FC80]  }
0x1cb: {  	v33 =	vld [tilespmem:$0x1380];
	[tilespmem:$0x19D0] =	vst v25;
	v28 =	vmul.f32 v51, v30;
	v30 =	vmul.f32 v53, v52  }
0x1cc: {  	[tilespmem:$0x19E0] =	vst v26;
	v26 =	vadd.f32 v27, v37;
	v37 =	vld [tilespmem:$0x1390]  }
0x1cd: {  	v25 =	vadd.f32 v28, v61;
	v28 =	vmul.f32 v62, v30;
	[tilespmem:$0x1FF40] =	vst v60;
	v60 =	vld [tilespmem:$0xEC0]  }
0x1ce: {  	v45 =	vld [tilespmem:$0x1FCC0]  }
0x1cf: {  	[tilespmem:$0x19F0] =	vst v25;
	v25 =	vadd.f32 v28, v41;
	v41 =	vld [tilespmem:$0x13A0]  }
0x1d0: {  	v58 =	vld [tilespmem:$0x1FBE0]  }
0x1d1: {  	v59 =	vld [tilespmem:$0x1FBF0]  }
0x1d2: {  	[tilespmem:$0x1FE60] =	vst v60;
	v60 =	vld [tilespmem:$0x16C0]  }
0x1d3: {  	v38 =	vld [tilespmem:$0x1FC50]  }
0x1d4: {  	v63 =	vld [tilespmem:$0x1FC20]  }
0x1d5: {  	v36 =	vld [tilespmem:$0x1FC30]  }
0x1d6: {  	v29 =	vmul.f32 v59, v58;
	v49 =	vld [tilespmem:$0x1FD00]  }
0x1d7: {  	[tilespmem:$0x1FE70] =	vst v60;
	v60 =	vld [tilespmem:$0x12C0]  }
0x1d8: {  	v27 =	vmul.f32 v38, v29;
	v38 =	vld [tilespmem:$0x1BA0]  }
0x1d9: {  	v42 =	vld [tilespmem:$0x1FC90]  }
0x1da: {  	v30 =	vmul.f32 v36, v63;
	v36 =	vld [tilespmem:$0x1790]  }
0x1db: {  	v39 =	vld [tilespmem:$0x1FC60]  }
0x1dc: {  	[tilespmem:$0x1FED0] =	vst v60;
	v60 =	vld [tilespmem:$0x1AD0]  }
0x1dd: {  	v40 =	vld [tilespmem:$0x1FC70]  }
0x1de: {  	v53 =	vld [tilespmem:$0x1FD40]  }
0x1df: {  	v35 =	vmul.f32 v36, v35;
	v36 =	vld [tilespmem:$0xFF0]  }
0x1e0: {  	v46 =	vld [tilespmem:$0x1FCD0]  }
0x1e1: {  	[tilespmem:$0x1FF80] =	vst v60;
	v60 =	vld [tilespmem:$0xED0]  }
0x1e2: {  	v29 =	vmul.f32 v40, v39;
	v39 =	vld [tilespmem:$0xFA0]  }
0x1e3: {  	v40 =	vld [tilespmem:$0x17A0]  }
0x1e4: {  	v59 =	vld [tilespmem:$0x1FD80]  }
0x1e5: {  	v43 =	vld [tilespmem:$0x1FCA0]  }
0x1e6: {  	[tilespmem:$0x1FEA0] =	vst v60;
	v60 =	vld [tilespmem:$0x16D0]  }
0x1e7: {  	v44 =	vld [tilespmem:$0x1FCB0]  }
0x1e8: {  	v50 =	vld [tilespmem:$0x1FD10]  }
0x1e9: {  	v28 =	vmul.f32 v42, v30;
	v42 =	vld [tilespmem:$0x1FDC0]  }
0x1ea: {  	v47 =	vld [tilespmem:$0x1FCE0]  }
0x1eb: {  	[tilespmem:$0x1FEB0] =	vst v60;
	v60 =	vld [tilespmem:$0x12D0]  }
0x1ec: {  	v48 =	vld [tilespmem:$0x1FCF0]  }
0x1ed: {  	v54 =	vld [tilespmem:$0x1FD50]  }
0x1ee: {  	v51 =	vld [tilespmem:$0x1FD20]  }
0x1ef: {  	v52 =	vld [tilespmem:$0x1FD30]  }
0x1f0: {  	[tilespmem:$0x1FF10] =	vst v60;
	v60 =	vld [tilespmem:$0x1AE0]  }
0x1f1: {  	[tilespmem:$0x1A00] =	vst v26;
	v26 =	vadd.f32 v27, v45;
	v27 =	vmul.f32 v46, v29;
	v46 =	vld [tilespmem:$0x1FE00]  }
0x1f2: {  	v30 =	vmul.f32 v44, v43;
	v61 =	vld [tilespmem:$0x1FD90]  }
0x1f3: {  	[tilespmem:$0x1A10] =	vst v25;
	v29 =	vmul.f32 v48, v47;
	v55 =	vld [tilespmem:$0x1FD60]  }
0x1f4: {  	[tilespmem:$0x1A20] =	vst v26;
	v25 =	vadd.f32 v28, v49;
	v28 =	vmul.f32 v50, v30;
	v58 =	vld [tilespmem:$0x1FD70]  }
0x1f5: {  	v26 =	vadd.f32 v27, v53;
	v27 =	vmul.f32 v54, v29;
	v30 =	vmul.f32 v52, v51;
	[tilespmem:$0x1FFC0] =	vst v60;
	v60 =	vld [tilespmem:$0xEE0]  }
0x1f6: {  	[tilespmem:$0x1A30] =	vst v25;
	v43 =	vld [tilespmem:$0x1FDD0]  }
0x1f7: {  	[tilespmem:$0x1A40] =	vst v26;
	v25 =	vadd.f32 v28, v59;
	v26 =	vadd.f32 v27, v42;
	v42 =	vld [tilespmem:$0x1BB0];
	v28 =	vmul.f32 v61, v30  }
0x1f8: {  	v50 =	vld [tilespmem:$0x1FE40]  }
0x1f9: {  	[tilespmem:$0x1A50] =	vst v25;
	v25 =	vadd.f32 v28, v46;
	v46 =	vld [tilespmem:$0x1BC0];
	v29 =	vmul.f32 v58, v55  }
0x1fa: {  	[tilespmem:$0x1FEE0] =	vst v60;
	v60 =	vld [tilespmem:$0x16E0]  }
0x1fb: {  	v27 =	vmul.f32 v43, v29;
	v43 =	vld [tilespmem:$0xFB0]  }
0x1fc: {  	v54 =	vld [tilespmem:$0x1FE80]  }
0x1fd: {  	v62 =	vld [tilespmem:$0x1FDA0]  }
0x1fe: {  	v63 =	vld [tilespmem:$0x1FDB0]  }
0x1ff: {  	[tilespmem:$0x1FEF0] =	vst v60;
	v60 =	vld [tilespmem:$0x12E0]  }
0x200: {  	v47 =	vld [tilespmem:$0x1FE10]  }
0x201: {  	v44 =	vld [tilespmem:$0x1FDE0]  }
0x202: {  	v45 =	vld [tilespmem:$0x1FDF0]  }
0x203: {  	v30 =	vmul.f32 v63, v62;
	v61 =	vld [tilespmem:$0x1FEC0]  }
0x204: {  	[tilespmem:$0x1FF50] =	vst v60;
	v60 =	vld [tilespmem:$0x1AF0]  }
0x205: {  	v28 =	vmul.f32 v47, v30;
	v47 =	vld [tilespmem:$0xFC0]  }
0x206: {  	v51 =	vld [tilespmem:$0x1FE50]  }
0x207: {  	v29 =	vmul.f32 v45, v44;
	v44 =	vld [tilespmem:$0x17B0]  }
0x208: {  	v45 =	vld [tilespmem:$0x13B0]  }
0x209: {  	[tilespmem:$0x1FFE0] =	vst v60;
	v60 =	vld [tilespmem:$0xEF0]  }
0x20a: {  	v48 =	vld [tilespmem:$0x1FE20]  }
0x20b: {  	v49 =	vld [tilespmem:$0x1FE30]  }
0x20c: {  	v55 =	vld [tilespmem:$0x1FE90]  }
0x20d: {  	v52 =	vld [tilespmem:$0x1FE60]  }
0x20e: {  	[tilespmem:$0x1FF20] =	vst v60;
	v60 =	vld [tilespmem:$0x16F0]  }
0x20f: {  	v53 =	vld [tilespmem:$0x1FE70]  }
0x210: {  	v30 =	vmul.f32 v49, v48;
	v49 =	vld [tilespmem:$0x1FF00]  }
0x211: {  	v62 =	vld [tilespmem:$0x1FED0]  }
0x212: {  	v58 =	vld [tilespmem:$0x1FEA0]  }
0x213: {  	[tilespmem:$0x1FF30] =	vst v60;
	v60 =	vld [tilespmem:$0x12F0]  }
0x214: {  	[tilespmem:$0x1A60] =	vst v26;
	v26 =	vadd.f32 v27, v50;
	v27 =	vmul.f32 v51, v29;
	v29 =	vmul.f32 v53, v52;
	v59 =	vld [tilespmem:$0x1FEB0]  }
0x215: {  	v53 =	vld [tilespmem:$0x1FF40]  }
0x216: {  	[tilespmem:$0x1A80] =	vst v26;
	v26 =	vadd.f32 v27, v61;
	v27 =	vmul.f32 v62, v29;
	v62 =	vld [tilespmem:$0x1FFA0]  }
0x217: {  	v50 =	vld [tilespmem:$0x1FF10]  }
0x218: {  	[tilespmem:$0x1FF90] =	vst v60;
	v60 =	vld [tilespmem:$0x1B00]  }
0x219: {  	[tilespmem:$0x1A70] =	vst v25;
	v25 =	vadd.f32 v28, v54;
	v28 =	vmul.f32 v55, v30;
	v30 =	vmul.f32 v59, v58;
	v58 =	vld [tilespmem:$0x1FF70]  }
0x21a: {  	v59 =	vld [tilespmem:$0x1FF80]  }
0x21b: {  	v63 =	vld [tilespmem:$0x1FEE0]  }
0x21c: {  	v48 =	vld [tilespmem:$0x1FEF0]  }
0x21d: {  	[tilespmem:$0x1FFF0] =	vst v60;
	v60 =	vld [tilespmem:$0xF00]  }
0x21e: {  	v54 =	vld [tilespmem:$0x1FF50]  }
0x21f: {  	v51 =	vld [tilespmem:$0x1FF20]  }
0x220: {  	v52 =	vld [tilespmem:$0x1FF30]  }
0x221: {  	v29 =	vmul.f32 v48, v63;
	v63 =	vld [tilespmem:$0x1FFB0]  }
0x222: {  	v61 =	vld [tilespmem:$0x1FF90];
	[tilespmem:$0x1FF60] =	vst v60  }
0x223: {  	v55 =	vld [tilespmem:$0x1FF60]  }
0x224: {  	v2 =	vmul.f32 v7, v2;
	[tilespmem:$0x1AA0] =	vst v26;
	v26 =	vadd.f32 v27, v53;
	v27 =	vmul.f32 v54, v29;
	v54 =	vld [tilespmem:$0x1FFE0]  }
0x225: {  	[tilespmem:$0x1A90] =	vst v25;
	v25 =	vadd.f32 v28, v49;
	v53 =	vld [tilespmem:$0x1FFD0];
	v28 =	vmul.f32 v50, v30;
	v30 =	vmul.f32 v52, v51  }
0x226: {  	v2 =	vadd.f32 v2, v56;
	v4 =	vmul.f32 v6, v4;
	v52 =	vld [tilespmem:$0x1FFC0]  }
0x227: {  	[tilespmem:$0x1AB0] =	vst v25;
	v25 =	vadd.f32 v28, v59;
	v28 =	vmul.f32 v61, v30;
	v30 =	vmul.f32 v63, v62;
	v60 =	vld [tilespmem:$0x1B10]  }
0x228: {  	[tilespmem:$0x1B20] =	vst v2;
	v4 =	vmul.f32 v5, v4;
	v50 =	vld [tilespmem:$0x17F0];
	v29 =	vmul.f32 v58, v55  }
0x229: {  	[tilespmem:$0x1AD0] =	vst v25;
	v25 =	vadd.f32 v28, v54;
	v55 =	vmul.f32 v57, v30;
	v57 =	vld [tilespmem:$0x1FFF0];
	v58 =	vmul.f32 v12, v10  }
0x22a: {  	v3 =	vadd.f32 v4, v3;
	[tilespmem:$0x1AC0] =	vst v26;
	v59 =	vld [tilespmem:$0xFD0]  }
0x22b: {  	v48 =	vld [tilespmem:$0x17C0];
	v26 =	vadd.f32 v27, v52;
	[tilespmem:$0x1AF0] =	vst v25;
	v25 =	vmul.f32 v20, v18;
	v7 =	vmul.f32 v11, v58  }
0x22c: {  	[tilespmem:$0x1B30] =	vst v3;
	v62 =	vmul.f32 v16, v14;
	v63 =	vld [tilespmem:$0x17D0];
	v27 =	vmul.f32 v53, v29;
	v61 =	vadd.f32 v55, v60  }
0x22d: {  	[tilespmem:$0x1AE0] =	vst v26;
	v2 =	vmul.f32 v19, v25;
	v30 =	vmul.f32 v32, v31;
	v31 =	vld [tilespmem:$0x17E0];
	v1 =	vadd.f32 v7, v1  }
0x22e: {  	v28 =	vmul.f32 v24, v22;
	v29 =	vld [tilespmem:$0xFE0];
	[tilespmem:$0x1B10] =	vst v61;
	v26 =	vadd.f32 v27, v57;
	v27 =	vmul.f32 v15, v62  }
0x22f: {  	v49 =	vmul.f32 v40, v39;
	v53 =	vld [tilespmem:$0x13E0];
	[tilespmem:$0x1B40] =	vst v1;
	v1 =	vadd.f32 v2, v13;
	v2 =	vmul.f32 v33, v30  }
0x230: {  	v51 =	vmul.f32 v37, v35;
	v32 =	vmul.f32 v23, v28;
	v55 =	vld [tilespmem:$0x13F0];
	[tilespmem:$0x1B00] =	vst v26;
	v3 =	vadd.f32 v27, v9  }
0x231: {  	v54 =	vmul.f32 v48, v47;
	v58 =	vld [tilespmem:$0x1BE0];
	[tilespmem:$0x1B60] =	vst v1;
	v1 =	vadd.f32 v2, v21;
	v2 =	vmul.f32 v41, v49  }
0x232: {  	v52 =	vmul.f32 v44, v43;
	v57 =	vmul.f32 v63, v59;
	v26 =	vld [tilespmem:$0x13D0];
	[tilespmem:$0x1B50] =	vst v3;
	v3 =	vadd.f32 v32, v17  }
0x233: {  	v60 =	vld [tilespmem:$0x1BF0];
	v59 =	vmul.f32 v31, v29;
	[tilespmem:$0x1B80] =	vst v1;
	v1 =	vadd.f32 v2, v38;
	v2 =	vmul.f32 v8, v54  }
0x234: {  	v6 =	vld [tilespmem:$0x1BD0];
	v56 =	vmul.f32 v45, v52;
	v62 =	vmul.f32 v50, v36;
	[tilespmem:$0x1B70] =	vst v3;
	v3 =	vadd.f32 v51, v34  }
0x235: {  	s12 =	sadd.s32 $0x1, s12;
	[tilespmem:$0x1BA0] =	vst v1;
	v1 =	vadd.f32 v2, v46;
	v2 =	vmul.f32 v53, v59  }
0x236: {  	p1 =	sne.s32 s12, $0x20;
	v63 =	vmul.f32 v55, v62;
	[tilespmem:$0x1B90] =	vst v3;
	v3 =	vadd.f32 v56, v42  }
.Ltmp6:
0x237: {  	v61 =	vmul.f32 v26, v57;
	[tilespmem:$0x1BC0] =	vst v1;
	v1 =	vadd.f32 v2, v58;
	(pc) =	sbr.rel @!p1 .LBB2_10-.Ltmp6, $4  }
0x238: {  	v2 =	vadd.f32 v63, v60;
	[tilespmem:$0x1BB0] =	vst v3  }
0x239: {  	v3 =	vadd.f32 v61, v6;
	[tilespmem:$0x1BE0] =	vst v1  }
0x23a: {  	[tilespmem:$0x1BF0] =	vst v2  }
0x23b: {  	s16 =	sadd.s32 $0x10, s16;
	s14 =	sadd.s32 $0x80, s14;
	[tilespmem:$0x1BD0] =	vst v3  }
.LBB2_7:
0x23c: {  	s0 =	sld [smem:$0x7FD];
	_ =	sdelay $0x2  }
0x23d: {  	p1 =	seq.s32 s0, $0x1  }
0x23e: {  	s13 =	simm.s32 @!p1 $0x1  }
0x23f: {  	_ =	swait.ge @!p1 [sflag:s13], $0x7A00  }
0x240: {  	[sflag:s13] =	ssyncset.done @!p1 $0x0  }
0x241: {  	s11 =	simm.s32 @p6 $0x1;
	[sflag:s13] =	ssyncadd.s32 @!p1 $0xFFFF8600  }
0x242: {  	_ =	swait.ge @p6 [sflag:s11], $0x7A00  }
0x243: {  	[sflag:s11] =	ssyncset.done @p6 $0x0  }
0x244: {  	s29 =	simm.s32 @p0 $0x1;
	[sflag:s11] =	ssyncadd.s32 @p6 $0xFFFF8600  }
0x245: {  	_ =	swait.ge @p0 [sflag:s29], $0x7A00  }
0x246: {  	[sflag:s29] =	ssyncset.done @p0 $0x0  }
0x247: {  	s0 =	simm.s32 @p4 $0x1;
	[sflag:s29] =	ssyncadd.s32 @p0 $0xFFFF8600  }
0x248: {  	_ =	swait.ge @p4 [sflag:s0], $0x7A00  }
0x249: {  	[sflag:s0] =	ssyncset.done @p4 $0x0  }
0x24a: {  	s31 =	simm.s32 @p3 $0x1;
	[sflag:s0] =	ssyncadd.s32 @p4 $0xFFFF8600  }
0x24b: {  	_ =	swait.ge @p3 [sflag:s31], $0x50  }
0x24c: {  	[sflag:s31] =	ssyncset.done @p3 $0x0  }
0x24d: {  	s18 =	simm.s32 @p2 $0x1;
	[sflag:s31] =	ssyncadd.s32 @p3 $0xFFFFFFB0  }
0x24e: {  	_ =	swait.ge @p2 [sflag:s18], $0x80  }
0x24f: {  	[sflag:s18] =	ssyncset.done @p2 $0x0  }
0x250: {  	[sflag:s18] =	ssyncadd.s32 @p2 $0xFFFFFF80  }
0x251: {  	[bflag:$0x0] =	sbarrier.arrive $0xFFFF  }
0x252: {  	[tilespmem:s17], [sflag:$0x2] =	stream.indirect.gather [spmem:s2], $0x1, s15, s30, $0xb8;
	[tilespmem:$0x11068] =	vst v63  }
0x253: {  	_ = 	snop  }
0x254: {  	[tilespmem:s19], [sflag:$0x2] =	stream.indirect.gather [spmem:s2], $0x1, s28, s30, $0xb8;
	[tilespmem:$0x11068] =	vst v63  }
0x255: {  	_ = 	snop  }
0x256: {  	[tilespmem:s20], [sflag:$0x2] =	stream.indirect.gather [spmem:s2], $0x1, s8, s30, $0xb8;
	[tilespmem:$0x11068] =	vst v63  }
0x257: {  	s7 =	simm.s32 $0xC80  }
0x258: {  	[tilespmem:s7], [sflag:$0x2] =	stream.indirect.gather [spmem:s2], $0x1, s30, s30, $0xb8;
	[tilespmem:$0x11068] =	vst v63  }
0x259: {  	s9 =	simm.s32 $0x1080;
	s7 =	simm.s32 $0x480  }
0x25a: {  	[tilespmem:s9], [sflag:$0x2] =	stream.indirect.gather [spmem:s2], $0x1, s7, s30, $0xb8;
	[tilespmem:$0x11068] =	vst v63  }
0x25b: {  	s7 =	simm.s32 $0x880;
	s9 =	simm.s32 $0x1480  }
0x25c: {  	[tilespmem:s9], [sflag:$0x2] =	stream.indirect.gather [spmem:s2], $0x1, s7, s30, $0xb8;
	[tilespmem:$0x11068] =	vst v63  }
0x25d: {  	s7 =	simm.s32 $0x100;
	s9 =	simm.s32 $0xD00  }
0x25e: {  	[tilespmem:s9], [sflag:$0x2] =	stream.indirect.gather [spmem:s2], $0x1, s7, s30, $0xb8;
	[tilespmem:$0x11068] =	vst v63  }
0x25f: {  	s7 =	simm.s32 $0x500;
	s9 =	simm.s32 $0x1100  }
0x260: {  	[tilespmem:s9], [sflag:$0x2] =	stream.indirect.gather [spmem:s2], $0x1, s7, s30, $0xb8;
	[tilespmem:$0x11068] =	vst v63  }
0x261: {  	s7 =	simm.s32 $0x900;
	s9 =	simm.s32 $0x1500  }
0x262: {  	[tilespmem:s9], [sflag:$0x2] =	stream.indirect.gather [spmem:s2], $0x1, s7, s30, $0xb8;
	[tilespmem:$0x11068] =	vst v63  }
0x263: {  	s7 =	simm.s32 $0x180;
	s9 =	simm.s32 $0xD80  }
0x264: {  	[tilespmem:s9], [sflag:$0x2] =	stream.indirect.gather [spmem:s2], $0x1, s7, s30, $0xb8;
	[tilespmem:$0x11068] =	vst v63  }
0x265: {  	s7 =	simm.s32 $0x580;
	s9 =	simm.s32 $0x1180  }
0x266: {  	[tilespmem:s9], [sflag:$0x2] =	stream.indirect.gather [spmem:s2], $0x1, s7, s30, $0xb8;
	[tilespmem:$0x11068] =	vst v63  }
0x267: {  	s7 =	simm.s32 $0x980;
	s9 =	simm.s32 $0x1580  }
0x268: {  	[tilespmem:s9], [sflag:$0x2] =	stream.indirect.gather [spmem:s2], $0x1, s7, s30, $0xb8;
	[tilespmem:$0x11068] =	vst v63  }
0x269: {  	s7 =	simm.s32 $0x200;
	s9 =	simm.s32 $0xE00  }
0x26a: {  	[tilespmem:s9], [sflag:$0x2] =	stream.indirect.gather [spmem:s2], $0x1, s7, s30, $0xb8;
	[tilespmem:$0x11068] =	vst v63  }
0x26b: {  	s7 =	simm.s32 $0x600;
	s9 =	simm.s32 $0x1200  }
0x26c: {  	[tilespmem:s9], [sflag:$0x2] =	stream.indirect.gather [spmem:s2], $0x1, s7, s30, $0xb8;
	[tilespmem:$0x11068] =	vst v63  }
0x26d: {  	s7 =	simm.s32 $0xA00;
	s9 =	simm.s32 $0x1600  }
0x26e: {  	[tilespmem:s9], [sflag:$0x2] =	stream.indirect.gather [spmem:s2], $0x1, s7, s30, $0xb8;
	[tilespmem:$0x11068] =	vst v63  }
0x26f: {  	s7 =	simm.s32 $0x280;
	s9 =	simm.s32 $0xE80  }
0x270: {  	[tilespmem:s9], [sflag:$0x2] =	stream.indirect.gather [spmem:s2], $0x1, s7, s30, $0xb8;
	[tilespmem:$0x11068] =	vst v63  }
0x271: {  	s7 =	simm.s32 $0x680;
	s9 =	simm.s32 $0x1280  }
0x272: {  	[tilespmem:s9], [sflag:$0x2] =	stream.indirect.gather [spmem:s2], $0x1, s7, s30, $0xb8;
	[tilespmem:$0x11068] =	vst v63  }
0x273: {  	s7 =	simm.s32 $0xA80;
	s9 =	simm.s32 $0x1680  }
0x274: {  	[tilespmem:s9], [sflag:$0x2] =	stream.indirect.gather [spmem:s2], $0x1, s7, s30, $0xb8;
	[tilespmem:$0x11068] =	vst v63  }
0x275: {  	s7 =	simm.s32 $0x300;
	s9 =	simm.s32 $0xF00  }
0x276: {  	[tilespmem:s9], [sflag:$0x2] =	stream.indirect.gather [spmem:s2], $0x1, s7, s30, $0xb8;
	[tilespmem:$0x11068] =	vst v63  }
0x277: {  	s9 =	simm.s32 $0x700  }
0x278: {  	[tilespmem:s21], [sflag:$0x2] =	stream.indirect.gather [spmem:s2], $0x1, s9, s30, $0xb8;
	[tilespmem:$0x11068] =	vst v63  }
0x279: {  	_ = 	snop  }
0x27a: {  	[tilespmem:s23], [sflag:$0x2] =	stream.indirect.gather [spmem:s2], $0x1, s22, s30, $0xb8;
	[tilespmem:$0x11068] =	vst v63  }
0x27b: {  	_ = 	snop  }
0x27c: {  	[tilespmem:s26], [sflag:$0x2] =	stream.indirect.gather [spmem:s2], $0x1, s24, s30, $0xb8;
	[tilespmem:$0x11068] =	vst v63  }
0x27d: {  	_ = 	snop  }
0x27e: {  	[tilespmem:s5], [sflag:$0x2] =	stream.indirect.gather [spmem:s2], $0x1, s3, s30, $0xb8;
	[tilespmem:$0x11068] =	vst v63  }
0x27f: {  	_ = 	snop  }
0x280: {  	[tilespmem:s25], [sflag:$0x2] =	stream.indirect.gather [spmem:s2], $0x1, s6, s30, $0xb8;
	[tilespmem:$0x11068] =	vst v63  }
0x281: {  	_ =	swait.ge [sflag:s10], $0x80  }
0x282: {  	[sflag:s10] =	ssyncset.done $0x0  }
0x283: {  	[sflag:s10] =	ssyncadd.s32 $0xFFFFFF80  }
0x284: {  	_ =	swait.ge [sflag:s10], $0x80  }
0x285: {  	[sflag:s10] =	ssyncset.done $0x0  }
0x286: {  	[sflag:s10] =	ssyncadd.s32 $0xFFFFFF80  }
0x287: {  	_ =	swait.ge [sflag:s10], $0x80  }
0x288: {  	[sflag:s10] =	ssyncset.done $0x0  }
0x289: {  	[sflag:s10] =	ssyncadd.s32 $0xFFFFFF80  }
0x28a: {  	_ =	swait.ge [sflag:s10], $0x80  }
0x28b: {  	[sflag:s10] =	ssyncset.done $0x0  }
0x28c: {  	[sflag:s10] =	ssyncadd.s32 $0xFFFFFF80  }
0x28d: {  	_ =	swait.ge [sflag:s10], $0x80  }
0x28e: {  	[sflag:s10] =	ssyncset.done $0x0  }
0x28f: {  	[sflag:s10] =	ssyncadd.s32 $0xFFFFFF80  }
0x290: {  	_ =	swait.ge [sflag:s10], $0x80  }
0x291: {  	[sflag:s10] =	ssyncset.done $0x0  }
0x292: {  	[sflag:s10] =	ssyncadd.s32 $0xFFFFFF80  }
0x293: {  	_ =	swait.ge [sflag:s10], $0x80  }
0x294: {  	[sflag:s10] =	ssyncset.done $0x0  }
0x295: {  	[sflag:s10] =	ssyncadd.s32 $0xFFFFFF80  }
0x296: {  	_ =	swait.ge [sflag:s10], $0x80  }
0x297: {  	[sflag:s10] =	ssyncset.done $0x0  }
0x298: {  	[sflag:s10] =	ssyncadd.s32 $0xFFFFFF80  }
0x299: {  	_ =	swait.ge [sflag:s10], $0x80  }
0x29a: {  	[sflag:s10] =	ssyncset.done $0x0  }
0x29b: {  	[sflag:s10] =	ssyncadd.s32 $0xFFFFFF80  }
0x29c: {  	_ =	swait.ge [sflag:s10], $0x80  }
0x29d: {  	[sflag:s10] =	ssyncset.done $0x0  }
0x29e: {  	[sflag:s10] =	ssyncadd.s32 $0xFFFFFF80  }
0x29f: {  	_ =	swait.ge [sflag:s10], $0x80  }
0x2a0: {  	[sflag:s10] =	ssyncset.done $0x0  }
0x2a1: {  	[sflag:s10] =	ssyncadd.s32 $0xFFFFFF80  }
0x2a2: {  	_ =	swait.ge [sflag:s10], $0x80  }
0x2a3: {  	[sflag:s10] =	ssyncset.done $0x0  }
0x2a4: {  	[sflag:s10] =	ssyncadd.s32 $0xFFFFFF80  }
0x2a5: {  	_ =	swait.ge [sflag:s10], $0x80  }
0x2a6: {  	[sflag:s10] =	ssyncset.done $0x0  }
0x2a7: {  	[sflag:s10] =	ssyncadd.s32 $0xFFFFFF80  }
0x2a8: {  	_ =	swait.ge [sflag:s10], $0x80  }
0x2a9: {  	[sflag:s10] =	ssyncset.done $0x0  }
0x2aa: {  	[sflag:s10] =	ssyncadd.s32 $0xFFFFFF80  }
0x2ab: {  	_ =	swait.ge [sflag:s10], $0x80  }
0x2ac: {  	[sflag:s10] =	ssyncset.done $0x0  }
0x2ad: {  	[sflag:s10] =	ssyncadd.s32 $0xFFFFFF80  }
0x2ae: {  	_ =	swait.ge [sflag:s10], $0x80  }
0x2af: {  	[sflag:s10] =	ssyncset.done $0x0  }
0x2b0: {  	[sflag:s10] =	ssyncadd.s32 $0xFFFFFF80  }
0x2b1: {  	_ =	swait.ge [sflag:s10], $0x80  }
0x2b2: {  	[sflag:s10] =	ssyncset.done $0x0  }
0x2b3: {  	[sflag:s10] =	ssyncadd.s32 $0xFFFFFF80  }
0x2b4: {  	_ =	swait.ge [sflag:s10], $0x80  }
0x2b5: {  	[sflag:s10] =	ssyncset.done $0x0  }
0x2b6: {  	[sflag:s10] =	ssyncadd.s32 $0xFFFFFF80  }
0x2b7: {  	_ =	swait.ge [sflag:s10], $0x80  }
0x2b8: {  	[sflag:s10] =	ssyncset.done $0x0  }
0x2b9: {  	[sflag:s10] =	ssyncadd.s32 $0xFFFFFF80  }
0x2ba: {  	_ =	swait.ge [sflag:s10], $0x80  }
0x2bb: {  	[sflag:s10] =	ssyncset.done $0x0  }
0x2bc: {  	[sflag:s10] =	ssyncadd.s32 $0xFFFFFF80  }
0x2bd: {  	_ =	swait.ge [sflag:s10], $0x80  }
0x2be: {  	[sflag:s10] =	ssyncset.done $0x0  }
0x2bf: {  	[sflag:s10] =	ssyncadd.s32 $0xFFFFFF80  }
0x2c0: {  	_ =	swait.ge [sflag:s10], $0x80  }
0x2c1: {  	[sflag:s10] =	ssyncset.done $0x0  }
0x2c2: {  	[sflag:s10] =	ssyncadd.s32 $0xFFFFFF80  }
0x2c3: {  	_ =	swait.ge [sflag:s10], $0x80  }
0x2c4: {  	[sflag:s10] =	ssyncset.done $0x0  }
0x2c5: {  	p1 =	seq.s32 s12, $0x1F;
	[sflag:s10] =	ssyncadd.s32 $0xFFFFFF80  }
.Ltmp7:
0x2c6: {  	_ =	swait.ge [sflag:s10], $0x80;
	(pc) =	sbr.rel @p1 .LBB2_9-.Ltmp7, $3  }
0x2c7: {  	[sflag:s10] =	ssyncset.done $0x0  }
0x2c8: {  	[sflag:s10] =	ssyncadd.s32 $0xFFFFFF80  }
0x2c9: {  	[bflag:$0x0] =	sbarrier.arrive $0xFFFF;
	_ =	sdelay $0x1  }
0x2ca: {  	s20 =	sld [smem:$0x7FD];
	_ =	sdelay $0x1  }
0x2cb: {  	s7 =	rddreg [dreg:$0x1b]  }
0x2cc: {  	s15 =	sadd.s32 s12, s7;
	p1 =	seq.s32 s20, $0x1  }
0x2cd: {  	s17 =	sshrl.u32 @!p1 s15, $0x3  }
0x2ce: {  	s17 =	smul.u32 @!p1 $0x7A1400, s17  }
0x2cf: {  	s19 =	sand.u32 @!p1 $0x380, s14  }
0x2d0: {  	s17 =	sor.u32 @!p1 s19, s17  }
0x2d1: {  	s20 =	simm.s32 @!p1 $0x10;
	s7 =	simm.s32 @!p1 $0x80;
	s17 =	sshrl.u32 @!p1 s17, $0x3  }
0x2d2: {  	s8 =	simm.s32 @!p1 $0x1C01;
	s19 =	sshrl.u32 @!p1 s2, $0x3;
	s17 =	sadd.s32 @!p1 s1, s17  }
0x2d3: {  	[spmem:s19@s20], [sflag:s8] =	dma.strided @!p1 [hbm:s17@s7], $0x7A00, s13, $0x10   }
0x2d4: {  	s7 =	sshrl.u32 @p6 s15, $0x3  }
0x2d5: {  	s7 =	smul.u32 @p6 $0x7A1400, s7  }
0x2d6: {  	s8 =	sand.u32 @p6 $0x380, s14  }
0x2d7: {  	s7 =	sor.u32 @p6 s8, s7  }
0x2d8: {  	s17 =	simm.s32 @p6 $0x10;
	s19 =	simm.s32 @p6 $0x80;
	s7 =	sadd.s32 @p6 $0x1E8000, s7  }
0x2d9: {  	s13 =	rddreg [dreg:$0x14];
	s8 =	sshll.u32 @p6 s4, $0x6;
	s7 =	sshrl.u32 @p6 s7, $0x3  }
0x2da: {  	s13 =	sshrl.u32 @p6 s13, $0x3;
	s8 =	sor.u32 @p6 $0x1C01, s8;
	s7 =	sadd.s32 @p6 s1, s7  }
0x2db: {  	[spmem:s13@s17], [sflag:s8] =	dma.strided @p6 [hbm:s7@s19], $0x7A00, s11, $0x10   }
0x2dc: {  	s7 =	sshrl.u32 @p0 s15, $0x3  }
0x2dd: {  	s7 =	smul.u32 @p0 $0x7A1400, s7  }
0x2de: {  	s8 =	sand.u32 @p0 $0x380, s14  }
0x2df: {  	s7 =	sor.u32 @p0 s8, s7  }
0x2e0: {  	s13 =	simm.s32 @p0 $0x10;
	s17 =	simm.s32 @p0 $0x80;
	s7 =	sadd.s32 @p0 $0x3D0000, s7  }
0x2e1: {  	s11 =	rddreg [dreg:$0x12];
	s8 =	sshll.u32 @p0 s4, $0x6;
	s7 =	sshrl.u32 @p0 s7, $0x3  }
0x2e2: {  	s11 =	sshrl.u32 @p0 s11, $0x3;
	s8 =	sor.u32 @p0 $0x1C01, s8;
	s7 =	sadd.s32 @p0 s1, s7  }
0x2e3: {  	[spmem:s11@s13], [sflag:s8] =	dma.strided @p0 [hbm:s7@s17], $0x7A00, s29, $0x10   }
0x2e4: {  	s7 =	sshrl.u32 @p4 s15, $0x3  }
0x2e5: {  	s7 =	smul.u32 @p4 $0x7A1400, s7  }
0x2e6: {  	s8 =	sand.u32 @p4 $0x380, s14  }
0x2e7: {  	s7 =	sor.u32 @p4 s8, s7  }
0x2e8: {  	s13 =	simm.s32 @p4 $0x10;
	s17 =	simm.s32 @p4 $0x80;
	s7 =	sadd.s32 @p4 $0x5B8000, s7  }
0x2e9: {  	s11 =	rddreg [dreg:$0x10];
	s8 =	sshll.u32 @p4 s4, $0x6;
	s7 =	sshrl.u32 @p4 s7, $0x3  }
0x2ea: {  	s11 =	sshrl.u32 @p4 s11, $0x3;
	s8 =	sor.u32 @p4 $0x1C01, s8;
	s7 =	sadd.s32 @p4 s1, s7  }
0x2eb: {  	[spmem:s11@s13], [sflag:s8] =	dma.strided @p4 [hbm:s7@s17], $0x7A00, s0, $0x10   }
0x2ec: {  	s0 =	sshrl.u32 @p3 s15, $0x3  }
0x2ed: {  	s0 =	smul.u32 @p3 $0x1400, s0  }
0x2ee: {  	s7 =	sand.u32 @p3 $0x380, s14  }
0x2ef: {  	s20 =	simm.s32 $0x1400;
	s19 =	simm.s32 $0x1000;
	s0 =	sor.u32 @p3 s7, s0  }
0x2f0: {  	s11 =	simm.s32 @p3 $0x10;
	s8 =	rddreg [dreg:$0x7];
	s0 =	sshrl.u32 @p3 s0, $0x3  }
0x2f1: {  	s7 =	sshll.u32 @p3 s4, $0x6;
	s0 =	sadd.s32 @p3 s8, s0;
	s8 =	rddreg [dreg:$0xe]  }
0x2f2: {  	s13 =	simm.s32 @p3 $0x80;
	s7 =	sor.u32 @p3 $0x1C01, s7;
	s8 =	sshrl.u32 @p3 s8, $0x3  }
0x2f3: {  	[spmem:s8@s11], [sflag:s7] =	dma.strided @p3 [hbm:s0@s13], $0x50, s31, $0x10   }
0x2f4: {  	s0 =	sand.u32 @p2 $0x70, s16;
	s7 =	sand.u32 @p2 $0x3C00, s14;
	s8 =	rddreg [dreg:$0x8]  }
.Ltmp8:
0x2f5: {  	s0 =	sadd.s32 @p2 s8, s0;
	s8 =	sshll.u32 @p2 s4, $0x6;
	(pc) =	sbr.rel .LBB2_9-.Ltmp8, $4  }
0x2f6: {  	s0 =	sadd.s32 @p2 s7, s0;
	s7 =	sor.u32 @p2 $0x1C01, s8;
	s8 =	rddreg [dreg:$0xc]  }
0x2f7: {  	s11 =	simm.s32 @p2 $0x10;
	s13 =	simm.s32 @p2 $0x80;
	s8 =	sshrl.u32 @p2 s8, $0x3  }
0x2f8: {  	[spmem:s8@s11], [sflag:s7] =	dma.strided @p2 [hbm:s0@s13], $0x80, s18, $0x10   }
0x2f9: {  	s17 =	simm.s32 $0xC00;
	s15 =	simm.s32 $0x0;
	s8 =	simm.s32 $0x800  }
.LBB2_11:
0x2fa: {  	_ =	sfence.sel $0x180000  }
0x2fb: {  	[bflag:$0x0] =	sbarrier.arrive $0xFFFF  }
0x2fc: {  	_ =	strace $0x90000047  }
0x2fd: {  	[bflag:$0x2] =	sbarrier.arrive $0xFFFF  }
0x2fe: {  	s1 =	sld [smem:$0x7FD];
	_ =	sdelay $0x2  }
0x2ff: {  	s0 =	rddreg [dreg:$0x6];
	p0 =	seq.s32 s1, $0x1  }
0x300: {  	s0 =	sadd.s32 @!p0 $0x100000, s0  }
0x301: {  	[sflag:s0] =	ssyncadd.tile.s32 @!p0 $0x1;
	_ =	shalt  }
.Lfunc_end2:
_tile_overlayer_lowered:
.L_overlay_start_2:
0x302: {  	(tag) =	ssettag $0x2  }
0x303: {  	s0 =	rddreg [dreg:$0x0];
	s2 =	stileid.u32  }
0x304: {  	s1 =	rddreg [dreg:$0x1];
	p0 =	sne.s32 s2, $0x0  }
0x305: {  	s3 =	rddreg [dreg:$0x2];
	[bflag:$0x3] =	sbarrier.arrive $0xFFFF;
	s2 =	simm.s32 @!p0 $0x1C03  }
0x306: {  	[timem:s3], [sflag:s2] =	dma.local @!p0 [hbm:s0], s1  }
0x307: {  	s0 =	simm.s32 @!p0 $0x3  }
0x308: {  	_ =	swait.ge @!p0 [sflag:s0], s1  }
0x309: {  	s1 =	ssub.s32 @!p0 $0x0, s1;
	[sflag:s0] =	ssyncset.done @!p0 $0x0  }
0x30a: {  	[sflag:s0] =	ssyncadd.s32 @!p0 s1  }
0x30b: {  	[bflag:$0x3] =	sbarrier.arrive $0xFFFF  }
0x30c: {  	_ =	shalt  }

</sc_bundles>
